<compile_context>
chip_gen: v7x
topology: tpu7x:2x2x1
jax: 0.10.2.dev20260603
libtpu: 0.0.44.dev20260713+nightly
codegen_flags: <defaults>
</compile_context>

<pallas_src>
import functools

import jax
import jax.numpy as jnp
from jax import lax
from jax.experimental import pallas as pl
from jax.experimental.pallas import tpu as pltpu
from jax.experimental.pallas import tpu_sc as plsc

_DIM = 64
_MARGIN = 0.5
_NC = 2
_NS = 16
_NW = _NC * _NS
_L = 16
_IDXCH = 128


def _sc_call(B):
    bpw = B // _NW
    nch = bpw // _IDXCH
    mesh = plsc.VectorSubcoreMesh(core_axis_name="c", subcore_axis_name="s")

    @functools.partial(
        pl.kernel,
        mesh=mesh,
        compiler_params=pltpu.CompilerParams(
            needs_layout_passes=False, use_tc_tiling_on_sc=False),
        out_type=[
            jax.ShapeDtypeStruct((_NW, _L), jnp.float32),
            jax.ShapeDtypeStruct((_NW, _L), jnp.float32),
        ],
        scratch_types=[
            pltpu.VMEM((nch, _IDXCH), jnp.int32),
            pltpu.VMEM((nch, _IDXCH), jnp.int32),
            pltpu.VMEM((nch, _IDXCH), jnp.int32),
            pltpu.VMEM((bpw, _DIM), jnp.float32),
            pltpu.VMEM((bpw, _DIM), jnp.float32),
            pltpu.VMEM((bpw, _DIM), jnp.float32),
            pltpu.VMEM((bpw,), jnp.float32),
            pltpu.VMEM((bpw,), jnp.float32),
            pltpu.VMEM((_L,), jnp.float32),
            pltpu.VMEM((_L,), jnp.float32),
            pltpu.SemaphoreType.DMA,
        ],
    )
    def sc_kernel(uid_hbm, pid_hbm, nid_hbm, ut_hbm, it_hbm, bt_hbm,
                  loss_out, l2_out,
                  uid_v, pid_v, nid_v, u_v, p_v, n_v, pb_v, nb_v,
                  loss_st, l2_st, sem):
        wid = lax.axis_index("s") * _NC + lax.axis_index("c")
        pltpu.sync_copy(uid_hbm.at[pl.ds(wid * nch, nch)], uid_v)
        pltpu.sync_copy(pid_hbm.at[pl.ds(wid * nch, nch)], pid_v)
        pltpu.sync_copy(nid_hbm.at[pl.ds(wid * nch, nch)], nid_v)
        copies = []
        for k in range(nch):
            sl = pl.ds(k * _IDXCH, _IDXCH)
            copies.append(pltpu.async_copy(ut_hbm.at[uid_v.at[k]], u_v.at[sl], sem))
            copies.append(pltpu.async_copy(it_hbm.at[pid_v.at[k]], p_v.at[sl], sem))
            copies.append(pltpu.async_copy(it_hbm.at[nid_v.at[k]], n_v.at[sl], sem))
            copies.append(pltpu.async_copy(bt_hbm.at[pid_v.at[k]], pb_v.at[sl], sem))
            copies.append(pltpu.async_copy(bt_hbm.at[nid_v.at[k]], nb_v.at[sl], sem))
        for c in copies:
            c.wait()

        def body(g, carry):
            loss_acc, sq_vec = carry
            pb = pb_v[pl.ds(g * _L, _L)]
            nb = nb_v[pl.ds(g * _L, _L)]
            for r in range(_L):
                b = g * _L + r
                app = jnp.zeros((_L,), jnp.float32)
                ann = jnp.zeros((_L,), jnp.float32)
                for c in range(_DIM // _L):
                    u = u_v[b, pl.ds(c * _L, _L)]
                    p = p_v[b, pl.ds(c * _L, _L)]
                    n = n_v[b, pl.ds(c * _L, _L)]
                    dp = u - p
                    dn = u - n
                    app = app + dp * dp
                    ann = ann + dn * dn
                    sq_vec = sq_vec + u * u + p * p + n * n
                rp = jnp.sum(app)
                rn = jnp.sum(ann)
                diff = (rn - rp) + (pb[r] - nb[r])
                hinge = jnp.maximum(_MARGIN - diff, jnp.float32(0.0))
                loss_acc = loss_acc + hinge
            return loss_acc, sq_vec

        loss_acc, sq_vec = lax.fori_loop(
            0, bpw // _L, body,
            (jnp.float32(0.0), jnp.zeros((_L,), jnp.float32)))
        lane0 = lax.iota(jnp.int32, _L) == 0
        loss_st[...] = jnp.where(lane0, loss_acc, jnp.float32(0.0))
        l2_st[...] = 0.5 * sq_vec
        pltpu.sync_copy(loss_st, loss_out.at[wid])
        pltpu.sync_copy(l2_st, l2_out.at[wid])

    return sc_kernel


def kernel(user_id, p_item_id, n_item_id, user_table, item_table, item_bias_table):
    B = user_id.shape[0]
    call = _sc_call(B)
    uid = user_id.astype(jnp.int32).reshape(-1, _IDXCH)
    pid = p_item_id.astype(jnp.int32).reshape(-1, _IDXCH)
    nid = n_item_id.astype(jnp.int32).reshape(-1, _IDXCH)
    bias = item_bias_table.reshape(-1)
    loss_p, l2_p = call(uid, pid, nid, user_table, item_table, bias)
    return jnp.sum(loss_p), jnp.sum(l2_p)

# --- scband reference (transcript-rebuilt; emitter-appended) ---
"""Pipeline reference for scband-ucml-70643622085077 (READ-ONLY COPY).

The authoritative reference and input builder live on the scoring server;
editing this copy changes nothing except your own understanding.
"""

import jax, jax.numpy as jnp
import numpy as np

TOTAL_USERS = 1000000
TOTAL_ITEMS = 1000000
DIM = 64
BATCH = 16384
MARGIN = 0.5


def setup_inputs(seed: int = 0) -> dict:
    key = jax.random.key(seed)
    k1, k2, k3, k4, k5, k6 = jax.random.split(key, 6)
    user_id = jax.random.randint(k1, (BATCH,), 0, TOTAL_USERS, dtype=jnp.int64 if jax.config.jax_enable_x64 else jnp.int32)
    p_item_id = jax.random.randint(k2, (BATCH,), 0, TOTAL_ITEMS, dtype=jnp.int64 if jax.config.jax_enable_x64 else jnp.int32)
    n_item_id = jax.random.randint(k3, (BATCH,), 0, TOTAL_ITEMS, dtype=jnp.int64 if jax.config.jax_enable_x64 else jnp.int32)
    user_table = jax.random.normal(k4, (TOTAL_USERS, DIM), dtype=jnp.float32) * 0.01
    item_table = jax.random.normal(k5, (TOTAL_ITEMS, DIM), dtype=jnp.float32) * 0.01
    item_bias_table = jax.random.normal(k6, (TOTAL_ITEMS, 1), dtype=jnp.float32) * 0.01
    return {
        'user_id': user_id,
        'p_item_id': p_item_id,
        'n_item_id': n_item_id,
        'user_table': user_table,
        'item_table': item_table,
        'item_bias_table': item_bias_table,
    }


def reference(user_id, p_item_id, n_item_id, user_table, item_table, item_bias_table):
    # LatentFactor lookups -> embedding gathers
    user_vec = jnp.take(user_table, user_id, axis=0)          # [B, D]
    p_item_vec = jnp.take(item_table, p_item_id, axis=0)      # [B, D]
    p_item_bias = jnp.take(item_bias_table, p_item_id, axis=0)  # [B, 1]
    n_item_vec = jnp.take(item_table, n_item_id, axis=0)      # [B, D]
    n_item_bias = jnp.take(item_bias_table, n_item_id, axis=0)  # [B, 1]

    l2_user_pos = jnp.sum(jnp.square(user_vec - p_item_vec), axis=-1, keepdims=True)
    l2_user_neg = jnp.sum(jnp.square(user_vec - n_item_vec), axis=-1, keepdims=True)
    pos_score = -l2_user_pos + p_item_bias
    neg_score = -l2_user_neg + n_item_bias
    diff = pos_score - neg_score
    loss = jnp.sum(jnp.maximum(MARGIN - diff, 0.0))
    # tf.nn.l2_loss(t) = sum(t**2) / 2
    l2_loss = 0.5 * jnp.sum(jnp.square(user_vec)) + 0.5 * jnp.sum(jnp.square(p_item_vec)) + 0.5 * jnp.sum(jnp.square(n_item_vec))
    return (loss, l2_loss)

if __name__ == "__main__":
    import jax
    _d = setup_inputs()
    print(jax.jit(kernel)(*tuple(_d.values())))

</pallas_src>

<mosaic_0001>
#map = affine_map<(d0, d1) -> (0, 0)>
#map1 = affine_map<(d0, d1) -> (0)>
module attributes {stable_mosaic.version = 14 : i64} {
  func.func @sc_kernel(%arg0: i32, %arg1: i32, %arg2: memref<128x128xi32, #tpu.memory_space<hbm>>, %arg3: memref<128x128xi32, #tpu.memory_space<hbm>>, %arg4: memref<128x128xi32, #tpu.memory_space<hbm>>, %arg5: memref<1000000x64xf32, #tpu.memory_space<hbm>>, %arg6: memref<1000000x64xf32, #tpu.memory_space<hbm>>, %arg7: memref<1000000xf32, #tpu.memory_space<hbm>>, %arg8: memref<32x16xf32, #tpu.memory_space<hbm>>, %arg9: memref<32x16xf32, #tpu.memory_space<hbm>>, %arg10: memref<4x128xi32, #tpu.memory_space<vmem>>, %arg11: memref<4x128xi32, #tpu.memory_space<vmem>>, %arg12: memref<4x128xi32, #tpu.memory_space<vmem>>, %arg13: memref<512x64xf32, #tpu.memory_space<vmem>>, %arg14: memref<512x64xf32, #tpu.memory_space<vmem>>, %arg15: memref<512x64xf32, #tpu.memory_space<vmem>>, %arg16: memref<512xf32, #tpu.memory_space<vmem>>, %arg17: memref<512xf32, #tpu.memory_space<vmem>>, %arg18: memref<16xf32, #tpu.memory_space<vmem>>, %arg19: memref<16xf32, #tpu.memory_space<vmem>>, %arg20: memref<!tpu.dma_semaphore, #tpu.memory_space<semaphore_mem>>) attributes {dimension_semantics = [#tpu.dimension_semantics<core_parallel>, #tpu.dimension_semantics<subcore_parallel>], iteration_bounds = array<i64: 2, 16>, scalar_prefetch = 0 : i64, scratch_operands = 11 : i64, tpu.core_type = #tpu.core_type<sc_vector_subcore>, window_params = [{transform_indices = #map}, {transform_indices = #map}, {transform_indices = #map}, {transform_indices = #map}, {transform_indices = #map}, {transform_indices = #map1}, {transform_indices = #map}, {transform_indices = #map}]} {
    %mul3A = arith.constant 2 : i32
    %mul3A_0 = arith.muli %arg1, %mul3A : i32
    %add3A = arith.addi %mul3A_0, %arg0 : i32
    %mul3A_1 = arith.constant 4 : i32
    %mul3A_2 = arith.muli %add3A, %mul3A_1 : i32
    "tpu.region"() ({
      %run_scoped3A = tpu.sem_alloc : memref<!tpu.dma_semaphore, #tpu.memory_space<semaphore_mem>>
      %dma_start3A_390 = arith.constant 0 : i32
      %dma_start3A_391 = tpu.memref_slice %arg2[%mul3A_2, %dma_start3A_390] : memref<128x128xi32, #tpu.memory_space<hbm>> -> memref<4x128xi32, #tpu.memory_space<hbm>>
      %dma_start3A_392 = arith.constant 0 : i32
      %dma_start3A_393 = tpu.memref_slice %arg2[%mul3A_2, %dma_start3A_392] : memref<128x128xi32, #tpu.memory_space<hbm>> -> memref<4x128xi32, #tpu.memory_space<hbm>>
      tpu.enqueue_dma source(%dma_start3A_393 : memref<4x128xi32, #tpu.memory_space<hbm>>) target(%arg10 : memref<4x128xi32, #tpu.memory_space<vmem>>) target_semaphore(%run_scoped3A : memref<!tpu.dma_semaphore, #tpu.memory_space<semaphore_mem>>)
      %dma_wait3A_394 = arith.constant 0 : i32
      %dma_wait3A_395 = tpu.memref_slice %arg2[%mul3A_2, %dma_wait3A_394] : memref<128x128xi32, #tpu.memory_space<hbm>> -> memref<4x128xi32, #tpu.memory_space<hbm>>
      %dma_wait3A_396 = arith.constant 0 : i32
      %dma_wait3A_397 = tpu.memref_slice %arg2[%mul3A_2, %dma_wait3A_396] : memref<128x128xi32, #tpu.memory_space<hbm>> -> memref<4x128xi32, #tpu.memory_space<hbm>>
      tpu.wait_dma2 semaphore(%run_scoped3A : memref<!tpu.dma_semaphore, #tpu.memory_space<semaphore_mem>>) src(%dma_wait3A_397 : memref<4x128xi32, #tpu.memory_space<hbm>>) dst(%arg10 : memref<4x128xi32, #tpu.memory_space<vmem>>)
      tpu.yield
    }) : () -> ()
    %mul3A_3 = arith.constant 4 : i32
    %mul3A_4 = arith.muli %add3A, %mul3A_3 : i32
    "tpu.region"() ({
      %run_scoped3A = tpu.sem_alloc : memref<!tpu.dma_semaphore, #tpu.memory_space<semaphore_mem>>
      %dma_start3A_390 = arith.constant 0 : i32
      %dma_start3A_391 = tpu.memref_slice %arg3[%mul3A_4, %dma_start3A_390] : memref<128x128xi32, #tpu.memory_space<hbm>> -> memref<4x128xi32, #tpu.memory_space<hbm>>
      %dma_start3A_392 = arith.constant 0 : i32
      %dma_start3A_393 = tpu.memref_slice %arg3[%mul3A_4, %dma_start3A_392] : memref<128x128xi32, #tpu.memory_space<hbm>> -> memref<4x128xi32, #tpu.memory_space<hbm>>
      tpu.enqueue_dma source(%dma_start3A_393 : memref<4x128xi32, #tpu.memory_space<hbm>>) target(%arg11 : memref<4x128xi32, #tpu.memory_space<vmem>>) target_semaphore(%run_scoped3A : memref<!tpu.dma_semaphore, #tpu.memory_space<semaphore_mem>>)
      %dma_wait3A_394 = arith.constant 0 : i32
      %dma_wait3A_395 = tpu.memref_slice %arg3[%mul3A_4, %dma_wait3A_394] : memref<128x128xi32, #tpu.memory_space<hbm>> -> memref<4x128xi32, #tpu.memory_space<hbm>>
      %dma_wait3A_396 = arith.constant 0 : i32
      %dma_wait3A_397 = tpu.memref_slice %arg3[%mul3A_4, %dma_wait3A_396] : memref<128x128xi32, #tpu.memory_space<hbm>> -> memref<4x128xi32, #tpu.memory_space<hbm>>
      tpu.wait_dma2 semaphore(%run_scoped3A : memref<!tpu.dma_semaphore, #tpu.memory_space<semaphore_mem>>) src(%dma_wait3A_397 : memref<4x128xi32, #tpu.memory_space<hbm>>) dst(%arg11 : memref<4x128xi32, #tpu.memory_space<vmem>>)
      tpu.yield
    }) : () -> ()
    %mul3A_5 = arith.constant 4 : i32
    %mul3A_6 = arith.muli %add3A, %mul3A_5 : i32
    "tpu.region"() ({
      %run_scoped3A = tpu.sem_alloc : memref<!tpu.dma_semaphore, #tpu.memory_space<semaphore_mem>>
      %dma_start3A_390 = arith.constant 0 : i32
      %dma_start3A_391 = tpu.memref_slice %arg4[%mul3A_6, %dma_start3A_390] : memref<128x128xi32, #tpu.memory_space<hbm>> -> memref<4x128xi32, #tpu.memory_space<hbm>>
      %dma_start3A_392 = arith.constant 0 : i32
      %dma_start3A_393 = tpu.memref_slice %arg4[%mul3A_6, %dma_start3A_392] : memref<128x128xi32, #tpu.memory_space<hbm>> -> memref<4x128xi32, #tpu.memory_space<hbm>>
      tpu.enqueue_dma source(%dma_start3A_393 : memref<4x128xi32, #tpu.memory_space<hbm>>) target(%arg12 : memref<4x128xi32, #tpu.memory_space<vmem>>) target_semaphore(%run_scoped3A : memref<!tpu.dma_semaphore, #tpu.memory_space<semaphore_mem>>)
      %dma_wait3A_394 = arith.constant 0 : i32
      %dma_wait3A_395 = tpu.memref_slice %arg4[%mul3A_6, %dma_wait3A_394] : memref<128x128xi32, #tpu.memory_space<hbm>> -> memref<4x128xi32, #tpu.memory_space<hbm>>
      %dma_wait3A_396 = arith.constant 0 : i32
      %dma_wait3A_397 = tpu.memref_slice %arg4[%mul3A_6, %dma_wait3A_396] : memref<128x128xi32, #tpu.memory_space<hbm>> -> memref<4x128xi32, #tpu.memory_space<hbm>>
      tpu.wait_dma2 semaphore(%run_scoped3A : memref<!tpu.dma_semaphore, #tpu.memory_space<semaphore_mem>>) src(%dma_wait3A_397 : memref<4x128xi32, #tpu.memory_space<hbm>>) dst(%arg12 : memref<4x128xi32, #tpu.memory_space<vmem>>)
      tpu.yield
    }) : () -> ()
    %dma_start3A = arith.constant 0 : i32
    %dma_start3A_7 = arith.constant 0 : i32
    %dma_start3A_8 = arith.constant 0 : i32
    %dma_start3A_9 = tpu.memref_slice %arg13[%dma_start3A_7, %dma_start3A_8] : memref<512x64xf32, #tpu.memory_space<vmem>> -> memref<128x64xf32, #tpu.memory_space<vmem>>
    %dma_start3A_10 = arith.constant 0 : i32
    %dma_start3A_11 = tpu.memref_slice %arg10[%dma_start3A, %dma_start3A_10] : memref<4x128xi32, #tpu.memory_space<vmem>> -> memref<1x128xi32, #tpu.memory_space<vmem>>
    %dma_start3A_12 = tpu.memref_squeeze %dma_start3A_11 : memref<1x128xi32, #tpu.memory_space<vmem>> -> memref<128xi32, #tpu.memory_space<vmem>>
    %dma_start3A_13 = arith.constant 0 : i32
    %dma_start3A_14 = arith.constant 0 : i32
    %dma_start3A_15 = tpu.memref_slice %arg5[%dma_start3A_13, %dma_start3A_14] : memref<1000000x64xf32, #tpu.memory_space<hbm>> -> memref<1000000x64xf32, #tpu.memory_space<hbm>>
    tpu.enqueue_indirect_dma source(%dma_start3A_15 : memref<1000000x64xf32, #tpu.memory_space<hbm>>) target(%dma_start3A_9 : memref<128x64xf32, #tpu.memory_space<vmem>>) offsets(%dma_start3A_12 : memref<128xi32, #tpu.memory_space<vmem>>) semaphore(%arg20 : memref<!tpu.dma_semaphore, #tpu.memory_space<semaphore_mem>>)
    %dma_start3A_16 = arith.constant 0 : i32
    %dma_start3A_17 = arith.constant 0 : i32
    %dma_start3A_18 = arith.constant 0 : i32
    %dma_start3A_19 = tpu.memref_slice %arg14[%dma_start3A_17, %dma_start3A_18] : memref<512x64xf32, #tpu.memory_space<vmem>> -> memref<128x64xf32, #tpu.memory_space<vmem>>
    %dma_start3A_20 = arith.constant 0 : i32
    %dma_start3A_21 = tpu.memref_slice %arg11[%dma_start3A_16, %dma_start3A_20] : memref<4x128xi32, #tpu.memory_space<vmem>> -> memref<1x128xi32, #tpu.memory_space<vmem>>
    %dma_start3A_22 = tpu.memref_squeeze %dma_start3A_21 : memref<1x128xi32, #tpu.memory_space<vmem>> -> memref<128xi32, #tpu.memory_space<vmem>>
    %dma_start3A_23 = arith.constant 0 : i32
    %dma_start3A_24 = arith.constant 0 : i32
    %dma_start3A_25 = tpu.memref_slice %arg6[%dma_start3A_23, %dma_start3A_24] : memref<1000000x64xf32, #tpu.memory_space<hbm>> -> memref<1000000x64xf32, #tpu.memory_space<hbm>>
    tpu.enqueue_indirect_dma source(%dma_start3A_25 : memref<1000000x64xf32, #tpu.memory_space<hbm>>) target(%dma_start3A_19 : memref<128x64xf32, #tpu.memory_space<vmem>>) offsets(%dma_start3A_22 : memref<128xi32, #tpu.memory_space<vmem>>) semaphore(%arg20 : memref<!tpu.dma_semaphore, #tpu.memory_space<semaphore_mem>>)
    %dma_start3A_26 = arith.constant 0 : i32
    %dma_start3A_27 = arith.constant 0 : i32
    %dma_start3A_28 = arith.constant 0 : i32
    %dma_start3A_29 = tpu.memref_slice %arg15[%dma_start3A_27, %dma_start3A_28] : memref<512x64xf32, #tpu.memory_space<vmem>> -> memref<128x64xf32, #tpu.memory_space<vmem>>
    %dma_start3A_30 = arith.constant 0 : i32
    %dma_start3A_31 = tpu.memref_slice %arg12[%dma_start3A_26, %dma_start3A_30] : memref<4x128xi32, #tpu.memory_space<vmem>> -> memref<1x128xi32, #tpu.memory_space<vmem>>
    %dma_start3A_32 = tpu.memref_squeeze %dma_start3A_31 : memref<1x128xi32, #tpu.memory_space<vmem>> -> memref<128xi32, #tpu.memory_space<vmem>>
    %dma_start3A_33 = arith.constant 0 : i32
    %dma_start3A_34 = arith.constant 0 : i32
    %dma_start3A_35 = tpu.memref_slice %arg6[%dma_start3A_33, %dma_start3A_34] : memref<1000000x64xf32, #tpu.memory_space<hbm>> -> memref<1000000x64xf32, #tpu.memory_space<hbm>>
    tpu.enqueue_indirect_dma source(%dma_start3A_35 : memref<1000000x64xf32, #tpu.memory_space<hbm>>) target(%dma_start3A_29 : memref<128x64xf32, #tpu.memory_space<vmem>>) offsets(%dma_start3A_32 : memref<128xi32, #tpu.memory_space<vmem>>) semaphore(%arg20 : memref<!tpu.dma_semaphore, #tpu.memory_space<semaphore_mem>>)
    %dma_start3A_36 = arith.constant 0 : i32
    %dma_start3A_37 = arith.constant 0 : i32
    %dma_start3A_38 = tpu.memref_slice %arg16[%dma_start3A_37] : memref<512xf32, #tpu.memory_space<vmem>> -> memref<128xf32, #tpu.memory_space<vmem>>
    %dma_start3A_39 = arith.constant 0 : i32
    %dma_start3A_40 = tpu.memref_slice %arg11[%dma_start3A_36, %dma_start3A_39] : memref<4x128xi32, #tpu.memory_space<vmem>> -> memref<1x128xi32, #tpu.memory_space<vmem>>
    %dma_start3A_41 = tpu.memref_squeeze %dma_start3A_40 : memref<1x128xi32, #tpu.memory_space<vmem>> -> memref<128xi32, #tpu.memory_space<vmem>>
    %dma_start3A_42 = arith.constant 0 : i32
    %dma_start3A_43 = tpu.memref_slice %arg7[%dma_start3A_42] : memref<1000000xf32, #tpu.memory_space<hbm>> -> memref<1000000xf32, #tpu.memory_space<hbm>>
    tpu.enqueue_indirect_dma source(%dma_start3A_43 : memref<1000000xf32, #tpu.memory_space<hbm>>) target(%dma_start3A_38 : memref<128xf32, #tpu.memory_space<vmem>>) offsets(%dma_start3A_41 : memref<128xi32, #tpu.memory_space<vmem>>) semaphore(%arg20 : memref<!tpu.dma_semaphore, #tpu.memory_space<semaphore_mem>>)
    %dma_start3A_44 = arith.constant 0 : i32
    %dma_start3A_45 = arith.constant 0 : i32
    %dma_start3A_46 = tpu.memref_slice %arg17[%dma_start3A_45] : memref<512xf32, #tpu.memory_space<vmem>> -> memref<128xf32, #tpu.memory_space<vmem>>
    %dma_start3A_47 = arith.constant 0 : i32
    %dma_start3A_48 = tpu.memref_slice %arg12[%dma_start3A_44, %dma_start3A_47] : memref<4x128xi32, #tpu.memory_space<vmem>> -> memref<1x128xi32, #tpu.memory_space<vmem>>
    %dma_start3A_49 = tpu.memref_squeeze %dma_start3A_48 : memref<1x128xi32, #tpu.memory_space<vmem>> -> memref<128xi32, #tpu.memory_space<vmem>>
    %dma_start3A_50 = arith.constant 0 : i32
    %dma_start3A_51 = tpu.memref_slice %arg7[%dma_start3A_50] : memref<1000000xf32, #tpu.memory_space<hbm>> -> memref<1000000xf32, #tpu.memory_space<hbm>>
    tpu.enqueue_indirect_dma source(%dma_start3A_51 : memref<1000000xf32, #tpu.memory_space<hbm>>) target(%dma_start3A_46 : memref<128xf32, #tpu.memory_space<vmem>>) offsets(%dma_start3A_49 : memref<128xi32, #tpu.memory_space<vmem>>) semaphore(%arg20 : memref<!tpu.dma_semaphore, #tpu.memory_space<semaphore_mem>>)
    %dma_start3A_52 = arith.constant 1 : i32
    %dma_start3A_53 = arith.constant 128 : i32
    %dma_start3A_54 = arith.constant 0 : i32
    %dma_start3A_55 = tpu.memref_slice %arg13[%dma_start3A_53, %dma_start3A_54] : memref<512x64xf32, #tpu.memory_space<vmem>> -> memref<128x64xf32, #tpu.memory_space<vmem>>
    %dma_start3A_56 = arith.constant 0 : i32
    %dma_start3A_57 = tpu.memref_slice %arg10[%dma_start3A_52, %dma_start3A_56] : memref<4x128xi32, #tpu.memory_space<vmem>> -> memref<1x128xi32, #tpu.memory_space<vmem>>
    %dma_start3A_58 = tpu.memref_squeeze %dma_start3A_57 : memref<1x128xi32, #tpu.memory_space<vmem>> -> memref<128xi32, #tpu.memory_space<vmem>>
    %dma_start3A_59 = arith.constant 0 : i32
    %dma_start3A_60 = arith.constant 0 : i32
    %dma_start3A_61 = tpu.memref_slice %arg5[%dma_start3A_59, %dma_start3A_60] : memref<1000000x64xf32, #tpu.memory_space<hbm>> -> memref<1000000x64xf32, #tpu.memory_space<hbm>>
    tpu.enqueue_indirect_dma source(%dma_start3A_61 : memref<1000000x64xf32, #tpu.memory_space<hbm>>) target(%dma_start3A_55 : memref<128x64xf32, #tpu.memory_space<vmem>>) offsets(%dma_start3A_58 : memref<128xi32, #tpu.memory_space<vmem>>) semaphore(%arg20 : memref<!tpu.dma_semaphore, #tpu.memory_space<semaphore_mem>>)
    %dma_start3A_62 = arith.constant 1 : i32
    %dma_start3A_63 = arith.constant 128 : i32
    %dma_start3A_64 = arith.constant 0 : i32
    %dma_start3A_65 = tpu.memref_slice %arg14[%dma_start3A_63, %dma_start3A_64] : memref<512x64xf32, #tpu.memory_space<vmem>> -> memref<128x64xf32, #tpu.memory_space<vmem>>
    %dma_start3A_66 = arith.constant 0 : i32
    %dma_start3A_67 = tpu.memref_slice %arg11[%dma_start3A_62, %dma_start3A_66] : memref<4x128xi32, #tpu.memory_space<vmem>> -> memref<1x128xi32, #tpu.memory_space<vmem>>
    %dma_start3A_68 = tpu.memref_squeeze %dma_start3A_67 : memref<1x128xi32, #tpu.memory_space<vmem>> -> memref<128xi32, #tpu.memory_space<vmem>>
    %dma_start3A_69 = arith.constant 0 : i32
    %dma_start3A_70 = arith.constant 0 : i32
    %dma_start3A_71 = tpu.memref_slice %arg6[%dma_start3A_69, %dma_start3A_70] : memref<1000000x64xf32, #tpu.memory_space<hbm>> -> memref<1000000x64xf32, #tpu.memory_space<hbm>>
    tpu.enqueue_indirect_dma source(%dma_start3A_71 : memref<1000000x64xf32, #tpu.memory_space<hbm>>) target(%dma_start3A_65 : memref<128x64xf32, #tpu.memory_space<vmem>>) offsets(%dma_start3A_68 : memref<128xi32, #tpu.memory_space<vmem>>) semaphore(%arg20 : memref<!tpu.dma_semaphore, #tpu.memory_space<semaphore_mem>>)
    %dma_start3A_72 = arith.constant 1 : i32
    %dma_start3A_73 = arith.constant 128 : i32
    %dma_start3A_74 = arith.constant 0 : i32
    %dma_start3A_75 = tpu.memref_slice %arg15[%dma_start3A_73, %dma_start3A_74] : memref<512x64xf32, #tpu.memory_space<vmem>> -> memref<128x64xf32, #tpu.memory_space<vmem>>
    %dma_start3A_76 = arith.constant 0 : i32
    %dma_start3A_77 = tpu.memref_slice %arg12[%dma_start3A_72, %dma_start3A_76] : memref<4x128xi32, #tpu.memory_space<vmem>> -> memref<1x128xi32, #tpu.memory_space<vmem>>
    %dma_start3A_78 = tpu.memref_squeeze %dma_start3A_77 : memref<1x128xi32, #tpu.memory_space<vmem>> -> memref<128xi32, #tpu.memory_space<vmem>>
    %dma_start3A_79 = arith.constant 0 : i32
    %dma_start3A_80 = arith.constant 0 : i32
    %dma_start3A_81 = tpu.memref_slice %arg6[%dma_start3A_79, %dma_start3A_80] : memref<1000000x64xf32, #tpu.memory_space<hbm>> -> memref<1000000x64xf32, #tpu.memory_space<hbm>>
    tpu.enqueue_indirect_dma source(%dma_start3A_81 : memref<1000000x64xf32, #tpu.memory_space<hbm>>) target(%dma_start3A_75 : memref<128x64xf32, #tpu.memory_space<vmem>>) offsets(%dma_start3A_78 : memref<128xi32, #tpu.memory_space<vmem>>) semaphore(%arg20 : memref<!tpu.dma_semaphore, #tpu.memory_space<semaphore_mem>>)
    %dma_start3A_82 = arith.constant 1 : i32
    %dma_start3A_83 = arith.constant 128 : i32
    %dma_start3A_84 = tpu.memref_slice %arg16[%dma_start3A_83] : memref<512xf32, #tpu.memory_space<vmem>> -> memref<128xf32, #tpu.memory_space<vmem>>
    %dma_start3A_85 = arith.constant 0 : i32
    %dma_start3A_86 = tpu.memref_slice %arg11[%dma_start3A_82, %dma_start3A_85] : memref<4x128xi32, #tpu.memory_space<vmem>> -> memref<1x128xi32, #tpu.memory_space<vmem>>
    %dma_start3A_87 = tpu.memref_squeeze %dma_start3A_86 : memref<1x128xi32, #tpu.memory_space<vmem>> -> memref<128xi32, #tpu.memory_space<vmem>>
    %dma_start3A_88 = arith.constant 0 : i32
    %dma_start3A_89 = tpu.memref_slice %arg7[%dma_start3A_88] : memref<1000000xf32, #tpu.memory_space<hbm>> -> memref<1000000xf32, #tpu.memory_space<hbm>>
    tpu.enqueue_indirect_dma source(%dma_start3A_89 : memref<1000000xf32, #tpu.memory_space<hbm>>) target(%dma_start3A_84 : memref<128xf32, #tpu.memory_space<vmem>>) offsets(%dma_start3A_87 : memref<128xi32, #tpu.memory_space<vmem>>) semaphore(%arg20 : memref<!tpu.dma_semaphore, #tpu.memory_space<semaphore_mem>>)
    %dma_start3A_90 = arith.constant 1 : i32
    %dma_start3A_91 = arith.constant 128 : i32
    %dma_start3A_92 = tpu.memref_slice %arg17[%dma_start3A_91] : memref<512xf32, #tpu.memory_space<vmem>> -> memref<128xf32, #tpu.memory_space<vmem>>
    %dma_start3A_93 = arith.constant 0 : i32
    %dma_start3A_94 = tpu.memref_slice %arg12[%dma_start3A_90, %dma_start3A_93] : memref<4x128xi32, #tpu.memory_space<vmem>> -> memref<1x128xi32, #tpu.memory_space<vmem>>
    %dma_start3A_95 = tpu.memref_squeeze %dma_start3A_94 : memref<1x128xi32, #tpu.memory_space<vmem>> -> memref<128xi32, #tpu.memory_space<vmem>>
    %dma_start3A_96 = arith.constant 0 : i32
    %dma_start3A_97 = tpu.memref_slice %arg7[%dma_start3A_96] : memref<1000000xf32, #tpu.memory_space<hbm>> -> memref<1000000xf32, #tpu.memory_space<hbm>>
    tpu.enqueue_indirect_dma source(%dma_start3A_97 : memref<1000000xf32, #tpu.memory_space<hbm>>) target(%dma_start3A_92 : memref<128xf32, #tpu.memory_space<vmem>>) offsets(%dma_start3A_95 : memref<128xi32, #tpu.memory_space<vmem>>) semaphore(%arg20 : memref<!tpu.dma_semaphore, #tpu.memory_space<semaphore_mem>>)
    %dma_start3A_98 = arith.constant 2 : i32
    %dma_start3A_99 = arith.constant 256 : i32
    %dma_start3A_100 = arith.constant 0 : i32
    %dma_start3A_101 = tpu.memref_slice %arg13[%dma_start3A_99, %dma_start3A_100] : memref<512x64xf32, #tpu.memory_space<vmem>> -> memref<128x64xf32, #tpu.memory_space<vmem>>
    %dma_start3A_102 = arith.constant 0 : i32
    %dma_start3A_103 = tpu.memref_slice %arg10[%dma_start3A_98, %dma_start3A_102] : memref<4x128xi32, #tpu.memory_space<vmem>> -> memref<1x128xi32, #tpu.memory_space<vmem>>
    %dma_start3A_104 = tpu.memref_squeeze %dma_start3A_103 : memref<1x128xi32, #tpu.memory_space<vmem>> -> memref<128xi32, #tpu.memory_space<vmem>>
    %dma_start3A_105 = arith.constant 0 : i32
    %dma_start3A_106 = arith.constant 0 : i32
    %dma_start3A_107 = tpu.memref_slice %arg5[%dma_start3A_105, %dma_start3A_106] : memref<1000000x64xf32, #tpu.memory_space<hbm>> -> memref<1000000x64xf32, #tpu.memory_space<hbm>>
    tpu.enqueue_indirect_dma source(%dma_start3A_107 : memref<1000000x64xf32, #tpu.memory_space<hbm>>) target(%dma_start3A_101 : memref<128x64xf32, #tpu.memory_space<vmem>>) offsets(%dma_start3A_104 : memref<128xi32, #tpu.memory_space<vmem>>) semaphore(%arg20 : memref<!tpu.dma_semaphore, #tpu.memory_space<semaphore_mem>>)
    %dma_start3A_108 = arith.constant 2 : i32
    %dma_start3A_109 = arith.constant 256 : i32
    %dma_start3A_110 = arith.constant 0 : i32
    %dma_start3A_111 = tpu.memref_slice %arg14[%dma_start3A_109, %dma_start3A_110] : memref<512x64xf32, #tpu.memory_space<vmem>> -> memref<128x64xf32, #tpu.memory_space<vmem>>
    %dma_start3A_112 = arith.constant 0 : i32
    %dma_start3A_113 = tpu.memref_slice %arg11[%dma_start3A_108, %dma_start3A_112] : memref<4x128xi32, #tpu.memory_space<vmem>> -> memref<1x128xi32, #tpu.memory_space<vmem>>
    %dma_start3A_114 = tpu.memref_squeeze %dma_start3A_113 : memref<1x128xi32, #tpu.memory_space<vmem>> -> memref<128xi32, #tpu.memory_space<vmem>>
    %dma_start3A_115 = arith.constant 0 : i32
    %dma_start3A_116 = arith.constant 0 : i32
    %dma_start3A_117 = tpu.memref_slice %arg6[%dma_start3A_115, %dma_start3A_116] : memref<1000000x64xf32, #tpu.memory_space<hbm>> -> memref<1000000x64xf32, #tpu.memory_space<hbm>>
    tpu.enqueue_indirect_dma source(%dma_start3A_117 : memref<1000000x64xf32, #tpu.memory_space<hbm>>) target(%dma_start3A_111 : memref<128x64xf32, #tpu.memory_space<vmem>>) offsets(%dma_start3A_114 : memref<128xi32, #tpu.memory_space<vmem>>) semaphore(%arg20 : memref<!tpu.dma_semaphore, #tpu.memory_space<semaphore_mem>>)
    %dma_start3A_118 = arith.constant 2 : i32
    %dma_start3A_119 = arith.constant 256 : i32
    %dma_start3A_120 = arith.constant 0 : i32
    %dma_start3A_121 = tpu.memref_slice %arg15[%dma_start3A_119, %dma_start3A_120] : memref<512x64xf32, #tpu.memory_space<vmem>> -> memref<128x64xf32, #tpu.memory_space<vmem>>
    %dma_start3A_122 = arith.constant 0 : i32
    %dma_start3A_123 = tpu.memref_slice %arg12[%dma_start3A_118, %dma_start3A_122] : memref<4x128xi32, #tpu.memory_space<vmem>> -> memref<1x128xi32, #tpu.memory_space<vmem>>
    %dma_start3A_124 = tpu.memref_squeeze %dma_start3A_123 : memref<1x128xi32, #tpu.memory_space<vmem>> -> memref<128xi32, #tpu.memory_space<vmem>>
    %dma_start3A_125 = arith.constant 0 : i32
    %dma_start3A_126 = arith.constant 0 : i32
    %dma_start3A_127 = tpu.memref_slice %arg6[%dma_start3A_125, %dma_start3A_126] : memref<1000000x64xf32, #tpu.memory_space<hbm>> -> memref<1000000x64xf32, #tpu.memory_space<hbm>>
    tpu.enqueue_indirect_dma source(%dma_start3A_127 : memref<1000000x64xf32, #tpu.memory_space<hbm>>) target(%dma_start3A_121 : memref<128x64xf32, #tpu.memory_space<vmem>>) offsets(%dma_start3A_124 : memref<128xi32, #tpu.memory_space<vmem>>) semaphore(%arg20 : memref<!tpu.dma_semaphore, #tpu.memory_space<semaphore_mem>>)
    %dma_start3A_128 = arith.constant 2 : i32
    %dma_start3A_129 = arith.constant 256 : i32
    %dma_start3A_130 = tpu.memref_slice %arg16[%dma_start3A_129] : memref<512xf32, #tpu.memory_space<vmem>> -> memref<128xf32, #tpu.memory_space<vmem>>
    %dma_start3A_131 = arith.constant 0 : i32
    %dma_start3A_132 = tpu.memref_slice %arg11[%dma_start3A_128, %dma_start3A_131] : memref<4x128xi32, #tpu.memory_space<vmem>> -> memref<1x128xi32, #tpu.memory_space<vmem>>
    %dma_start3A_133 = tpu.memref_squeeze %dma_start3A_132 : memref<1x128xi32, #tpu.memory_space<vmem>> -> memref<128xi32, #tpu.memory_space<vmem>>
    %dma_start3A_134 = arith.constant 0 : i32
    %dma_start3A_135 = tpu.memref_slice %arg7[%dma_start3A_134] : memref<1000000xf32, #tpu.memory_space<hbm>> -> memref<1000000xf32, #tpu.memory_space<hbm>>
    tpu.enqueue_indirect_dma source(%dma_start3A_135 : memref<1000000xf32, #tpu.memory_space<hbm>>) target(%dma_start3A_130 : memref<128xf32, #tpu.memory_space<vmem>>) offsets(%dma_start3A_133 : memref<128xi32, #tpu.memory_space<vmem>>) semaphore(%arg20 : memref<!tpu.dma_semaphore, #tpu.memory_space<semaphore_mem>>)
    %dma_start3A_136 = arith.constant 2 : i32
    %dma_start3A_137 = arith.constant 256 : i32
    %dma_start3A_138 = tpu.memref_slice %arg17[%dma_start3A_137] : memref<512xf32, #tpu.memory_space<vmem>> -> memref<128xf32, #tpu.memory_space<vmem>>
    %dma_start3A_139 = arith.constant 0 : i32
    %dma_start3A_140 = tpu.memref_slice %arg12[%dma_start3A_136, %dma_start3A_139] : memref<4x128xi32, #tpu.memory_space<vmem>> -> memref<1x128xi32, #tpu.memory_space<vmem>>
    %dma_start3A_141 = tpu.memref_squeeze %dma_start3A_140 : memref<1x128xi32, #tpu.memory_space<vmem>> -> memref<128xi32, #tpu.memory_space<vmem>>
    %dma_start3A_142 = arith.constant 0 : i32
    %dma_start3A_143 = tpu.memref_slice %arg7[%dma_start3A_142] : memref<1000000xf32, #tpu.memory_space<hbm>> -> memref<1000000xf32, #tpu.memory_space<hbm>>
    tpu.enqueue_indirect_dma source(%dma_start3A_143 : memref<1000000xf32, #tpu.memory_space<hbm>>) target(%dma_start3A_138 : memref<128xf32, #tpu.memory_space<vmem>>) offsets(%dma_start3A_141 : memref<128xi32, #tpu.memory_space<vmem>>) semaphore(%arg20 : memref<!tpu.dma_semaphore, #tpu.memory_space<semaphore_mem>>)
    %dma_start3A_144 = arith.constant 3 : i32
    %dma_start3A_145 = arith.constant 384 : i32
    %dma_start3A_146 = arith.constant 0 : i32
    %dma_start3A_147 = tpu.memref_slice %arg13[%dma_start3A_145, %dma_start3A_146] : memref<512x64xf32, #tpu.memory_space<vmem>> -> memref<128x64xf32, #tpu.memory_space<vmem>>
    %dma_start3A_148 = arith.constant 0 : i32
    %dma_start3A_149 = tpu.memref_slice %arg10[%dma_start3A_144, %dma_start3A_148] : memref<4x128xi32, #tpu.memory_space<vmem>> -> memref<1x128xi32, #tpu.memory_space<vmem>>
    %dma_start3A_150 = tpu.memref_squeeze %dma_start3A_149 : memref<1x128xi32, #tpu.memory_space<vmem>> -> memref<128xi32, #tpu.memory_space<vmem>>
    %dma_start3A_151 = arith.constant 0 : i32
    %dma_start3A_152 = arith.constant 0 : i32
    %dma_start3A_153 = tpu.memref_slice %arg5[%dma_start3A_151, %dma_start3A_152] : memref<1000000x64xf32, #tpu.memory_space<hbm>> -> memref<1000000x64xf32, #tpu.memory_space<hbm>>
    tpu.enqueue_indirect_dma source(%dma_start3A_153 : memref<1000000x64xf32, #tpu.memory_space<hbm>>) target(%dma_start3A_147 : memref<128x64xf32, #tpu.memory_space<vmem>>) offsets(%dma_start3A_150 : memref<128xi32, #tpu.memory_space<vmem>>) semaphore(%arg20 : memref<!tpu.dma_semaphore, #tpu.memory_space<semaphore_mem>>)
    %dma_start3A_154 = arith.constant 3 : i32
    %dma_start3A_155 = arith.constant 384 : i32
    %dma_start3A_156 = arith.constant 0 : i32
    %dma_start3A_157 = tpu.memref_slice %arg14[%dma_start3A_155, %dma_start3A_156] : memref<512x64xf32, #tpu.memory_space<vmem>> -> memref<128x64xf32, #tpu.memory_space<vmem>>
    %dma_start3A_158 = arith.constant 0 : i32
    %dma_start3A_159 = tpu.memref_slice %arg11[%dma_start3A_154, %dma_start3A_158] : memref<4x128xi32, #tpu.memory_space<vmem>> -> memref<1x128xi32, #tpu.memory_space<vmem>>
    %dma_start3A_160 = tpu.memref_squeeze %dma_start3A_159 : memref<1x128xi32, #tpu.memory_space<vmem>> -> memref<128xi32, #tpu.memory_space<vmem>>
    %dma_start3A_161 = arith.constant 0 : i32
    %dma_start3A_162 = arith.constant 0 : i32
    %dma_start3A_163 = tpu.memref_slice %arg6[%dma_start3A_161, %dma_start3A_162] : memref<1000000x64xf32, #tpu.memory_space<hbm>> -> memref<1000000x64xf32, #tpu.memory_space<hbm>>
    tpu.enqueue_indirect_dma source(%dma_start3A_163 : memref<1000000x64xf32, #tpu.memory_space<hbm>>) target(%dma_start3A_157 : memref<128x64xf32, #tpu.memory_space<vmem>>) offsets(%dma_start3A_160 : memref<128xi32, #tpu.memory_space<vmem>>) semaphore(%arg20 : memref<!tpu.dma_semaphore, #tpu.memory_space<semaphore_mem>>)
    %dma_start3A_164 = arith.constant 3 : i32
    %dma_start3A_165 = arith.constant 384 : i32
    %dma_start3A_166 = arith.constant 0 : i32
    %dma_start3A_167 = tpu.memref_slice %arg15[%dma_start3A_165, %dma_start3A_166] : memref<512x64xf32, #tpu.memory_space<vmem>> -> memref<128x64xf32, #tpu.memory_space<vmem>>
    %dma_start3A_168 = arith.constant 0 : i32
    %dma_start3A_169 = tpu.memref_slice %arg12[%dma_start3A_164, %dma_start3A_168] : memref<4x128xi32, #tpu.memory_space<vmem>> -> memref<1x128xi32, #tpu.memory_space<vmem>>
    %dma_start3A_170 = tpu.memref_squeeze %dma_start3A_169 : memref<1x128xi32, #tpu.memory_space<vmem>> -> memref<128xi32, #tpu.memory_space<vmem>>
    %dma_start3A_171 = arith.constant 0 : i32
    %dma_start3A_172 = arith.constant 0 : i32
    %dma_start3A_173 = tpu.memref_slice %arg6[%dma_start3A_171, %dma_start3A_172] : memref<1000000x64xf32, #tpu.memory_space<hbm>> -> memref<1000000x64xf32, #tpu.memory_space<hbm>>
    tpu.enqueue_indirect_dma source(%dma_start3A_173 : memref<1000000x64xf32, #tpu.memory_space<hbm>>) target(%dma_start3A_167 : memref<128x64xf32, #tpu.memory_space<vmem>>) offsets(%dma_start3A_170 : memref<128xi32, #tpu.memory_space<vmem>>) semaphore(%arg20 : memref<!tpu.dma_semaphore, #tpu.memory_space<semaphore_mem>>)
    %dma_start3A_174 = arith.constant 3 : i32
    %dma_start3A_175 = arith.constant 384 : i32
    %dma_start3A_176 = tpu.memref_slice %arg16[%dma_start3A_175] : memref<512xf32, #tpu.memory_space<vmem>> -> memref<128xf32, #tpu.memory_space<vmem>>
    %dma_start3A_177 = arith.constant 0 : i32
    %dma_start3A_178 = tpu.memref_slice %arg11[%dma_start3A_174, %dma_start3A_177] : memref<4x128xi32, #tpu.memory_space<vmem>> -> memref<1x128xi32, #tpu.memory_space<vmem>>
    %dma_start3A_179 = tpu.memref_squeeze %dma_start3A_178 : memref<1x128xi32, #tpu.memory_space<vmem>> -> memref<128xi32, #tpu.memory_space<vmem>>
    %dma_start3A_180 = arith.constant 0 : i32
    %dma_start3A_181 = tpu.memref_slice %arg7[%dma_start3A_180] : memref<1000000xf32, #tpu.memory_space<hbm>> -> memref<1000000xf32, #tpu.memory_space<hbm>>
    tpu.enqueue_indirect_dma source(%dma_start3A_181 : memref<1000000xf32, #tpu.memory_space<hbm>>) target(%dma_start3A_176 : memref<128xf32, #tpu.memory_space<vmem>>) offsets(%dma_start3A_179 : memref<128xi32, #tpu.memory_space<vmem>>) semaphore(%arg20 : memref<!tpu.dma_semaphore, #tpu.memory_space<semaphore_mem>>)
    %dma_start3A_182 = arith.constant 3 : i32
    %dma_start3A_183 = arith.constant 384 : i32
    %dma_start3A_184 = tpu.memref_slice %arg17[%dma_start3A_183] : memref<512xf32, #tpu.memory_space<vmem>> -> memref<128xf32, #tpu.memory_space<vmem>>
    %dma_start3A_185 = arith.constant 0 : i32
    %dma_start3A_186 = tpu.memref_slice %arg12[%dma_start3A_182, %dma_start3A_185] : memref<4x128xi32, #tpu.memory_space<vmem>> -> memref<1x128xi32, #tpu.memory_space<vmem>>
    %dma_start3A_187 = tpu.memref_squeeze %dma_start3A_186 : memref<1x128xi32, #tpu.memory_space<vmem>> -> memref<128xi32, #tpu.memory_space<vmem>>
    %dma_start3A_188 = arith.constant 0 : i32
    %dma_start3A_189 = tpu.memref_slice %arg7[%dma_start3A_188] : memref<1000000xf32, #tpu.memory_space<hbm>> -> memref<1000000xf32, #tpu.memory_space<hbm>>
    tpu.enqueue_indirect_dma source(%dma_start3A_189 : memref<1000000xf32, #tpu.memory_space<hbm>>) target(%dma_start3A_184 : memref<128xf32, #tpu.memory_space<vmem>>) offsets(%dma_start3A_187 : memref<128xi32, #tpu.memory_space<vmem>>) semaphore(%arg20 : memref<!tpu.dma_semaphore, #tpu.memory_space<semaphore_mem>>)
    %dma_wait3A = arith.constant 0 : i32
    %dma_wait3A_190 = arith.constant 0 : i32
    %dma_wait3A_191 = arith.constant 0 : i32
    %dma_wait3A_192 = tpu.memref_slice %arg13[%dma_wait3A_190, %dma_wait3A_191] : memref<512x64xf32, #tpu.memory_space<vmem>> -> memref<128x64xf32, #tpu.memory_space<vmem>>
    %dma_wait3A_193 = arith.constant 0 : i32
    %dma_wait3A_194 = tpu.memref_slice %arg10[%dma_wait3A, %dma_wait3A_193] : memref<4x128xi32, #tpu.memory_space<vmem>> -> memref<1x128xi32, #tpu.memory_space<vmem>>
    %dma_wait3A_195 = tpu.memref_squeeze %dma_wait3A_194 : memref<1x128xi32, #tpu.memory_space<vmem>> -> memref<128xi32, #tpu.memory_space<vmem>>
    %dma_wait3A_196 = arith.constant 0 : i32
    %dma_wait3A_197 = arith.constant 0 : i32
    %dma_wait3A_198 = tpu.memref_slice %arg5[%dma_wait3A_196, %dma_wait3A_197] : memref<1000000x64xf32, #tpu.memory_space<hbm>> -> memref<1000000x64xf32, #tpu.memory_space<hbm>>
    tpu.wait_indirect_dma semaphore(%arg20 : memref<!tpu.dma_semaphore, #tpu.memory_space<semaphore_mem>>) src(%dma_wait3A_198 : memref<1000000x64xf32, #tpu.memory_space<hbm>>) dst(%dma_wait3A_192 : memref<128x64xf32, #tpu.memory_space<vmem>>)
    %dma_wait3A_199 = arith.constant 0 : i32
    %dma_wait3A_200 = arith.constant 0 : i32
    %dma_wait3A_201 = arith.constant 0 : i32
    %dma_wait3A_202 = tpu.memref_slice %arg14[%dma_wait3A_200, %dma_wait3A_201] : memref<512x64xf32, #tpu.memory_space<vmem>> -> memref<128x64xf32, #tpu.memory_space<vmem>>
    %dma_wait3A_203 = arith.constant 0 : i32
    %dma_wait3A_204 = tpu.memref_slice %arg11[%dma_wait3A_199, %dma_wait3A_203] : memref<4x128xi32, #tpu.memory_space<vmem>> -> memref<1x128xi32, #tpu.memory_space<vmem>>
    %dma_wait3A_205 = tpu.memref_squeeze %dma_wait3A_204 : memref<1x128xi32, #tpu.memory_space<vmem>> -> memref<128xi32, #tpu.memory_space<vmem>>
    %dma_wait3A_206 = arith.constant 0 : i32
    %dma_wait3A_207 = arith.constant 0 : i32
    %dma_wait3A_208 = tpu.memref_slice %arg6[%dma_wait3A_206, %dma_wait3A_207] : memref<1000000x64xf32, #tpu.memory_space<hbm>> -> memref<1000000x64xf32, #tpu.memory_space<hbm>>
    tpu.wait_indirect_dma semaphore(%arg20 : memref<!tpu.dma_semaphore, #tpu.memory_space<semaphore_mem>>) src(%dma_wait3A_208 : memref<1000000x64xf32, #tpu.memory_space<hbm>>) dst(%dma_wait3A_202 : memref<128x64xf32, #tpu.memory_space<vmem>>)
    %dma_wait3A_209 = arith.constant 0 : i32
    %dma_wait3A_210 = arith.constant 0 : i32
    %dma_wait3A_211 = arith.constant 0 : i32
    %dma_wait3A_212 = tpu.memref_slice %arg15[%dma_wait3A_210, %dma_wait3A_211] : memref<512x64xf32, #tpu.memory_space<vmem>> -> memref<128x64xf32, #tpu.memory_space<vmem>>
    %dma_wait3A_213 = arith.constant 0 : i32
    %dma_wait3A_214 = tpu.memref_slice %arg12[%dma_wait3A_209, %dma_wait3A_213] : memref<4x128xi32, #tpu.memory_space<vmem>> -> memref<1x128xi32, #tpu.memory_space<vmem>>
    %dma_wait3A_215 = tpu.memref_squeeze %dma_wait3A_214 : memref<1x128xi32, #tpu.memory_space<vmem>> -> memref<128xi32, #tpu.memory_space<vmem>>
    %dma_wait3A_216 = arith.constant 0 : i32
    %dma_wait3A_217 = arith.constant 0 : i32
    %dma_wait3A_218 = tpu.memref_slice %arg6[%dma_wait3A_216, %dma_wait3A_217] : memref<1000000x64xf32, #tpu.memory_space<hbm>> -> memref<1000000x64xf32, #tpu.memory_space<hbm>>
    tpu.wait_indirect_dma semaphore(%arg20 : memref<!tpu.dma_semaphore, #tpu.memory_space<semaphore_mem>>) src(%dma_wait3A_218 : memref<1000000x64xf32, #tpu.memory_space<hbm>>) dst(%dma_wait3A_212 : memref<128x64xf32, #tpu.memory_space<vmem>>)
    %dma_wait3A_219 = arith.constant 0 : i32
    %dma_wait3A_220 = arith.constant 0 : i32
    %dma_wait3A_221 = tpu.memref_slice %arg16[%dma_wait3A_220] : memref<512xf32, #tpu.memory_space<vmem>> -> memref<128xf32, #tpu.memory_space<vmem>>
    %dma_wait3A_222 = arith.constant 0 : i32
    %dma_wait3A_223 = tpu.memref_slice %arg11[%dma_wait3A_219, %dma_wait3A_222] : memref<4x128xi32, #tpu.memory_space<vmem>> -> memref<1x128xi32, #tpu.memory_space<vmem>>
    %dma_wait3A_224 = tpu.memref_squeeze %dma_wait3A_223 : memref<1x128xi32, #tpu.memory_space<vmem>> -> memref<128xi32, #tpu.memory_space<vmem>>
    %dma_wait3A_225 = arith.constant 0 : i32
    %dma_wait3A_226 = tpu.memref_slice %arg7[%dma_wait3A_225] : memref<1000000xf32, #tpu.memory_space<hbm>> -> memref<1000000xf32, #tpu.memory_space<hbm>>
    tpu.wait_indirect_dma semaphore(%arg20 : memref<!tpu.dma_semaphore, #tpu.memory_space<semaphore_mem>>) src(%dma_wait3A_226 : memref<1000000xf32, #tpu.memory_space<hbm>>) dst(%dma_wait3A_221 : memref<128xf32, #tpu.memory_space<vmem>>)
    %dma_wait3A_227 = arith.constant 0 : i32
    %dma_wait3A_228 = arith.constant 0 : i32
    %dma_wait3A_229 = tpu.memref_slice %arg17[%dma_wait3A_228] : memref<512xf32, #tpu.memory_space<vmem>> -> memref<128xf32, #tpu.memory_space<vmem>>
    %dma_wait3A_230 = arith.constant 0 : i32
    %dma_wait3A_231 = tpu.memref_slice %arg12[%dma_wait3A_227, %dma_wait3A_230] : memref<4x128xi32, #tpu.memory_space<vmem>> -> memref<1x128xi32, #tpu.memory_space<vmem>>
    %dma_wait3A_232 = tpu.memref_squeeze %dma_wait3A_231 : memref<1x128xi32, #tpu.memory_space<vmem>> -> memref<128xi32, #tpu.memory_space<vmem>>
    %dma_wait3A_233 = arith.constant 0 : i32
    %dma_wait3A_234 = tpu.memref_slice %arg7[%dma_wait3A_233] : memref<1000000xf32, #tpu.memory_space<hbm>> -> memref<1000000xf32, #tpu.memory_space<hbm>>
    tpu.wait_indirect_dma semaphore(%arg20 : memref<!tpu.dma_semaphore, #tpu.memory_space<semaphore_mem>>) src(%dma_wait3A_234 : memref<1000000xf32, #tpu.memory_space<hbm>>) dst(%dma_wait3A_229 : memref<128xf32, #tpu.memory_space<vmem>>)
    %dma_wait3A_235 = arith.constant 1 : i32
    %dma_wait3A_236 = arith.constant 128 : i32
    %dma_wait3A_237 = arith.constant 0 : i32
    %dma_wait3A_238 = tpu.memref_slice %arg13[%dma_wait3A_236, %dma_wait3A_237] : memref<512x64xf32, #tpu.memory_space<vmem>> -> memref<128x64xf32, #tpu.memory_space<vmem>>
    %dma_wait3A_239 = arith.constant 0 : i32
    %dma_wait3A_240 = tpu.memref_slice %arg10[%dma_wait3A_235, %dma_wait3A_239] : memref<4x128xi32, #tpu.memory_space<vmem>> -> memref<1x128xi32, #tpu.memory_space<vmem>>
    %dma_wait3A_241 = tpu.memref_squeeze %dma_wait3A_240 : memref<1x128xi32, #tpu.memory_space<vmem>> -> memref<128xi32, #tpu.memory_space<vmem>>
    %dma_wait3A_242 = arith.constant 0 : i32
    %dma_wait3A_243 = arith.constant 0 : i32
    %dma_wait3A_244 = tpu.memref_slice %arg5[%dma_wait3A_242, %dma_wait3A_243] : memref<1000000x64xf32, #tpu.memory_space<hbm>> -> memref<1000000x64xf32, #tpu.memory_space<hbm>>
    tpu.wait_indirect_dma semaphore(%arg20 : memref<!tpu.dma_semaphore, #tpu.memory_space<semaphore_mem>>) src(%dma_wait3A_244 : memref<1000000x64xf32, #tpu.memory_space<hbm>>) dst(%dma_wait3A_238 : memref<128x64xf32, #tpu.memory_space<vmem>>)
    %dma_wait3A_245 = arith.constant 1 : i32
    %dma_wait3A_246 = arith.constant 128 : i32
    %dma_wait3A_247 = arith.constant 0 : i32
    %dma_wait3A_248 = tpu.memref_slice %arg14[%dma_wait3A_246, %dma_wait3A_247] : memref<512x64xf32, #tpu.memory_space<vmem>> -> memref<128x64xf32, #tpu.memory_space<vmem>>
    %dma_wait3A_249 = arith.constant 0 : i32
    %dma_wait3A_250 = tpu.memref_slice %arg11[%dma_wait3A_245, %dma_wait3A_249] : memref<4x128xi32, #tpu.memory_space<vmem>> -> memref<1x128xi32, #tpu.memory_space<vmem>>
    %dma_wait3A_251 = tpu.memref_squeeze %dma_wait3A_250 : memref<1x128xi32, #tpu.memory_space<vmem>> -> memref<128xi32, #tpu.memory_space<vmem>>
    %dma_wait3A_252 = arith.constant 0 : i32
    %dma_wait3A_253 = arith.constant 0 : i32
    %dma_wait3A_254 = tpu.memref_slice %arg6[%dma_wait3A_252, %dma_wait3A_253] : memref<1000000x64xf32, #tpu.memory_space<hbm>> -> memref<1000000x64xf32, #tpu.memory_space<hbm>>
    tpu.wait_indirect_dma semaphore(%arg20 : memref<!tpu.dma_semaphore, #tpu.memory_space<semaphore_mem>>) src(%dma_wait3A_254 : memref<1000000x64xf32, #tpu.memory_space<hbm>>) dst(%dma_wait3A_248 : memref<128x64xf32, #tpu.memory_space<vmem>>)
    %dma_wait3A_255 = arith.constant 1 : i32
    %dma_wait3A_256 = arith.constant 128 : i32
    %dma_wait3A_257 = arith.constant 0 : i32
    %dma_wait3A_258 = tpu.memref_slice %arg15[%dma_wait3A_256, %dma_wait3A_257] : memref<512x64xf32, #tpu.memory_space<vmem>> -> memref<128x64xf32, #tpu.memory_space<vmem>>
    %dma_wait3A_259 = arith.constant 0 : i32
    %dma_wait3A_260 = tpu.memref_slice %arg12[%dma_wait3A_255, %dma_wait3A_259] : memref<4x128xi32, #tpu.memory_space<vmem>> -> memref<1x128xi32, #tpu.memory_space<vmem>>
    %dma_wait3A_261 = tpu.memref_squeeze %dma_wait3A_260 : memref<1x128xi32, #tpu.memory_space<vmem>> -> memref<128xi32, #tpu.memory_space<vmem>>
    %dma_wait3A_262 = arith.constant 0 : i32
    %dma_wait3A_263 = arith.constant 0 : i32
    %dma_wait3A_264 = tpu.memref_slice %arg6[%dma_wait3A_262, %dma_wait3A_263] : memref<1000000x64xf32, #tpu.memory_space<hbm>> -> memref<1000000x64xf32, #tpu.memory_space<hbm>>
    tpu.wait_indirect_dma semaphore(%arg20 : memref<!tpu.dma_semaphore, #tpu.memory_space<semaphore_mem>>) src(%dma_wait3A_264 : memref<1000000x64xf32, #tpu.memory_space<hbm>>) dst(%dma_wait3A_258 : memref<128x64xf32, #tpu.memory_space<vmem>>)
    %dma_wait3A_265 = arith.constant 1 : i32
    %dma_wait3A_266 = arith.constant 128 : i32
    %dma_wait3A_267 = tpu.memref_slice %arg16[%dma_wait3A_266] : memref<512xf32, #tpu.memory_space<vmem>> -> memref<128xf32, #tpu.memory_space<vmem>>
    %dma_wait3A_268 = arith.constant 0 : i32
    %dma_wait3A_269 = tpu.memref_slice %arg11[%dma_wait3A_265, %dma_wait3A_268] : memref<4x128xi32, #tpu.memory_space<vmem>> -> memref<1x128xi32, #tpu.memory_space<vmem>>
    %dma_wait3A_270 = tpu.memref_squeeze %dma_wait3A_269 : memref<1x128xi32, #tpu.memory_space<vmem>> -> memref<128xi32, #tpu.memory_space<vmem>>
    %dma_wait3A_271 = arith.constant 0 : i32
    %dma_wait3A_272 = tpu.memref_slice %arg7[%dma_wait3A_271] : memref<1000000xf32, #tpu.memory_space<hbm>> -> memref<1000000xf32, #tpu.memory_space<hbm>>
    tpu.wait_indirect_dma semaphore(%arg20 : memref<!tpu.dma_semaphore, #tpu.memory_space<semaphore_mem>>) src(%dma_wait3A_272 : memref<1000000xf32, #tpu.memory_space<hbm>>) dst(%dma_wait3A_267 : memref<128xf32, #tpu.memory_space<vmem>>)
    %dma_wait3A_273 = arith.constant 1 : i32
    %dma_wait3A_274 = arith.constant 128 : i32
    %dma_wait3A_275 = tpu.memref_slice %arg17[%dma_wait3A_274] : memref<512xf32, #tpu.memory_space<vmem>> -> memref<128xf32, #tpu.memory_space<vmem>>
    %dma_wait3A_276 = arith.constant 0 : i32
    %dma_wait3A_277 = tpu.memref_slice %arg12[%dma_wait3A_273, %dma_wait3A_276] : memref<4x128xi32, #tpu.memory_space<vmem>> -> memref<1x128xi32, #tpu.memory_space<vmem>>
    %dma_wait3A_278 = tpu.memref_squeeze %dma_wait3A_277 : memref<1x128xi32, #tpu.memory_space<vmem>> -> memref<128xi32, #tpu.memory_space<vmem>>
    %dma_wait3A_279 = arith.constant 0 : i32
    %dma_wait3A_280 = tpu.memref_slice %arg7[%dma_wait3A_279] : memref<1000000xf32, #tpu.memory_space<hbm>> -> memref<1000000xf32, #tpu.memory_space<hbm>>
    tpu.wait_indirect_dma semaphore(%arg20 : memref<!tpu.dma_semaphore, #tpu.memory_space<semaphore_mem>>) src(%dma_wait3A_280 : memref<1000000xf32, #tpu.memory_space<hbm>>) dst(%dma_wait3A_275 : memref<128xf32, #tpu.memory_space<vmem>>)
    %dma_wait3A_281 = arith.constant 2 : i32
    %dma_wait3A_282 = arith.constant 256 : i32
    %dma_wait3A_283 = arith.constant 0 : i32
    %dma_wait3A_284 = tpu.memref_slice %arg13[%dma_wait3A_282, %dma_wait3A_283] : memref<512x64xf32, #tpu.memory_space<vmem>> -> memref<128x64xf32, #tpu.memory_space<vmem>>
    %dma_wait3A_285 = arith.constant 0 : i32
    %dma_wait3A_286 = tpu.memref_slice %arg10[%dma_wait3A_281, %dma_wait3A_285] : memref<4x128xi32, #tpu.memory_space<vmem>> -> memref<1x128xi32, #tpu.memory_space<vmem>>
    %dma_wait3A_287 = tpu.memref_squeeze %dma_wait3A_286 : memref<1x128xi32, #tpu.memory_space<vmem>> -> memref<128xi32, #tpu.memory_space<vmem>>
    %dma_wait3A_288 = arith.constant 0 : i32
    %dma_wait3A_289 = arith.constant 0 : i32
    %dma_wait3A_290 = tpu.memref_slice %arg5[%dma_wait3A_288, %dma_wait3A_289] : memref<1000000x64xf32, #tpu.memory_space<hbm>> -> memref<1000000x64xf32, #tpu.memory_space<hbm>>
    tpu.wait_indirect_dma semaphore(%arg20 : memref<!tpu.dma_semaphore, #tpu.memory_space<semaphore_mem>>) src(%dma_wait3A_290 : memref<1000000x64xf32, #tpu.memory_space<hbm>>) dst(%dma_wait3A_284 : memref<128x64xf32, #tpu.memory_space<vmem>>)
    %dma_wait3A_291 = arith.constant 2 : i32
    %dma_wait3A_292 = arith.constant 256 : i32
    %dma_wait3A_293 = arith.constant 0 : i32
    %dma_wait3A_294 = tpu.memref_slice %arg14[%dma_wait3A_292, %dma_wait3A_293] : memref<512x64xf32, #tpu.memory_space<vmem>> -> memref<128x64xf32, #tpu.memory_space<vmem>>
    %dma_wait3A_295 = arith.constant 0 : i32
    %dma_wait3A_296 = tpu.memref_slice %arg11[%dma_wait3A_291, %dma_wait3A_295] : memref<4x128xi32, #tpu.memory_space<vmem>> -> memref<1x128xi32, #tpu.memory_space<vmem>>
    %dma_wait3A_297 = tpu.memref_squeeze %dma_wait3A_296 : memref<1x128xi32, #tpu.memory_space<vmem>> -> memref<128xi32, #tpu.memory_space<vmem>>
    %dma_wait3A_298 = arith.constant 0 : i32
    %dma_wait3A_299 = arith.constant 0 : i32
    %dma_wait3A_300 = tpu.memref_slice %arg6[%dma_wait3A_298, %dma_wait3A_299] : memref<1000000x64xf32, #tpu.memory_space<hbm>> -> memref<1000000x64xf32, #tpu.memory_space<hbm>>
    tpu.wait_indirect_dma semaphore(%arg20 : memref<!tpu.dma_semaphore, #tpu.memory_space<semaphore_mem>>) src(%dma_wait3A_300 : memref<1000000x64xf32, #tpu.memory_space<hbm>>) dst(%dma_wait3A_294 : memref<128x64xf32, #tpu.memory_space<vmem>>)
    %dma_wait3A_301 = arith.constant 2 : i32
    %dma_wait3A_302 = arith.constant 256 : i32
    %dma_wait3A_303 = arith.constant 0 : i32
    %dma_wait3A_304 = tpu.memref_slice %arg15[%dma_wait3A_302, %dma_wait3A_303] : memref<512x64xf32, #tpu.memory_space<vmem>> -> memref<128x64xf32, #tpu.memory_space<vmem>>
    %dma_wait3A_305 = arith.constant 0 : i32
    %dma_wait3A_306 = tpu.memref_slice %arg12[%dma_wait3A_301, %dma_wait3A_305] : memref<4x128xi32, #tpu.memory_space<vmem>> -> memref<1x128xi32, #tpu.memory_space<vmem>>
    %dma_wait3A_307 = tpu.memref_squeeze %dma_wait3A_306 : memref<1x128xi32, #tpu.memory_space<vmem>> -> memref<128xi32, #tpu.memory_space<vmem>>
    %dma_wait3A_308 = arith.constant 0 : i32
    %dma_wait3A_309 = arith.constant 0 : i32
    %dma_wait3A_310 = tpu.memref_slice %arg6[%dma_wait3A_308, %dma_wait3A_309] : memref<1000000x64xf32, #tpu.memory_space<hbm>> -> memref<1000000x64xf32, #tpu.memory_space<hbm>>
    tpu.wait_indirect_dma semaphore(%arg20 : memref<!tpu.dma_semaphore, #tpu.memory_space<semaphore_mem>>) src(%dma_wait3A_310 : memref<1000000x64xf32, #tpu.memory_space<hbm>>) dst(%dma_wait3A_304 : memref<128x64xf32, #tpu.memory_space<vmem>>)
    %dma_wait3A_311 = arith.constant 2 : i32
    %dma_wait3A_312 = arith.constant 256 : i32
    %dma_wait3A_313 = tpu.memref_slice %arg16[%dma_wait3A_312] : memref<512xf32, #tpu.memory_space<vmem>> -> memref<128xf32, #tpu.memory_space<vmem>>
    %dma_wait3A_314 = arith.constant 0 : i32
    %dma_wait3A_315 = tpu.memref_slice %arg11[%dma_wait3A_311, %dma_wait3A_314] : memref<4x128xi32, #tpu.memory_space<vmem>> -> memref<1x128xi32, #tpu.memory_space<vmem>>
    %dma_wait3A_316 = tpu.memref_squeeze %dma_wait3A_315 : memref<1x128xi32, #tpu.memory_space<vmem>> -> memref<128xi32, #tpu.memory_space<vmem>>
    %dma_wait3A_317 = arith.constant 0 : i32
    %dma_wait3A_318 = tpu.memref_slice %arg7[%dma_wait3A_317] : memref<1000000xf32, #tpu.memory_space<hbm>> -> memref<1000000xf32, #tpu.memory_space<hbm>>
    tpu.wait_indirect_dma semaphore(%arg20 : memref<!tpu.dma_semaphore, #tpu.memory_space<semaphore_mem>>) src(%dma_wait3A_318 : memref<1000000xf32, #tpu.memory_space<hbm>>) dst(%dma_wait3A_313 : memref<128xf32, #tpu.memory_space<vmem>>)
    %dma_wait3A_319 = arith.constant 2 : i32
    %dma_wait3A_320 = arith.constant 256 : i32
    %dma_wait3A_321 = tpu.memref_slice %arg17[%dma_wait3A_320] : memref<512xf32, #tpu.memory_space<vmem>> -> memref<128xf32, #tpu.memory_space<vmem>>
    %dma_wait3A_322 = arith.constant 0 : i32
    %dma_wait3A_323 = tpu.memref_slice %arg12[%dma_wait3A_319, %dma_wait3A_322] : memref<4x128xi32, #tpu.memory_space<vmem>> -> memref<1x128xi32, #tpu.memory_space<vmem>>
    %dma_wait3A_324 = tpu.memref_squeeze %dma_wait3A_323 : memref<1x128xi32, #tpu.memory_space<vmem>> -> memref<128xi32, #tpu.memory_space<vmem>>
    %dma_wait3A_325 = arith.constant 0 : i32
    %dma_wait3A_326 = tpu.memref_slice %arg7[%dma_wait3A_325] : memref<1000000xf32, #tpu.memory_space<hbm>> -> memref<1000000xf32, #tpu.memory_space<hbm>>
    tpu.wait_indirect_dma semaphore(%arg20 : memref<!tpu.dma_semaphore, #tpu.memory_space<semaphore_mem>>) src(%dma_wait3A_326 : memref<1000000xf32, #tpu.memory_space<hbm>>) dst(%dma_wait3A_321 : memref<128xf32, #tpu.memory_space<vmem>>)
    %dma_wait3A_327 = arith.constant 3 : i32
    %dma_wait3A_328 = arith.constant 384 : i32
    %dma_wait3A_329 = arith.constant 0 : i32
    %dma_wait3A_330 = tpu.memref_slice %arg13[%dma_wait3A_328, %dma_wait3A_329] : memref<512x64xf32, #tpu.memory_space<vmem>> -> memref<128x64xf32, #tpu.memory_space<vmem>>
    %dma_wait3A_331 = arith.constant 0 : i32
    %dma_wait3A_332 = tpu.memref_slice %arg10[%dma_wait3A_327, %dma_wait3A_331] : memref<4x128xi32, #tpu.memory_space<vmem>> -> memref<1x128xi32, #tpu.memory_space<vmem>>
    %dma_wait3A_333 = tpu.memref_squeeze %dma_wait3A_332 : memref<1x128xi32, #tpu.memory_space<vmem>> -> memref<128xi32, #tpu.memory_space<vmem>>
    %dma_wait3A_334 = arith.constant 0 : i32
    %dma_wait3A_335 = arith.constant 0 : i32
    %dma_wait3A_336 = tpu.memref_slice %arg5[%dma_wait3A_334, %dma_wait3A_335] : memref<1000000x64xf32, #tpu.memory_space<hbm>> -> memref<1000000x64xf32, #tpu.memory_space<hbm>>
    tpu.wait_indirect_dma semaphore(%arg20 : memref<!tpu.dma_semaphore, #tpu.memory_space<semaphore_mem>>) src(%dma_wait3A_336 : memref<1000000x64xf32, #tpu.memory_space<hbm>>) dst(%dma_wait3A_330 : memref<128x64xf32, #tpu.memory_space<vmem>>)
    %dma_wait3A_337 = arith.constant 3 : i32
    %dma_wait3A_338 = arith.constant 384 : i32
    %dma_wait3A_339 = arith.constant 0 : i32
    %dma_wait3A_340 = tpu.memref_slice %arg14[%dma_wait3A_338, %dma_wait3A_339] : memref<512x64xf32, #tpu.memory_space<vmem>> -> memref<128x64xf32, #tpu.memory_space<vmem>>
    %dma_wait3A_341 = arith.constant 0 : i32
    %dma_wait3A_342 = tpu.memref_slice %arg11[%dma_wait3A_337, %dma_wait3A_341] : memref<4x128xi32, #tpu.memory_space<vmem>> -> memref<1x128xi32, #tpu.memory_space<vmem>>
    %dma_wait3A_343 = tpu.memref_squeeze %dma_wait3A_342 : memref<1x128xi32, #tpu.memory_space<vmem>> -> memref<128xi32, #tpu.memory_space<vmem>>
    %dma_wait3A_344 = arith.constant 0 : i32
    %dma_wait3A_345 = arith.constant 0 : i32
    %dma_wait3A_346 = tpu.memref_slice %arg6[%dma_wait3A_344, %dma_wait3A_345] : memref<1000000x64xf32, #tpu.memory_space<hbm>> -> memref<1000000x64xf32, #tpu.memory_space<hbm>>
    tpu.wait_indirect_dma semaphore(%arg20 : memref<!tpu.dma_semaphore, #tpu.memory_space<semaphore_mem>>) src(%dma_wait3A_346 : memref<1000000x64xf32, #tpu.memory_space<hbm>>) dst(%dma_wait3A_340 : memref<128x64xf32, #tpu.memory_space<vmem>>)
    %dma_wait3A_347 = arith.constant 3 : i32
    %dma_wait3A_348 = arith.constant 384 : i32
    %dma_wait3A_349 = arith.constant 0 : i32
    %dma_wait3A_350 = tpu.memref_slice %arg15[%dma_wait3A_348, %dma_wait3A_349] : memref<512x64xf32, #tpu.memory_space<vmem>> -> memref<128x64xf32, #tpu.memory_space<vmem>>
    %dma_wait3A_351 = arith.constant 0 : i32
    %dma_wait3A_352 = tpu.memref_slice %arg12[%dma_wait3A_347, %dma_wait3A_351] : memref<4x128xi32, #tpu.memory_space<vmem>> -> memref<1x128xi32, #tpu.memory_space<vmem>>
    %dma_wait3A_353 = tpu.memref_squeeze %dma_wait3A_352 : memref<1x128xi32, #tpu.memory_space<vmem>> -> memref<128xi32, #tpu.memory_space<vmem>>
    %dma_wait3A_354 = arith.constant 0 : i32
    %dma_wait3A_355 = arith.constant 0 : i32
    %dma_wait3A_356 = tpu.memref_slice %arg6[%dma_wait3A_354, %dma_wait3A_355] : memref<1000000x64xf32, #tpu.memory_space<hbm>> -> memref<1000000x64xf32, #tpu.memory_space<hbm>>
    tpu.wait_indirect_dma semaphore(%arg20 : memref<!tpu.dma_semaphore, #tpu.memory_space<semaphore_mem>>) src(%dma_wait3A_356 : memref<1000000x64xf32, #tpu.memory_space<hbm>>) dst(%dma_wait3A_350 : memref<128x64xf32, #tpu.memory_space<vmem>>)
    %dma_wait3A_357 = arith.constant 3 : i32
    %dma_wait3A_358 = arith.constant 384 : i32
    %dma_wait3A_359 = tpu.memref_slice %arg16[%dma_wait3A_358] : memref<512xf32, #tpu.memory_space<vmem>> -> memref<128xf32, #tpu.memory_space<vmem>>
    %dma_wait3A_360 = arith.constant 0 : i32
    %dma_wait3A_361 = tpu.memref_slice %arg11[%dma_wait3A_357, %dma_wait3A_360] : memref<4x128xi32, #tpu.memory_space<vmem>> -> memref<1x128xi32, #tpu.memory_space<vmem>>
    %dma_wait3A_362 = tpu.memref_squeeze %dma_wait3A_361 : memref<1x128xi32, #tpu.memory_space<vmem>> -> memref<128xi32, #tpu.memory_space<vmem>>
    %dma_wait3A_363 = arith.constant 0 : i32
    %dma_wait3A_364 = tpu.memref_slice %arg7[%dma_wait3A_363] : memref<1000000xf32, #tpu.memory_space<hbm>> -> memref<1000000xf32, #tpu.memory_space<hbm>>
    tpu.wait_indirect_dma semaphore(%arg20 : memref<!tpu.dma_semaphore, #tpu.memory_space<semaphore_mem>>) src(%dma_wait3A_364 : memref<1000000xf32, #tpu.memory_space<hbm>>) dst(%dma_wait3A_359 : memref<128xf32, #tpu.memory_space<vmem>>)
    %dma_wait3A_365 = arith.constant 3 : i32
    %dma_wait3A_366 = arith.constant 384 : i32
    %dma_wait3A_367 = tpu.memref_slice %arg17[%dma_wait3A_366] : memref<512xf32, #tpu.memory_space<vmem>> -> memref<128xf32, #tpu.memory_space<vmem>>
    %dma_wait3A_368 = arith.constant 0 : i32
    %dma_wait3A_369 = tpu.memref_slice %arg12[%dma_wait3A_365, %dma_wait3A_368] : memref<4x128xi32, #tpu.memory_space<vmem>> -> memref<1x128xi32, #tpu.memory_space<vmem>>
    %dma_wait3A_370 = tpu.memref_squeeze %dma_wait3A_369 : memref<1x128xi32, #tpu.memory_space<vmem>> -> memref<128xi32, #tpu.memory_space<vmem>>
    %dma_wait3A_371 = arith.constant 0 : i32
    %dma_wait3A_372 = tpu.memref_slice %arg7[%dma_wait3A_371] : memref<1000000xf32, #tpu.memory_space<hbm>> -> memref<1000000xf32, #tpu.memory_space<hbm>>
    tpu.wait_indirect_dma semaphore(%arg20 : memref<!tpu.dma_semaphore, #tpu.memory_space<semaphore_mem>>) src(%dma_wait3A_372 : memref<1000000xf32, #tpu.memory_space<hbm>>) dst(%dma_wait3A_367 : memref<128xf32, #tpu.memory_space<vmem>>)
    %broadcast_in_dim3A = arith.constant 0.000000e+00 : f32
    %broadcast_in_dim3A_373 = vector.broadcast %broadcast_in_dim3A : f32 to vector<16xf32>
    %scan3A = arith.constant 0.000000e+00 : f32
    %scan3A_374 = arith.constant 0 : i32
    %scan3A_375 = arith.constant 32 : i32
    %scan3A_376 = arith.addi %scan3A_374, %scan3A_375 : i32
    %scan3A_377 = arith.constant 1 : i32
    %scan3A_378:2 = scf.for %scan3A_390 = %scan3A_374 to %scan3A_376 step %scan3A_377 iter_args(%scan3A_391 = %scan3A, %scan3A_392 = %broadcast_in_dim3A_373) -> (f32, vector<16xf32>)  : i32 {
      %mul3A_393 = arith.constant 16 : i32
      %mul3A_394 = arith.muli %scan3A_390, %mul3A_393 : i32
      %get3A = arith.index_cast %mul3A_394 : i32 to index
      %get3A_395 = tpu.vector_load %arg16[%get3A] {strides = array<i32>} : memref<512xf32, #tpu.memory_space<vmem>>, vector<16xf32>,
      %mul3A_396 = arith.constant 16 : i32
      %mul3A_397 = arith.muli %scan3A_390, %mul3A_396 : i32
      %get3A_398 = arith.index_cast %mul3A_397 : i32 to index
      %get3A_399 = tpu.vector_load %arg17[%get3A_398] {strides = array<i32>} : memref<512xf32, #tpu.memory_space<vmem>>, vector<16xf32>,
      %mul3A_400 = arith.constant 16 : i32
      %mul3A_401 = arith.muli %scan3A_390, %mul3A_400 : i32
      %add3A_402 = arith.constant 0 : i32
      %add3A_403 = arith.addi %mul3A_401, %add3A_402 : i32
      %broadcast_in_dim3A_404 = arith.constant 0.000000e+00 : f32
      %broadcast_in_dim3A_405 = vector.broadcast %broadcast_in_dim3A_404 : f32 to vector<16xf32>
      %broadcast_in_dim3A_406 = arith.constant 0.000000e+00 : f32
      %broadcast_in_dim3A_407 = vector.broadcast %broadcast_in_dim3A_406 : f32 to vector<16xf32>
      %get3A_408 = arith.index_cast %add3A_403 : i32 to index
      %get3A_409 = arith.constant 0 : index
      %get3A_410 = tpu.vector_load %arg13[%get3A_408, %get3A_409] {strides = array<i32>} : memref<512x64xf32, #tpu.memory_space<vmem>>, vector<16xf32>,
      %get3A_411 = arith.index_cast %add3A_403 : i32 to index
      %get3A_412 = arith.constant 0 : index
      %get3A_413 = tpu.vector_load %arg14[%get3A_411, %get3A_412] {strides = array<i32>} : memref<512x64xf32, #tpu.memory_space<vmem>>, vector<16xf32>,
      %get3A_414 = arith.index_cast %add3A_403 : i32 to index
      %get3A_415 = arith.constant 0 : index
      %get3A_416 = tpu.vector_load %arg15[%get3A_414, %get3A_415] {strides = array<i32>} : memref<512x64xf32, #tpu.memory_space<vmem>>, vector<16xf32>,
      %sub3A = arith.subf %get3A_410, %get3A_413 : vector<16xf32>
      %sub3A_417 = arith.subf %get3A_410, %get3A_416 : vector<16xf32>
      %mul3A_418 = arith.mulf %sub3A, %sub3A : vector<16xf32>
      %add3A_419 = arith.addf %broadcast_in_dim3A_405, %mul3A_418 : vector<16xf32>
      %mul3A_420 = arith.mulf %sub3A_417, %sub3A_417 : vector<16xf32>
      %add3A_421 = arith.addf %broadcast_in_dim3A_407, %mul3A_420 : vector<16xf32>
      %mul3A_422 = arith.mulf %get3A_410, %get3A_410 : vector<16xf32>
      %add3A_423 = arith.addf %scan3A_392, %mul3A_422 : vector<16xf32>
      %mul3A_424 = arith.mulf %get3A_413, %get3A_413 : vector<16xf32>
      %add3A_425 = arith.addf %add3A_423, %mul3A_424 : vector<16xf32>
      %mul3A_426 = arith.mulf %get3A_416, %get3A_416 : vector<16xf32>
      %add3A_427 = arith.addf %add3A_425, %mul3A_426 : vector<16xf32>
      %get3A_428 = arith.index_cast %add3A_403 : i32 to index
      %get3A_429 = arith.constant 16 : index
      %get3A_430 = tpu.vector_load %arg13[%get3A_428, %get3A_429] {strides = array<i32>} : memref<512x64xf32, #tpu.memory_space<vmem>>, vector<16xf32>,
      %get3A_431 = arith.index_cast %add3A_403 : i32 to index
      %get3A_432 = arith.constant 16 : index
      %get3A_433 = tpu.vector_load %arg14[%get3A_431, %get3A_432] {strides = array<i32>} : memref<512x64xf32, #tpu.memory_space<vmem>>, vector<16xf32>,
      %get3A_434 = arith.index_cast %add3A_403 : i32 to index
      %get3A_435 = arith.constant 16 : index
      %get3A_436 = tpu.vector_load %arg15[%get3A_434, %get3A_435] {strides = array<i32>} : memref<512x64xf32, #tpu.memory_space<vmem>>, vector<16xf32>,
      %sub3A_437 = arith.subf %get3A_430, %get3A_433 : vector<16xf32>
      %sub3A_438 = arith.subf %get3A_430, %get3A_436 : vector<16xf32>
      %mul3A_439 = arith.mulf %sub3A_437, %sub3A_437 : vector<16xf32>
      %add3A_440 = arith.addf %add3A_419, %mul3A_439 : vector<16xf32>
      %mul3A_441 = arith.mulf %sub3A_438, %sub3A_438 : vector<16xf32>
      %add3A_442 = arith.addf %add3A_421, %mul3A_441 : vector<16xf32>
      %mul3A_443 = arith.mulf %get3A_430, %get3A_430 : vector<16xf32>
      %add3A_444 = arith.addf %add3A_427, %mul3A_443 : vector<16xf32>
      %mul3A_445 = arith.mulf %get3A_433, %get3A_433 : vector<16xf32>
      %add3A_446 = arith.addf %add3A_444, %mul3A_445 : vector<16xf32>
      %mul3A_447 = arith.mulf %get3A_436, %get3A_436 : vector<16xf32>
      %add3A_448 = arith.addf %add3A_446, %mul3A_447 : vector<16xf32>
      %get3A_449 = arith.index_cast %add3A_403 : i32 to index
      %get3A_450 = arith.constant 32 : index
      %get3A_451 = tpu.vector_load %arg13[%get3A_449, %get3A_450] {strides = array<i32>} : memref<512x64xf32, #tpu.memory_space<vmem>>, vector<16xf32>,
      %get3A_452 = arith.index_cast %add3A_403 : i32 to index
      %get3A_453 = arith.constant 32 : index
      %get3A_454 = tpu.vector_load %arg14[%get3A_452, %get3A_453] {strides = array<i32>} : memref<512x64xf32, #tpu.memory_space<vmem>>, vector<16xf32>,
      %get3A_455 = arith.index_cast %add3A_403 : i32 to index
      %get3A_456 = arith.constant 32 : index
      %get3A_457 = tpu.vector_load %arg15[%get3A_455, %get3A_456] {strides = array<i32>} : memref<512x64xf32, #tpu.memory_space<vmem>>, vector<16xf32>,
      %sub3A_458 = arith.subf %get3A_451, %get3A_454 : vector<16xf32>
      %sub3A_459 = arith.subf %get3A_451, %get3A_457 : vector<16xf32>
      %mul3A_460 = arith.mulf %sub3A_458, %sub3A_458 : vector<16xf32>
      %add3A_461 = arith.addf %add3A_440, %mul3A_460 : vector<16xf32>
      %mul3A_462 = arith.mulf %sub3A_459, %sub3A_459 : vector<16xf32>
      %add3A_463 = arith.addf %add3A_442, %mul3A_462 : vector<16xf32>
      %mul3A_464 = arith.mulf %get3A_451, %get3A_451 : vector<16xf32>
      %add3A_465 = arith.addf %add3A_448, %mul3A_464 : vector<16xf32>
      %mul3A_466 = arith.mulf %get3A_454, %get3A_454 : vector<16xf32>
      %add3A_467 = arith.addf %add3A_465, %mul3A_466 : vector<16xf32>
      %mul3A_468 = arith.mulf %get3A_457, %get3A_457 : vector<16xf32>
      %add3A_469 = arith.addf %add3A_467, %mul3A_468 : vector<16xf32>
      %get3A_470 = arith.index_cast %add3A_403 : i32 to index
      %get3A_471 = arith.constant 48 : index
      %get3A_472 = tpu.vector_load %arg13[%get3A_470, %get3A_471] {strides = array<i32>} : memref<512x64xf32, #tpu.memory_space<vmem>>, vector<16xf32>,
      %get3A_473 = arith.index_cast %add3A_403 : i32 to index
      %get3A_474 = arith.constant 48 : index
      %get3A_475 = tpu.vector_load %arg14[%get3A_473, %get3A_474] {strides = array<i32>} : memref<512x64xf32, #tpu.memory_space<vmem>>, vector<16xf32>,
      %get3A_476 = arith.index_cast %add3A_403 : i32 to index
      %get3A_477 = arith.constant 48 : index
      %get3A_478 = tpu.vector_load %arg15[%get3A_476, %get3A_477] {strides = array<i32>} : memref<512x64xf32, #tpu.memory_space<vmem>>, vector<16xf32>,
      %sub3A_479 = arith.subf %get3A_472, %get3A_475 : vector<16xf32>
      %sub3A_480 = arith.subf %get3A_472, %get3A_478 : vector<16xf32>
      %mul3A_481 = arith.mulf %sub3A_479, %sub3A_479 : vector<16xf32>
      %add3A_482 = arith.addf %add3A_461, %mul3A_481 : vector<16xf32>
      %mul3A_483 = arith.mulf %sub3A_480, %sub3A_480 : vector<16xf32>
      %add3A_484 = arith.addf %add3A_463, %mul3A_483 : vector<16xf32>
      %mul3A_485 = arith.mulf %get3A_472, %get3A_472 : vector<16xf32>
      %add3A_486 = arith.addf %add3A_469, %mul3A_485 : vector<16xf32>
      %mul3A_487 = arith.mulf %get3A_475, %get3A_475 : vector<16xf32>
      %add3A_488 = arith.addf %add3A_486, %mul3A_487 : vector<16xf32>
      %mul3A_489 = arith.mulf %get3A_478, %get3A_478 : vector<16xf32>
      %add3A_490 = arith.addf %add3A_488, %mul3A_489 : vector<16xf32>
      %reduce_sum3A = arith.constant true
      %reduce_sum3A_491 = vector.broadcast %reduce_sum3A : i1 to vector<16xi1>
      %reduce_sum3A_492 = tpu.scan <sum>, %add3A_482 masked %reduce_sum3A_491 : vector<16xf32>, vector<16xi1> -> vector<16xf32>
      %reduce_sum3A_493 = vector.extract %reduce_sum3A_492[15] : f32 from vector<16xf32>
      %reduce_sum3A_494 = arith.constant true
      %reduce_sum3A_495 = vector.broadcast %reduce_sum3A_494 : i1 to vector<16xi1>
      %reduce_sum3A_496 = tpu.scan <sum>, %add3A_484 masked %reduce_sum3A_495 : vector<16xf32>, vector<16xi1> -> vector<16xf32>
      %reduce_sum3A_497 = vector.extract %reduce_sum3A_496[15] : f32 from vector<16xf32>
      %sub3A_498 = arith.subf %reduce_sum3A_497, %reduce_sum3A_493 : f32
      %slice3A = vector.extract_strided_slice %get3A_395 {offsets = [0], sizes = [1], strides = [1]} : vector<16xf32> to vector<1xf32>
      %squeeze3A = vector.extract %slice3A[0] : f32 from vector<1xf32>
      %slice3A_499 = vector.extract_strided_slice %get3A_399 {offsets = [0], sizes = [1], strides = [1]} : vector<16xf32> to vector<1xf32>
      %squeeze3A_500 = vector.extract %slice3A_499[0] : f32 from vector<1xf32>
      %sub3A_501 = arith.subf %squeeze3A, %squeeze3A_500 : f32
      %add3A_502 = arith.addf %sub3A_498, %sub3A_501 : f32
      %sub3A_503 = arith.constant 5.000000e-01 : f32
      %sub3A_504 = arith.subf %sub3A_503, %add3A_502 : f32
      %max3A = arith.constant 0.000000e+00 : f32
      %max3A_505 = arith.maximumf %sub3A_504, %max3A : f32
      %add3A_506 = arith.addf %scan3A_391, %max3A_505 : f32
      %mul3A_507 = arith.constant 16 : i32
      %mul3A_508 = arith.muli %scan3A_390, %mul3A_507 : i32
      %add3A_509 = arith.constant 1 : i32
      %add3A_510 = arith.addi %mul3A_508, %add3A_509 : i32
      %broadcast_in_dim3A_511 = arith.constant 0.000000e+00 : f32
      %broadcast_in_dim3A_512 = vector.broadcast %broadcast_in_dim3A_511 : f32 to vector<16xf32>
      %broadcast_in_dim3A_513 = arith.constant 0.000000e+00 : f32
      %broadcast_in_dim3A_514 = vector.broadcast %broadcast_in_dim3A_513 : f32 to vector<16xf32>
      %get3A_515 = arith.index_cast %add3A_510 : i32 to index
      %get3A_516 = arith.constant 0 : index
      %get3A_517 = tpu.vector_load %arg13[%get3A_515, %get3A_516] {strides = array<i32>} : memref<512x64xf32, #tpu.memory_space<vmem>>, vector<16xf32>,
      %get3A_518 = arith.index_cast %add3A_510 : i32 to index
      %get3A_519 = arith.constant 0 : index
      %get3A_520 = tpu.vector_load %arg14[%get3A_518, %get3A_519] {strides = array<i32>} : memref<512x64xf32, #tpu.memory_space<vmem>>, vector<16xf32>,
      %get3A_521 = arith.index_cast %add3A_510 : i32 to index
      %get3A_522 = arith.constant 0 : index
      %get3A_523 = tpu.vector_load %arg15[%get3A_521, %get3A_522] {strides = array<i32>} : memref<512x64xf32, #tpu.memory_space<vmem>>, vector<16xf32>,
      %sub3A_524 = arith.subf %get3A_517, %get3A_520 : vector<16xf32>
      %sub3A_525 = arith.subf %get3A_517, %get3A_523 : vector<16xf32>
      %mul3A_526 = arith.mulf %sub3A_524, %sub3A_524 : vector<16xf32>
      %add3A_527 = arith.addf %broadcast_in_dim3A_512, %mul3A_526 : vector<16xf32>
      %mul3A_528 = arith.mulf %sub3A_525, %sub3A_525 : vector<16xf32>
      %add3A_529 = arith.addf %broadcast_in_dim3A_514, %mul3A_528 : vector<16xf32>
      %mul3A_530 = arith.mulf %get3A_517, %get3A_517 : vector<16xf32>
      %add3A_531 = arith.addf %add3A_490, %mul3A_530 : vector<16xf32>
      %mul3A_532 = arith.mulf %get3A_520, %get3A_520 : vector<16xf32>
      %add3A_533 = arith.addf %add3A_531, %mul3A_532 : vector<16xf32>
      %mul3A_534 = arith.mulf %get3A_523, %get3A_523 : vector<16xf32>
      %add3A_535 = arith.addf %add3A_533, %mul3A_534 : vector<16xf32>
      %get3A_536 = arith.index_cast %add3A_510 : i32 to index
      %get3A_537 = arith.constant 16 : index
      %get3A_538 = tpu.vector_load %arg13[%get3A_536, %get3A_537] {strides = array<i32>} : memref<512x64xf32, #tpu.memory_space<vmem>>, vector<16xf32>,
      %get3A_539 = arith.index_cast %add3A_510 : i32 to index
      %get3A_540 = arith.constant 16 : index
      %get3A_541 = tpu.vector_load %arg14[%get3A_539, %get3A_540] {strides = array<i32>} : memref<512x64xf32, #tpu.memory_space<vmem>>, vector<16xf32>,
      %get3A_542 = arith.index_cast %add3A_510 : i32 to index
      %get3A_543 = arith.constant 16 : index
      %get3A_544 = tpu.vector_load %arg15[%get3A_542, %get3A_543] {strides = array<i32>} : memref<512x64xf32, #tpu.memory_space<vmem>>, vector<16xf32>,
      %sub3A_545 = arith.subf %get3A_538, %get3A_541 : vector<16xf32>
      %sub3A_546 = arith.subf %get3A_538, %get3A_544 : vector<16xf32>
      %mul3A_547 = arith.mulf %sub3A_545, %sub3A_545 : vector<16xf32>
      %add3A_548 = arith.addf %add3A_527, %mul3A_547 : vector<16xf32>
      %mul3A_549 = arith.mulf %sub3A_546, %sub3A_546 : vector<16xf32>
      %add3A_550 = arith.addf %add3A_529, %mul3A_549 : vector<16xf32>
      %mul3A_551 = arith.mulf %get3A_538, %get3A_538 : vector<16xf32>
      %add3A_552 = arith.addf %add3A_535, %mul3A_551 : vector<16xf32>
      %mul3A_553 = arith.mulf %get3A_541, %get3A_541 : vector<16xf32>
      %add3A_554 = arith.addf %add3A_552, %mul3A_553 : vector<16xf32>
      %mul3A_555 = arith.mulf %get3A_544, %get3A_544 : vector<16xf32>
      %add3A_556 = arith.addf %add3A_554, %mul3A_555 : vector<16xf32>
      %get3A_557 = arith.index_cast %add3A_510 : i32 to index
      %get3A_558 = arith.constant 32 : index
      %get3A_559 = tpu.vector_load %arg13[%get3A_557, %get3A_558] {strides = array<i32>} : memref<512x64xf32, #tpu.memory_space<vmem>>, vector<16xf32>,
      %get3A_560 = arith.index_cast %add3A_510 : i32 to index
      %get3A_561 = arith.constant 32 : index
      %get3A_562 = tpu.vector_load %arg14[%get3A_560, %get3A_561] {strides = array<i32>} : memref<512x64xf32, #tpu.memory_space<vmem>>, vector<16xf32>,
      %get3A_563 = arith.index_cast %add3A_510 : i32 to index
      %get3A_564 = arith.constant 32 : index
      %get3A_565 = tpu.vector_load %arg15[%get3A_563, %get3A_564] {strides = array<i32>} : memref<512x64xf32, #tpu.memory_space<vmem>>, vector<16xf32>,
      %sub3A_566 = arith.subf %get3A_559, %get3A_562 : vector<16xf32>
      %sub3A_567 = arith.subf %get3A_559, %get3A_565 : vector<16xf32>
      %mul3A_568 = arith.mulf %sub3A_566, %sub3A_566 : vector<16xf32>
      %add3A_569 = arith.addf %add3A_548, %mul3A_568 : vector<16xf32>
      %mul3A_570 = arith.mulf %sub3A_567, %sub3A_567 : vector<16xf32>
      %add3A_571 = arith.addf %add3A_550, %mul3A_570 : vector<16xf32>
      %mul3A_572 = arith.mulf %get3A_559, %get3A_559 : vector<16xf32>
      %add3A_573 = arith.addf %add3A_556, %mul3A_572 : vector<16xf32>
      %mul3A_574 = arith.mulf %get3A_562, %get3A_562 : vector<16xf32>
      %add3A_575 = arith.addf %add3A_573, %mul3A_574 : vector<16xf32>
      %mul3A_576 = arith.mulf %get3A_565, %get3A_565 : vector<16xf32>
      %add3A_577 = arith.addf %add3A_575, %mul3A_576 : vector<16xf32>
      %get3A_578 = arith.index_cast %add3A_510 : i32 to index
      %get3A_579 = arith.constant 48 : index
      %get3A_580 = tpu.vector_load %arg13[%get3A_578, %get3A_579] {strides = array<i32>} : memref<512x64xf32, #tpu.memory_space<vmem>>, vector<16xf32>,
      %get3A_581 = arith.index_cast %add3A_510 : i32 to index
      %get3A_582 = arith.constant 48 : index
      %get3A_583 = tpu.vector_load %arg14[%get3A_581, %get3A_582] {strides = array<i32>} : memref<512x64xf32, #tpu.memory_space<vmem>>, vector<16xf32>,
      %get3A_584 = arith.index_cast %add3A_510 : i32 to index
      %get3A_585 = arith.constant 48 : index
      %get3A_586 = tpu.vector_load %arg15[%get3A_584, %get3A_585] {strides = array<i32>} : memref<512x64xf32, #tpu.memory_space<vmem>>, vector<16xf32>,
      %sub3A_587 = arith.subf %get3A_580, %get3A_583 : vector<16xf32>
      %sub3A_588 = arith.subf %get3A_580, %get3A_586 : vector<16xf32>
      %mul3A_589 = arith.mulf %sub3A_587, %sub3A_587 : vector<16xf32>
      %add3A_590 = arith.addf %add3A_569, %mul3A_589 : vector<16xf32>
      %mul3A_591 = arith.mulf %sub3A_588, %sub3A_588 : vector<16xf32>
      %add3A_592 = arith.addf %add3A_571, %mul3A_591 : vector<16xf32>
      %mul3A_593 = arith.mulf %get3A_580, %get3A_580 : vector<16xf32>
      %add3A_594 = arith.addf %add3A_577, %mul3A_593 : vector<16xf32>
      %mul3A_595 = arith.mulf %get3A_583, %get3A_583 : vector<16xf32>
      %add3A_596 = arith.addf %add3A_594, %mul3A_595 : vector<16xf32>
      %mul3A_597 = arith.mulf %get3A_586, %get3A_586 : vector<16xf32>
      %add3A_598 = arith.addf %add3A_596, %mul3A_597 : vector<16xf32>
      %reduce_sum3A_599 = arith.constant true
      %reduce_sum3A_600 = vector.broadcast %reduce_sum3A_599 : i1 to vector<16xi1>
      %reduce_sum3A_601 = tpu.scan <sum>, %add3A_590 masked %reduce_sum3A_600 : vector<16xf32>, vector<16xi1> -> vector<16xf32>
      %reduce_sum3A_602 = vector.extract %reduce_sum3A_601[15] : f32 from vector<16xf32>
      %reduce_sum3A_603 = arith.constant true
      %reduce_sum3A_604 = vector.broadcast %reduce_sum3A_603 : i1 to vector<16xi1>
      %reduce_sum3A_605 = tpu.scan <sum>, %add3A_592 masked %reduce_sum3A_604 : vector<16xf32>, vector<16xi1> -> vector<16xf32>
      %reduce_sum3A_606 = vector.extract %reduce_sum3A_605[15] : f32 from vector<16xf32>
      %sub3A_607 = arith.subf %reduce_sum3A_606, %reduce_sum3A_602 : f32
      %slice3A_608 = vector.extract_strided_slice %get3A_395 {offsets = [1], sizes = [1], strides = [1]} : vector<16xf32> to vector<1xf32>
      %squeeze3A_609 = vector.extract %slice3A_608[0] : f32 from vector<1xf32>
      %slice3A_610 = vector.extract_strided_slice %get3A_399 {offsets = [1], sizes = [1], strides = [1]} : vector<16xf32> to vector<1xf32>
      %squeeze3A_611 = vector.extract %slice3A_610[0] : f32 from vector<1xf32>
      %sub3A_612 = arith.subf %squeeze3A_609, %squeeze3A_611 : f32
      %add3A_613 = arith.addf %sub3A_607, %sub3A_612 : f32
      %sub3A_614 = arith.constant 5.000000e-01 : f32
      %sub3A_615 = arith.subf %sub3A_614, %add3A_613 : f32
      %max3A_616 = arith.constant 0.000000e+00 : f32
      %max3A_617 = arith.maximumf %sub3A_615, %max3A_616 : f32
      %add3A_618 = arith.addf %add3A_506, %max3A_617 : f32
      %mul3A_619 = arith.constant 16 : i32
      %mul3A_620 = arith.muli %scan3A_390, %mul3A_619 : i32
      %add3A_621 = arith.constant 2 : i32
      %add3A_622 = arith.addi %mul3A_620, %add3A_621 : i32
      %broadcast_in_dim3A_623 = arith.constant 0.000000e+00 : f32
      %broadcast_in_dim3A_624 = vector.broadcast %broadcast_in_dim3A_623 : f32 to vector<16xf32>
      %broadcast_in_dim3A_625 = arith.constant 0.000000e+00 : f32
      %broadcast_in_dim3A_626 = vector.broadcast %broadcast_in_dim3A_625 : f32 to vector<16xf32>
      %get3A_627 = arith.index_cast %add3A_622 : i32 to index
      %get3A_628 = arith.constant 0 : index
      %get3A_629 = tpu.vector_load %arg13[%get3A_627, %get3A_628] {strides = array<i32>} : memref<512x64xf32, #tpu.memory_space<vmem>>, vector<16xf32>,
      %get3A_630 = arith.index_cast %add3A_622 : i32 to index
      %get3A_631 = arith.constant 0 : index
      %get3A_632 = tpu.vector_load %arg14[%get3A_630, %get3A_631] {strides = array<i32>} : memref<512x64xf32, #tpu.memory_space<vmem>>, vector<16xf32>,
      %get3A_633 = arith.index_cast %add3A_622 : i32 to index
      %get3A_634 = arith.constant 0 : index
      %get3A_635 = tpu.vector_load %arg15[%get3A_633, %get3A_634] {strides = array<i32>} : memref<512x64xf32, #tpu.memory_space<vmem>>, vector<16xf32>,
      %sub3A_636 = arith.subf %get3A_629, %get3A_632 : vector<16xf32>
      %sub3A_637 = arith.subf %get3A_629, %get3A_635 : vector<16xf32>
      %mul3A_638 = arith.mulf %sub3A_636, %sub3A_636 : vector<16xf32>
      %add3A_639 = arith.addf %broadcast_in_dim3A_624, %mul3A_638 : vector<16xf32>
      %mul3A_640 = arith.mulf %sub3A_637, %sub3A_637 : vector<16xf32>
      %add3A_641 = arith.addf %broadcast_in_dim3A_626, %mul3A_640 : vector<16xf32>
      %mul3A_642 = arith.mulf %get3A_629, %get3A_629 : vector<16xf32>
      %add3A_643 = arith.addf %add3A_598, %mul3A_642 : vector<16xf32>
      %mul3A_644 = arith.mulf %get3A_632, %get3A_632 : vector<16xf32>
      %add3A_645 = arith.addf %add3A_643, %mul3A_644 : vector<16xf32>
      %mul3A_646 = arith.mulf %get3A_635, %get3A_635 : vector<16xf32>
      %add3A_647 = arith.addf %add3A_645, %mul3A_646 : vector<16xf32>
      %get3A_648 = arith.index_cast %add3A_622 : i32 to index
      %get3A_649 = arith.constant 16 : index
      %get3A_650 = tpu.vector_load %arg13[%get3A_648, %get3A_649] {strides = array<i32>} : memref<512x64xf32, #tpu.memory_space<vmem>>, vector<16xf32>,
      %get3A_651 = arith.index_cast %add3A_622 : i32 to index
      %get3A_652 = arith.constant 16 : index
      %get3A_653 = tpu.vector_load %arg14[%get3A_651, %get3A_652] {strides = array<i32>} : memref<512x64xf32, #tpu.memory_space<vmem>>, vector<16xf32>,
      %get3A_654 = arith.index_cast %add3A_622 : i32 to index
      %get3A_655 = arith.constant 16 : index
      %get3A_656 = tpu.vector_load %arg15[%get3A_654, %get3A_655] {strides = array<i32>} : memref<512x64xf32, #tpu.memory_space<vmem>>, vector<16xf32>,
      %sub3A_657 = arith.subf %get3A_650, %get3A_653 : vector<16xf32>
      %sub3A_658 = arith.subf %get3A_650, %get3A_656 : vector<16xf32>
      %mul3A_659 = arith.mulf %sub3A_657, %sub3A_657 : vector<16xf32>
      %add3A_660 = arith.addf %add3A_639, %mul3A_659 : vector<16xf32>
      %mul3A_661 = arith.mulf %sub3A_658, %sub3A_658 : vector<16xf32>
      %add3A_662 = arith.addf %add3A_641, %mul3A_661 : vector<16xf32>
      %mul3A_663 = arith.mulf %get3A_650, %get3A_650 : vector<16xf32>
      %add3A_664 = arith.addf %add3A_647, %mul3A_663 : vector<16xf32>
      %mul3A_665 = arith.mulf %get3A_653, %get3A_653 : vector<16xf32>
      %add3A_666 = arith.addf %add3A_664, %mul3A_665 : vector<16xf32>
      %mul3A_667 = arith.mulf %get3A_656, %get3A_656 : vector<16xf32>
      %add3A_668 = arith.addf %add3A_666, %mul3A_667 : vector<16xf32>
      %get3A_669 = arith.index_cast %add3A_622 : i32 to index
      %get3A_670 = arith.constant 32 : index
      %get3A_671 = tpu.vector_load %arg13[%get3A_669, %get3A_670] {strides = array<i32>} : memref<512x64xf32, #tpu.memory_space<vmem>>, vector<16xf32>,
      %get3A_672 = arith.index_cast %add3A_622 : i32 to index
      %get3A_673 = arith.constant 32 : index
      %get3A_674 = tpu.vector_load %arg14[%get3A_672, %get3A_673] {strides = array<i32>} : memref<512x64xf32, #tpu.memory_space<vmem>>, vector<16xf32>,
      %get3A_675 = arith.index_cast %add3A_622 : i32 to index
      %get3A_676 = arith.constant 32 : index
      %get3A_677 = tpu.vector_load %arg15[%get3A_675, %get3A_676] {strides = array<i32>} : memref<512x64xf32, #tpu.memory_space<vmem>>, vector<16xf32>,
      %sub3A_678 = arith.subf %get3A_671, %get3A_674 : vector<16xf32>
      %sub3A_679 = arith.subf %get3A_671, %get3A_677 : vector<16xf32>
      %mul3A_680 = arith.mulf %sub3A_678, %sub3A_678 : vector<16xf32>
      %add3A_681 = arith.addf %add3A_660, %mul3A_680 : vector<16xf32>
      %mul3A_682 = arith.mulf %sub3A_679, %sub3A_679 : vector<16xf32>
      %add3A_683 = arith.addf %add3A_662, %mul3A_682 : vector<16xf32>
      %mul3A_684 = arith.mulf %get3A_671, %get3A_671 : vector<16xf32>
      %add3A_685 = arith.addf %add3A_668, %mul3A_684 : vector<16xf32>
      %mul3A_686 = arith.mulf %get3A_674, %get3A_674 : vector<16xf32>
      %add3A_687 = arith.addf %add3A_685, %mul3A_686 : vector<16xf32>
      %mul3A_688 = arith.mulf %get3A_677, %get3A_677 : vector<16xf32>
      %add3A_689 = arith.addf %add3A_687, %mul3A_688 : vector<16xf32>
      %get3A_690 = arith.index_cast %add3A_622 : i32 to index
      %get3A_691 = arith.constant 48 : index
      %get3A_692 = tpu.vector_load %arg13[%get3A_690, %get3A_691] {strides = array<i32>} : memref<512x64xf32, #tpu.memory_space<vmem>>, vector<16xf32>,
      %get3A_693 = arith.index_cast %add3A_622 : i32 to index
      %get3A_694 = arith.constant 48 : index
      %get3A_695 = tpu.vector_load %arg14[%get3A_693, %get3A_694] {strides = array<i32>} : memref<512x64xf32, #tpu.memory_space<vmem>>, vector<16xf32>,
      %get3A_696 = arith.index_cast %add3A_622 : i32 to index
      %get3A_697 = arith.constant 48 : index
      %get3A_698 = tpu.vector_load %arg15[%get3A_696, %get3A_697] {strides = array<i32>} : memref<512x64xf32, #tpu.memory_space<vmem>>, vector<16xf32>,
      %sub3A_699 = arith.subf %get3A_692, %get3A_695 : vector<16xf32>
      %sub3A_700 = arith.subf %get3A_692, %get3A_698 : vector<16xf32>
      %mul3A_701 = arith.mulf %sub3A_699, %sub3A_699 : vector<16xf32>
      %add3A_702 = arith.addf %add3A_681, %mul3A_701 : vector<16xf32>
      %mul3A_703 = arith.mulf %sub3A_700, %sub3A_700 : vector<16xf32>
      %add3A_704 = arith.addf %add3A_683, %mul3A_703 : vector<16xf32>
      %mul3A_705 = arith.mulf %get3A_692, %get3A_692 : vector<16xf32>
      %add3A_706 = arith.addf %add3A_689, %mul3A_705 : vector<16xf32>
      %mul3A_707 = arith.mulf %get3A_695, %get3A_695 : vector<16xf32>
      %add3A_708 = arith.addf %add3A_706, %mul3A_707 : vector<16xf32>
      %mul3A_709 = arith.mulf %get3A_698, %get3A_698 : vector<16xf32>
      %add3A_710 = arith.addf %add3A_708, %mul3A_709 : vector<16xf32>
      %reduce_sum3A_711 = arith.constant true
      %reduce_sum3A_712 = vector.broadcast %reduce_sum3A_711 : i1 to vector<16xi1>
      %reduce_sum3A_713 = tpu.scan <sum>, %add3A_702 masked %reduce_sum3A_712 : vector<16xf32>, vector<16xi1> -> vector<16xf32>
      %reduce_sum3A_714 = vector.extract %reduce_sum3A_713[15] : f32 from vector<16xf32>
      %reduce_sum3A_715 = arith.constant true
      %reduce_sum3A_716 = vector.broadcast %reduce_sum3A_715 : i1 to vector<16xi1>
      %reduce_sum3A_717 = tpu.scan <sum>, %add3A_704 masked %reduce_sum3A_716 : vector<16xf32>, vector<16xi1> -> vector<16xf32>
      %reduce_sum3A_718 = vector.extract %reduce_sum3A_717[15] : f32 from vector<16xf32>
      %sub3A_719 = arith.subf %reduce_sum3A_718, %reduce_sum3A_714 : f32
      %slice3A_720 = vector.extract_strided_slice %get3A_395 {offsets = [2], sizes = [1], strides = [1]} : vector<16xf32> to vector<1xf32>
      %squeeze3A_721 = vector.extract %slice3A_720[0] : f32 from vector<1xf32>
      %slice3A_722 = vector.extract_strided_slice %get3A_399 {offsets = [2], sizes = [1], strides = [1]} : vector<16xf32> to vector<1xf32>
      %squeeze3A_723 = vector.extract %slice3A_722[0] : f32 from vector<1xf32>
      %sub3A_724 = arith.subf %squeeze3A_721, %squeeze3A_723 : f32
      %add3A_725 = arith.addf %sub3A_719, %sub3A_724 : f32
      %sub3A_726 = arith.constant 5.000000e-01 : f32
      %sub3A_727 = arith.subf %sub3A_726, %add3A_725 : f32
      %max3A_728 = arith.constant 0.000000e+00 : f32
      %max3A_729 = arith.maximumf %sub3A_727, %max3A_728 : f32
      %add3A_730 = arith.addf %add3A_618, %max3A_729 : f32
      %mul3A_731 = arith.constant 16 : i32
      %mul3A_732 = arith.muli %scan3A_390, %mul3A_731 : i32
      %add3A_733 = arith.constant 3 : i32
      %add3A_734 = arith.addi %mul3A_732, %add3A_733 : i32
      %broadcast_in_dim3A_735 = arith.constant 0.000000e+00 : f32
      %broadcast_in_dim3A_736 = vector.broadcast %broadcast_in_dim3A_735 : f32 to vector<16xf32>
      %broadcast_in_dim3A_737 = arith.constant 0.000000e+00 : f32
      %broadcast_in_dim3A_738 = vector.broadcast %broadcast_in_dim3A_737 : f32 to vector<16xf32>
      %get3A_739 = arith.index_cast %add3A_734 : i32 to index
      %get3A_740 = arith.constant 0 : index
      %get3A_741 = tpu.vector_load %arg13[%get3A_739, %get3A_740] {strides = array<i32>} : memref<512x64xf32, #tpu.memory_space<vmem>>, vector<16xf32>,
      %get3A_742 = arith.index_cast %add3A_734 : i32 to index
      %get3A_743 = arith.constant 0 : index
      %get3A_744 = tpu.vector_load %arg14[%get3A_742, %get3A_743] {strides = array<i32>} : memref<512x64xf32, #tpu.memory_space<vmem>>, vector<16xf32>,
      %get3A_745 = arith.index_cast %add3A_734 : i32 to index
      %get3A_746 = arith.constant 0 : index
      %get3A_747 = tpu.vector_load %arg15[%get3A_745, %get3A_746] {strides = array<i32>} : memref<512x64xf32, #tpu.memory_space<vmem>>, vector<16xf32>,
      %sub3A_748 = arith.subf %get3A_741, %get3A_744 : vector<16xf32>
      %sub3A_749 = arith.subf %get3A_741, %get3A_747 : vector<16xf32>
      %mul3A_750 = arith.mulf %sub3A_748, %sub3A_748 : vector<16xf32>
      %add3A_751 = arith.addf %broadcast_in_dim3A_736, %mul3A_750 : vector<16xf32>
      %mul3A_752 = arith.mulf %sub3A_749, %sub3A_749 : vector<16xf32>
      %add3A_753 = arith.addf %broadcast_in_dim3A_738, %mul3A_752 : vector<16xf32>
      %mul3A_754 = arith.mulf %get3A_741, %get3A_741 : vector<16xf32>
      %add3A_755 = arith.addf %add3A_710, %mul3A_754 : vector<16xf32>
      %mul3A_756 = arith.mulf %get3A_744, %get3A_744 : vector<16xf32>
      %add3A_757 = arith.addf %add3A_755, %mul3A_756 : vector<16xf32>
      %mul3A_758 = arith.mulf %get3A_747, %get3A_747 : vector<16xf32>
      %add3A_759 = arith.addf %add3A_757, %mul3A_758 : vector<16xf32>
      %get3A_760 = arith.index_cast %add3A_734 : i32 to index
      %get3A_761 = arith.constant 16 : index
      %get3A_762 = tpu.vector_load %arg13[%get3A_760, %get3A_761] {strides = array<i32>} : memref<512x64xf32, #tpu.memory_space<vmem>>, vector<16xf32>,
      %get3A_763 = arith.index_cast %add3A_734 : i32 to index
      %get3A_764 = arith.constant 16 : index
      %get3A_765 = tpu.vector_load %arg14[%get3A_763, %get3A_764] {strides = array<i32>} : memref<512x64xf32, #tpu.memory_space<vmem>>, vector<16xf32>,
      %get3A_766 = arith.index_cast %add3A_734 : i32 to index
      %get3A_767 = arith.constant 16 : index
      %get3A_768 = tpu.vector_load %arg15[%get3A_766, %get3A_767] {strides = array<i32>} : memref<512x64xf32, #tpu.memory_space<vmem>>, vector<16xf32>,
      %sub3A_769 = arith.subf %get3A_762, %get3A_765 : vector<16xf32>
      %sub3A_770 = arith.subf %get3A_762, %get3A_768 : vector<16xf32>
      %mul3A_771 = arith.mulf %sub3A_769, %sub3A_769 : vector<16xf32>
      %add3A_772 = arith.addf %add3A_751, %mul3A_771 : vector<16xf32>
      %mul3A_773 = arith.mulf %sub3A_770, %sub3A_770 : vector<16xf32>
      %add3A_774 = arith.addf %add3A_753, %mul3A_773 : vector<16xf32>
      %mul3A_775 = arith.mulf %get3A_762, %get3A_762 : vector<16xf32>
      %add3A_776 = arith.addf %add3A_759, %mul3A_775 : vector<16xf32>
      %mul3A_777 = arith.mulf %get3A_765, %get3A_765 : vector<16xf32>
      %add3A_778 = arith.addf %add3A_776, %mul3A_777 : vector<16xf32>
      %mul3A_779 = arith.mulf %get3A_768, %get3A_768 : vector<16xf32>
      %add3A_780 = arith.addf %add3A_778, %mul3A_779 : vector<16xf32>
      %get3A_781 = arith.index_cast %add3A_734 : i32 to index
      %get3A_782 = arith.constant 32 : index
      %get3A_783 = tpu.vector_load %arg13[%get3A_781, %get3A_782] {strides = array<i32>} : memref<512x64xf32, #tpu.memory_space<vmem>>, vector<16xf32>,
      %get3A_784 = arith.index_cast %add3A_734 : i32 to index
      %get3A_785 = arith.constant 32 : index
      %get3A_786 = tpu.vector_load %arg14[%get3A_784, %get3A_785] {strides = array<i32>} : memref<512x64xf32, #tpu.memory_space<vmem>>, vector<16xf32>,
      %get3A_787 = arith.index_cast %add3A_734 : i32 to index
      %get3A_788 = arith.constant 32 : index
      %get3A_789 = tpu.vector_load %arg15[%get3A_787, %get3A_788] {strides = array<i32>} : memref<512x64xf32, #tpu.memory_space<vmem>>, vector<16xf32>,
      %sub3A_790 = arith.subf %get3A_783, %get3A_786 : vector<16xf32>
      %sub3A_791 = arith.subf %get3A_783, %get3A_789 : vector<16xf32>
      %mul3A_792 = arith.mulf %sub3A_790, %sub3A_790 : vector<16xf32>
      %add3A_793 = arith.addf %add3A_772, %mul3A_792 : vector<16xf32>
      %mul3A_794 = arith.mulf %sub3A_791, %sub3A_791 : vector<16xf32>
      %add3A_795 = arith.addf %add3A_774, %mul3A_794 : vector<16xf32>
      %mul3A_796 = arith.mulf %get3A_783, %get3A_783 : vector<16xf32>
      %add3A_797 = arith.addf %add3A_780, %mul3A_796 : vector<16xf32>
      %mul3A_798 = arith.mulf %get3A_786, %get3A_786 : vector<16xf32>
      %add3A_799 = arith.addf %add3A_797, %mul3A_798 : vector<16xf32>
      %mul3A_800 = arith.mulf %get3A_789, %get3A_789 : vector<16xf32>
      %add3A_801 = arith.addf %add3A_799, %mul3A_800 : vector<16xf32>
      %get3A_802 = arith.index_cast %add3A_734 : i32 to index
      %get3A_803 = arith.constant 48 : index
      %get3A_804 = tpu.vector_load %arg13[%get3A_802, %get3A_803] {strides = array<i32>} : memref<512x64xf32, #tpu.memory_space<vmem>>, vector<16xf32>,
      %get3A_805 = arith.index_cast %add3A_734 : i32 to index
      %get3A_806 = arith.constant 48 : index
      %get3A_807 = tpu.vector_load %arg14[%get3A_805, %get3A_806] {strides = array<i32>} : memref<512x64xf32, #tpu.memory_space<vmem>>, vector<16xf32>,
      %get3A_808 = arith.index_cast %add3A_734 : i32 to index
      %get3A_809 = arith.constant 48 : index
      %get3A_810 = tpu.vector_load %arg15[%get3A_808, %get3A_809] {strides = array<i32>} : memref<512x64xf32, #tpu.memory_space<vmem>>, vector<16xf32>,
      %sub3A_811 = arith.subf %get3A_804, %get3A_807 : vector<16xf32>
      %sub3A_812 = arith.subf %get3A_804, %get3A_810 : vector<16xf32>
      %mul3A_813 = arith.mulf %sub3A_811, %sub3A_811 : vector<16xf32>
      %add3A_814 = arith.addf %add3A_793, %mul3A_813 : vector<16xf32>
      %mul3A_815 = arith.mulf %sub3A_812, %sub3A_812 : vector<16xf32>
      %add3A_816 = arith.addf %add3A_795, %mul3A_815 : vector<16xf32>
      %mul3A_817 = arith.mulf %get3A_804, %get3A_804 : vector<16xf32>
      %add3A_818 = arith.addf %add3A_801, %mul3A_817 : vector<16xf32>
      %mul3A_819 = arith.mulf %get3A_807, %get3A_807 : vector<16xf32>
      %add3A_820 = arith.addf %add3A_818, %mul3A_819 : vector<16xf32>
      %mul3A_821 = arith.mulf %get3A_810, %get3A_810 : vector<16xf32>
      %add3A_822 = arith.addf %add3A_820, %mul3A_821 : vector<16xf32>
      %reduce_sum3A_823 = arith.constant true
      %reduce_sum3A_824 = vector.broadcast %reduce_sum3A_823 : i1 to vector<16xi1>
      %reduce_sum3A_825 = tpu.scan <sum>, %add3A_814 masked %reduce_sum3A_824 : vector<16xf32>, vector<16xi1> -> vector<16xf32>
      %reduce_sum3A_826 = vector.extract %reduce_sum3A_825[15] : f32 from vector<16xf32>
      %reduce_sum3A_827 = arith.constant true
      %reduce_sum3A_828 = vector.broadcast %reduce_sum3A_827 : i1 to vector<16xi1>
      %reduce_sum3A_829 = tpu.scan <sum>, %add3A_816 masked %reduce_sum3A_828 : vector<16xf32>, vector<16xi1> -> vector<16xf32>
      %reduce_sum3A_830 = vector.extract %reduce_sum3A_829[15] : f32 from vector<16xf32>
      %sub3A_831 = arith.subf %reduce_sum3A_830, %reduce_sum3A_826 : f32
      %slice3A_832 = vector.extract_strided_slice %get3A_395 {offsets = [3], sizes = [1], strides = [1]} : vector<16xf32> to vector<1xf32>
      %squeeze3A_833 = vector.extract %slice3A_832[0] : f32 from vector<1xf32>
      %slice3A_834 = vector.extract_strided_slice %get3A_399 {offsets = [3], sizes = [1], strides = [1]} : vector<16xf32> to vector<1xf32>
      %squeeze3A_835 = vector.extract %slice3A_834[0] : f32 from vector<1xf32>
      %sub3A_836 = arith.subf %squeeze3A_833, %squeeze3A_835 : f32
      %add3A_837 = arith.addf %sub3A_831, %sub3A_836 : f32
      %sub3A_838 = arith.constant 5.000000e-01 : f32
      %sub3A_839 = arith.subf %sub3A_838, %add3A_837 : f32
      %max3A_840 = arith.constant 0.000000e+00 : f32
      %max3A_841 = arith.maximumf %sub3A_839, %max3A_840 : f32
      %add3A_842 = arith.addf %add3A_730, %max3A_841 : f32
      %mul3A_843 = arith.constant 16 : i32
      %mul3A_844 = arith.muli %scan3A_390, %mul3A_843 : i32
      %add3A_845 = arith.constant 4 : i32
      %add3A_846 = arith.addi %mul3A_844, %add3A_845 : i32
      %broadcast_in_dim3A_847 = arith.constant 0.000000e+00 : f32
      %broadcast_in_dim3A_848 = vector.broadcast %broadcast_in_dim3A_847 : f32 to vector<16xf32>
      %broadcast_in_dim3A_849 = arith.constant 0.000000e+00 : f32
      %broadcast_in_dim3A_850 = vector.broadcast %broadcast_in_dim3A_849 : f32 to vector<16xf32>
      %get3A_851 = arith.index_cast %add3A_846 : i32 to index
      %get3A_852 = arith.constant 0 : index
      %get3A_853 = tpu.vector_load %arg13[%get3A_851, %get3A_852] {strides = array<i32>} : memref<512x64xf32, #tpu.memory_space<vmem>>, vector<16xf32>,
      %get3A_854 = arith.index_cast %add3A_846 : i32 to index
      %get3A_855 = arith.constant 0 : index
      %get3A_856 = tpu.vector_load %arg14[%get3A_854, %get3A_855] {strides = array<i32>} : memref<512x64xf32, #tpu.memory_space<vmem>>, vector<16xf32>,
      %get3A_857 = arith.index_cast %add3A_846 : i32 to index
      %get3A_858 = arith.constant 0 : index
      %get3A_859 = tpu.vector_load %arg15[%get3A_857, %get3A_858] {strides = array<i32>} : memref<512x64xf32, #tpu.memory_space<vmem>>, vector<16xf32>,
      %sub3A_860 = arith.subf %get3A_853, %get3A_856 : vector<16xf32>
      %sub3A_861 = arith.subf %get3A_853, %get3A_859 : vector<16xf32>
      %mul3A_862 = arith.mulf %sub3A_860, %sub3A_860 : vector<16xf32>
      %add3A_863 = arith.addf %broadcast_in_dim3A_848, %mul3A_862 : vector<16xf32>
      %mul3A_864 = arith.mulf %sub3A_861, %sub3A_861 : vector<16xf32>
      %add3A_865 = arith.addf %broadcast_in_dim3A_850, %mul3A_864 : vector<16xf32>
      %mul3A_866 = arith.mulf %get3A_853, %get3A_853 : vector<16xf32>
      %add3A_867 = arith.addf %add3A_822, %mul3A_866 : vector<16xf32>
      %mul3A_868 = arith.mulf %get3A_856, %get3A_856 : vector<16xf32>
      %add3A_869 = arith.addf %add3A_867, %mul3A_868 : vector<16xf32>
      %mul3A_870 = arith.mulf %get3A_859, %get3A_859 : vector<16xf32>
      %add3A_871 = arith.addf %add3A_869, %mul3A_870 : vector<16xf32>
      %get3A_872 = arith.index_cast %add3A_846 : i32 to index
      %get3A_873 = arith.constant 16 : index
      %get3A_874 = tpu.vector_load %arg13[%get3A_872, %get3A_873] {strides = array<i32>} : memref<512x64xf32, #tpu.memory_space<vmem>>, vector<16xf32>,
      %get3A_875 = arith.index_cast %add3A_846 : i32 to index
      %get3A_876 = arith.constant 16 : index
      %get3A_877 = tpu.vector_load %arg14[%get3A_875, %get3A_876] {strides = array<i32>} : memref<512x64xf32, #tpu.memory_space<vmem>>, vector<16xf32>,
      %get3A_878 = arith.index_cast %add3A_846 : i32 to index
      %get3A_879 = arith.constant 16 : index
      %get3A_880 = tpu.vector_load %arg15[%get3A_878, %get3A_879] {strides = array<i32>} : memref<512x64xf32, #tpu.memory_space<vmem>>, vector<16xf32>,
      %sub3A_881 = arith.subf %get3A_874, %get3A_877 : vector<16xf32>
      %sub3A_882 = arith.subf %get3A_874, %get3A_880 : vector<16xf32>
      %mul3A_883 = arith.mulf %sub3A_881, %sub3A_881 : vector<16xf32>
      %add3A_884 = arith.addf %add3A_863, %mul3A_883 : vector<16xf32>
      %mul3A_885 = arith.mulf %sub3A_882, %sub3A_882 : vector<16xf32>
      %add3A_886 = arith.addf %add3A_865, %mul3A_885 : vector<16xf32>
      %mul3A_887 = arith.mulf %get3A_874, %get3A_874 : vector<16xf32>
      %add3A_888 = arith.addf %add3A_871, %mul3A_887 : vector<16xf32>
      %mul3A_889 = arith.mulf %get3A_877, %get3A_877 : vector<16xf32>
      %add3A_890 = arith.addf %add3A_888, %mul3A_889 : vector<16xf32>
      %mul3A_891 = arith.mulf %get3A_880, %get3A_880 : vector<16xf32>
      %add3A_892 = arith.addf %add3A_890, %mul3A_891 : vector<16xf32>
      %get3A_893 = arith.index_cast %add3A_846 : i32 to index
      %get3A_894 = arith.constant 32 : index
      %get3A_895 = tpu.vector_load %arg13[%get3A_893, %get3A_894] {strides = array<i32>} : memref<512x64xf32, #tpu.memory_space<vmem>>, vector<16xf32>,
      %get3A_896 = arith.index_cast %add3A_846 : i32 to index
      %get3A_897 = arith.constant 32 : index
      %get3A_898 = tpu.vector_load %arg14[%get3A_896, %get3A_897] {strides = array<i32>} : memref<512x64xf32, #tpu.memory_space<vmem>>, vector<16xf32>,
      %get3A_899 = arith.index_cast %add3A_846 : i32 to index
      %get3A_900 = arith.constant 32 : index
      %get3A_901 = tpu.vector_load %arg15[%get3A_899, %get3A_900] {strides = array<i32>} : memref<512x64xf32, #tpu.memory_space<vmem>>, vector<16xf32>,
      %sub3A_902 = arith.subf %get3A_895, %get3A_898 : vector<16xf32>
      %sub3A_903 = arith.subf %get3A_895, %get3A_901 : vector<16xf32>
      %mul3A_904 = arith.mulf %sub3A_902, %sub3A_902 : vector<16xf32>
      %add3A_905 = arith.addf %add3A_884, %mul3A_904 : vector<16xf32>
      %mul3A_906 = arith.mulf %sub3A_903, %sub3A_903 : vector<16xf32>
      %add3A_907 = arith.addf %add3A_886, %mul3A_906 : vector<16xf32>
      %mul3A_908 = arith.mulf %get3A_895, %get3A_895 : vector<16xf32>
      %add3A_909 = arith.addf %add3A_892, %mul3A_908 : vector<16xf32>
      %mul3A_910 = arith.mulf %get3A_898, %get3A_898 : vector<16xf32>
      %add3A_911 = arith.addf %add3A_909, %mul3A_910 : vector<16xf32>
      %mul3A_912 = arith.mulf %get3A_901, %get3A_901 : vector<16xf32>
      %add3A_913 = arith.addf %add3A_911, %mul3A_912 : vector<16xf32>
      %get3A_914 = arith.index_cast %add3A_846 : i32 to index
      %get3A_915 = arith.constant 48 : index
      %get3A_916 = tpu.vector_load %arg13[%get3A_914, %get3A_915] {strides = array<i32>} : memref<512x64xf32, #tpu.memory_space<vmem>>, vector<16xf32>,
      %get3A_917 = arith.index_cast %add3A_846 : i32 to index
      %get3A_918 = arith.constant 48 : index
      %get3A_919 = tpu.vector_load %arg14[%get3A_917, %get3A_918] {strides = array<i32>} : memref<512x64xf32, #tpu.memory_space<vmem>>, vector<16xf32>,
      %get3A_920 = arith.index_cast %add3A_846 : i32 to index
      %get3A_921 = arith.constant 48 : index
      %get3A_922 = tpu.vector_load %arg15[%get3A_920, %get3A_921] {strides = array<i32>} : memref<512x64xf32, #tpu.memory_space<vmem>>, vector<16xf32>,
      %sub3A_923 = arith.subf %get3A_916, %get3A_919 : vector<16xf32>
      %sub3A_924 = arith.subf %get3A_916, %get3A_922 : vector<16xf32>
      %mul3A_925 = arith.mulf %sub3A_923, %sub3A_923 : vector<16xf32>
      %add3A_926 = arith.addf %add3A_905, %mul3A_925 : vector<16xf32>
      %mul3A_927 = arith.mulf %sub3A_924, %sub3A_924 : vector<16xf32>
      %add3A_928 = arith.addf %add3A_907, %mul3A_927 : vector<16xf32>
      %mul3A_929 = arith.mulf %get3A_916, %get3A_916 : vector<16xf32>
      %add3A_930 = arith.addf %add3A_913, %mul3A_929 : vector<16xf32>
      %mul3A_931 = arith.mulf %get3A_919, %get3A_919 : vector<16xf32>
      %add3A_932 = arith.addf %add3A_930, %mul3A_931 : vector<16xf32>
      %mul3A_933 = arith.mulf %get3A_922, %get3A_922 : vector<16xf32>
      %add3A_934 = arith.addf %add3A_932, %mul3A_933 : vector<16xf32>
      %reduce_sum3A_935 = arith.constant true
      %reduce_sum3A_936 = vector.broadcast %reduce_sum3A_935 : i1 to vector<16xi1>
      %reduce_sum3A_937 = tpu.scan <sum>, %add3A_926 masked %reduce_sum3A_936 : vector<16xf32>, vector<16xi1> -> vector<16xf32>
      %reduce_sum3A_938 = vector.extract %reduce_sum3A_937[15] : f32 from vector<16xf32>
      %reduce_sum3A_939 = arith.constant true
      %reduce_sum3A_940 = vector.broadcast %reduce_sum3A_939 : i1 to vector<16xi1>
      %reduce_sum3A_941 = tpu.scan <sum>, %add3A_928 masked %reduce_sum3A_940 : vector<16xf32>, vector<16xi1> -> vector<16xf32>
      %reduce_sum3A_942 = vector.extract %reduce_sum3A_941[15] : f32 from vector<16xf32>
      %sub3A_943 = arith.subf %reduce_sum3A_942, %reduce_sum3A_938 : f32
      %slice3A_944 = vector.extract_strided_slice %get3A_395 {offsets = [4], sizes = [1], strides = [1]} : vector<16xf32> to vector<1xf32>
      %squeeze3A_945 = vector.extract %slice3A_944[0] : f32 from vector<1xf32>
      %slice3A_946 = vector.extract_strided_slice %get3A_399 {offsets = [4], sizes = [1], strides = [1]} : vector<16xf32> to vector<1xf32>
      %squeeze3A_947 = vector.extract %slice3A_946[0] : f32 from vector<1xf32>
      %sub3A_948 = arith.subf %squeeze3A_945, %squeeze3A_947 : f32
      %add3A_949 = arith.addf %sub3A_943, %sub3A_948 : f32
      %sub3A_950 = arith.constant 5.000000e-01 : f32
      %sub3A_951 = arith.subf %sub3A_950, %add3A_949 : f32
      %max3A_952 = arith.constant 0.000000e+00 : f32
      %max3A_953 = arith.maximumf %sub3A_951, %max3A_952 : f32
      %add3A_954 = arith.addf %add3A_842, %max3A_953 : f32
      %mul3A_955 = arith.constant 16 : i32
      %mul3A_956 = arith.muli %scan3A_390, %mul3A_955 : i32
      %add3A_957 = arith.constant 5 : i32
      %add3A_958 = arith.addi %mul3A_956, %add3A_957 : i32
      %broadcast_in_dim3A_959 = arith.constant 0.000000e+00 : f32
      %broadcast_in_dim3A_960 = vector.broadcast %broadcast_in_dim3A_959 : f32 to vector<16xf32>
      %broadcast_in_dim3A_961 = arith.constant 0.000000e+00 : f32
      %broadcast_in_dim3A_962 = vector.broadcast %broadcast_in_dim3A_961 : f32 to vector<16xf32>
      %get3A_963 = arith.index_cast %add3A_958 : i32 to index
      %get3A_964 = arith.constant 0 : index
      %get3A_965 = tpu.vector_load %arg13[%get3A_963, %get3A_964] {strides = array<i32>} : memref<512x64xf32, #tpu.memory_space<vmem>>, vector<16xf32>,
      %get3A_966 = arith.index_cast %add3A_958 : i32 to index
      %get3A_967 = arith.constant 0 : index
      %get3A_968 = tpu.vector_load %arg14[%get3A_966, %get3A_967] {strides = array<i32>} : memref<512x64xf32, #tpu.memory_space<vmem>>, vector<16xf32>,
      %get3A_969 = arith.index_cast %add3A_958 : i32 to index
      %get3A_970 = arith.constant 0 : index
      %get3A_971 = tpu.vector_load %arg15[%get3A_969, %get3A_970] {strides = array<i32>} : memref<512x64xf32, #tpu.memory_space<vmem>>, vector<16xf32>,
      %sub3A_972 = arith.subf %get3A_965, %get3A_968 : vector<16xf32>
      %sub3A_973 = arith.subf %get3A_965, %get3A_971 : vector<16xf32>
      %mul3A_974 = arith.mulf %sub3A_972, %sub3A_972 : vector<16xf32>
      %add3A_975 = arith.addf %broadcast_in_dim3A_960, %mul3A_974 : vector<16xf32>
      %mul3A_976 = arith.mulf %sub3A_973, %sub3A_973 : vector<16xf32>
      %add3A_977 = arith.addf %broadcast_in_dim3A_962, %mul3A_976 : vector<16xf32>
      %mul3A_978 = arith.mulf %get3A_965, %get3A_965 : vector<16xf32>
      %add3A_979 = arith.addf %add3A_934, %mul3A_978 : vector<16xf32>
      %mul3A_980 = arith.mulf %get3A_968, %get3A_968 : vector<16xf32>
      %add3A_981 = arith.addf %add3A_979, %mul3A_980 : vector<16xf32>
      %mul3A_982 = arith.mulf %get3A_971, %get3A_971 : vector<16xf32>
      %add3A_983 = arith.addf %add3A_981, %mul3A_982 : vector<16xf32>
      %get3A_984 = arith.index_cast %add3A_958 : i32 to index
      %get3A_985 = arith.constant 16 : index
      %get3A_986 = tpu.vector_load %arg13[%get3A_984, %get3A_985] {strides = array<i32>} : memref<512x64xf32, #tpu.memory_space<vmem>>, vector<16xf32>,
      %get3A_987 = arith.index_cast %add3A_958 : i32 to index
      %get3A_988 = arith.constant 16 : index
      %get3A_989 = tpu.vector_load %arg14[%get3A_987, %get3A_988] {strides = array<i32>} : memref<512x64xf32, #tpu.memory_space<vmem>>, vector<16xf32>,
      %get3A_990 = arith.index_cast %add3A_958 : i32 to index
      %get3A_991 = arith.constant 16 : index
      %get3A_992 = tpu.vector_load %arg15[%get3A_990, %get3A_991] {strides = array<i32>} : memref<512x64xf32, #tpu.memory_space<vmem>>, vector<16xf32>,
      %sub3A_993 = arith.subf %get3A_986, %get3A_989 : vector<16xf32>
      %sub3A_994 = arith.subf %get3A_986, %get3A_992 : vector<16xf32>
      %mul3A_995 = arith.mulf %sub3A_993, %sub3A_993 : vector<16xf32>
      %add3A_996 = arith.addf %add3A_975, %mul3A_995 : vector<16xf32>
      %mul3A_997 = arith.mulf %sub3A_994, %sub3A_994 : vector<16xf32>
      %add3A_998 = arith.addf %add3A_977, %mul3A_997 : vector<16xf32>
      %mul3A_999 = arith.mulf %get3A_986, %get3A_986 : vector<16xf32>
      %add3A_1000 = arith.addf %add3A_983, %mul3A_999 : vector<16xf32>
      %mul3A_1001 = arith.mulf %get3A_989, %get3A_989 : vector<16xf32>
      %add3A_1002 = arith.addf %add3A_1000, %mul3A_1001 : vector<16xf32>
      %mul3A_1003 = arith.mulf %get3A_992, %get3A_992 : vector<16xf32>
      %add3A_1004 = arith.addf %add3A_1002, %mul3A_1003 : vector<16xf32>
      %get3A_1005 = arith.index_cast %add3A_958 : i32 to index
      %get3A_1006 = arith.constant 32 : index
      %get3A_1007 = tpu.vector_load %arg13[%get3A_1005, %get3A_1006] {strides = array<i32>} : memref<512x64xf32, #tpu.memory_space<vmem>>, vector<16xf32>,
      %get3A_1008 = arith.index_cast %add3A_958 : i32 to index
      %get3A_1009 = arith.constant 32 : index
      %get3A_1010 = tpu.vector_load %arg14[%get3A_1008, %get3A_1009] {strides = array<i32>} : memref<512x64xf32, #tpu.memory_space<vmem>>, vector<16xf32>,
      %get3A_1011 = arith.index_cast %add3A_958 : i32 to index
      %get3A_1012 = arith.constant 32 : index
      %get3A_1013 = tpu.vector_load %arg15[%get3A_1011, %get3A_1012] {strides = array<i32>} : memref<512x64xf32, #tpu.memory_space<vmem>>, vector<16xf32>,
      %sub3A_1014 = arith.subf %get3A_1007, %get3A_1010 : vector<16xf32>
      %sub3A_1015 = arith.subf %get3A_1007, %get3A_1013 : vector<16xf32>
      %mul3A_1016 = arith.mulf %sub3A_1014, %sub3A_1014 : vector<16xf32>
      %add3A_1017 = arith.addf %add3A_996, %mul3A_1016 : vector<16xf32>
      %mul3A_1018 = arith.mulf %sub3A_1015, %sub3A_1015 : vector<16xf32>
      %add3A_1019 = arith.addf %add3A_998, %mul3A_1018 : vector<16xf32>
      %mul3A_1020 = arith.mulf %get3A_1007, %get3A_1007 : vector<16xf32>
      %add3A_1021 = arith.addf %add3A_1004, %mul3A_1020 : vector<16xf32>
      %mul3A_1022 = arith.mulf %get3A_1010, %get3A_1010 : vector<16xf32>
      %add3A_1023 = arith.addf %add3A_1021, %mul3A_1022 : vector<16xf32>
      %mul3A_1024 = arith.mulf %get3A_1013, %get3A_1013 : vector<16xf32>
      %add3A_1025 = arith.addf %add3A_1023, %mul3A_1024 : vector<16xf32>
      %get3A_1026 = arith.index_cast %add3A_958 : i32 to index
      %get3A_1027 = arith.constant 48 : index
      %get3A_1028 = tpu.vector_load %arg13[%get3A_1026, %get3A_1027] {strides = array<i32>} : memref<512x64xf32, #tpu.memory_space<vmem>>, vector<16xf32>,
      %get3A_1029 = arith.index_cast %add3A_958 : i32 to index
      %get3A_1030 = arith.constant 48 : index
      %get3A_1031 = tpu.vector_load %arg14[%get3A_1029, %get3A_1030] {strides = array<i32>} : memref<512x64xf32, #tpu.memory_space<vmem>>, vector<16xf32>,
      %get3A_1032 = arith.index_cast %add3A_958 : i32 to index
      %get3A_1033 = arith.constant 48 : index
      %get3A_1034 = tpu.vector_load %arg15[%get3A_1032, %get3A_1033] {strides = array<i32>} : memref<512x64xf32, #tpu.memory_space<vmem>>, vector<16xf32>,
      %sub3A_1035 = arith.subf %get3A_1028, %get3A_1031 : vector<16xf32>
      %sub3A_1036 = arith.subf %get3A_1028, %get3A_1034 : vector<16xf32>
      %mul3A_1037 = arith.mulf %sub3A_1035, %sub3A_1035 : vector<16xf32>
      %add3A_1038 = arith.addf %add3A_1017, %mul3A_1037 : vector<16xf32>
      %mul3A_1039 = arith.mulf %sub3A_1036, %sub3A_1036 : vector<16xf32>
      %add3A_1040 = arith.addf %add3A_1019, %mul3A_1039 : vector<16xf32>
      %mul3A_1041 = arith.mulf %get3A_1028, %get3A_1028 : vector<16xf32>
      %add3A_1042 = arith.addf %add3A_1025, %mul3A_1041 : vector<16xf32>
      %mul3A_1043 = arith.mulf %get3A_1031, %get3A_1031 : vector<16xf32>
      %add3A_1044 = arith.addf %add3A_1042, %mul3A_1043 : vector<16xf32>
      %mul3A_1045 = arith.mulf %get3A_1034, %get3A_1034 : vector<16xf32>
      %add3A_1046 = arith.addf %add3A_1044, %mul3A_1045 : vector<16xf32>
      %reduce_sum3A_1047 = arith.constant true
      %reduce_sum3A_1048 = vector.broadcast %reduce_sum3A_1047 : i1 to vector<16xi1>
      %reduce_sum3A_1049 = tpu.scan <sum>, %add3A_1038 masked %reduce_sum3A_1048 : vector<16xf32>, vector<16xi1> -> vector<16xf32>
      %reduce_sum3A_1050 = vector.extract %reduce_sum3A_1049[15] : f32 from vector<16xf32>
      %reduce_sum3A_1051 = arith.constant true
      %reduce_sum3A_1052 = vector.broadcast %reduce_sum3A_1051 : i1 to vector<16xi1>
      %reduce_sum3A_1053 = tpu.scan <sum>, %add3A_1040 masked %reduce_sum3A_1052 : vector<16xf32>, vector<16xi1> -> vector<16xf32>
      %reduce_sum3A_1054 = vector.extract %reduce_sum3A_1053[15] : f32 from vector<16xf32>
      %sub3A_1055 = arith.subf %reduce_sum3A_1054, %reduce_sum3A_1050 : f32
      %slice3A_1056 = vector.extract_strided_slice %get3A_395 {offsets = [5], sizes = [1], strides = [1]} : vector<16xf32> to vector<1xf32>
      %squeeze3A_1057 = vector.extract %slice3A_1056[0] : f32 from vector<1xf32>
      %slice3A_1058 = vector.extract_strided_slice %get3A_399 {offsets = [5], sizes = [1], strides = [1]} : vector<16xf32> to vector<1xf32>
      %squeeze3A_1059 = vector.extract %slice3A_1058[0] : f32 from vector<1xf32>
      %sub3A_1060 = arith.subf %squeeze3A_1057, %squeeze3A_1059 : f32
      %add3A_1061 = arith.addf %sub3A_1055, %sub3A_1060 : f32
      %sub3A_1062 = arith.constant 5.000000e-01 : f32
      %sub3A_1063 = arith.subf %sub3A_1062, %add3A_1061 : f32
      %max3A_1064 = arith.constant 0.000000e+00 : f32
      %max3A_1065 = arith.maximumf %sub3A_1063, %max3A_1064 : f32
      %add3A_1066 = arith.addf %add3A_954, %max3A_1065 : f32
      %mul3A_1067 = arith.constant 16 : i32
      %mul3A_1068 = arith.muli %scan3A_390, %mul3A_1067 : i32
      %add3A_1069 = arith.constant 6 : i32
      %add3A_1070 = arith.addi %mul3A_1068, %add3A_1069 : i32
      %broadcast_in_dim3A_1071 = arith.constant 0.000000e+00 : f32
      %broadcast_in_dim3A_1072 = vector.broadcast %broadcast_in_dim3A_1071 : f32 to vector<16xf32>
      %broadcast_in_dim3A_1073 = arith.constant 0.000000e+00 : f32
      %broadcast_in_dim3A_1074 = vector.broadcast %broadcast_in_dim3A_1073 : f32 to vector<16xf32>
      %get3A_1075 = arith.index_cast %add3A_1070 : i32 to index
      %get3A_1076 = arith.constant 0 : index
      %get3A_1077 = tpu.vector_load %arg13[%get3A_1075, %get3A_1076] {strides = array<i32>} : memref<512x64xf32, #tpu.memory_space<vmem>>, vector<16xf32>,
      %get3A_1078 = arith.index_cast %add3A_1070 : i32 to index
      %get3A_1079 = arith.constant 0 : index
      %get3A_1080 = tpu.vector_load %arg14[%get3A_1078, %get3A_1079] {strides = array<i32>} : memref<512x64xf32, #tpu.memory_space<vmem>>, vector<16xf32>,
      %get3A_1081 = arith.index_cast %add3A_1070 : i32 to index
      %get3A_1082 = arith.constant 0 : index
      %get3A_1083 = tpu.vector_load %arg15[%get3A_1081, %get3A_1082] {strides = array<i32>} : memref<512x64xf32, #tpu.memory_space<vmem>>, vector<16xf32>,
      %sub3A_1084 = arith.subf %get3A_1077, %get3A_1080 : vector<16xf32>
      %sub3A_1085 = arith.subf %get3A_1077, %get3A_1083 : vector<16xf32>
      %mul3A_1086 = arith.mulf %sub3A_1084, %sub3A_1084 : vector<16xf32>
      %add3A_1087 = arith.addf %broadcast_in_dim3A_1072, %mul3A_1086 : vector<16xf32>
      %mul3A_1088 = arith.mulf %sub3A_1085, %sub3A_1085 : vector<16xf32>
      %add3A_1089 = arith.addf %broadcast_in_dim3A_1074, %mul3A_1088 : vector<16xf32>
      %mul3A_1090 = arith.mulf %get3A_1077, %get3A_1077 : vector<16xf32>
      %add3A_1091 = arith.addf %add3A_1046, %mul3A_1090 : vector<16xf32>
      %mul3A_1092 = arith.mulf %get3A_1080, %get3A_1080 : vector<16xf32>
      %add3A_1093 = arith.addf %add3A_1091, %mul3A_1092 : vector<16xf32>
      %mul3A_1094 = arith.mulf %get3A_1083, %get3A_1083 : vector<16xf32>
      %add3A_1095 = arith.addf %add3A_1093, %mul3A_1094 : vector<16xf32>
      %get3A_1096 = arith.index_cast %add3A_1070 : i32 to index
      %get3A_1097 = arith.constant 16 : index
      %get3A_1098 = tpu.vector_load %arg13[%get3A_1096, %get3A_1097] {strides = array<i32>} : memref<512x64xf32, #tpu.memory_space<vmem>>, vector<16xf32>,
      %get3A_1099 = arith.index_cast %add3A_1070 : i32 to index
      %get3A_1100 = arith.constant 16 : index
      %get3A_1101 = tpu.vector_load %arg14[%get3A_1099, %get3A_1100] {strides = array<i32>} : memref<512x64xf32, #tpu.memory_space<vmem>>, vector<16xf32>,
      %get3A_1102 = arith.index_cast %add3A_1070 : i32 to index
      %get3A_1103 = arith.constant 16 : index
      %get3A_1104 = tpu.vector_load %arg15[%get3A_1102, %get3A_1103] {strides = array<i32>} : memref<512x64xf32, #tpu.memory_space<vmem>>, vector<16xf32>,
      %sub3A_1105 = arith.subf %get3A_1098, %get3A_1101 : vector<16xf32>
      %sub3A_1106 = arith.subf %get3A_1098, %get3A_1104 : vector<16xf32>
      %mul3A_1107 = arith.mulf %sub3A_1105, %sub3A_1105 : vector<16xf32>
      %add3A_1108 = arith.addf %add3A_1087, %mul3A_1107 : vector<16xf32>
      %mul3A_1109 = arith.mulf %sub3A_1106, %sub3A_1106 : vector<16xf32>
      %add3A_1110 = arith.addf %add3A_1089, %mul3A_1109 : vector<16xf32>
      %mul3A_1111 = arith.mulf %get3A_1098, %get3A_1098 : vector<16xf32>
      %add3A_1112 = arith.addf %add3A_1095, %mul3A_1111 : vector<16xf32>
      %mul3A_1113 = arith.mulf %get3A_1101, %get3A_1101 : vector<16xf32>
      %add3A_1114 = arith.addf %add3A_1112, %mul3A_1113 : vector<16xf32>
      %mul3A_1115 = arith.mulf %get3A_1104, %get3A_1104 : vector<16xf32>
      %add3A_1116 = arith.addf %add3A_1114, %mul3A_1115 : vector<16xf32>
      %get3A_1117 = arith.index_cast %add3A_1070 : i32 to index
      %get3A_1118 = arith.constant 32 : index
      %get3A_1119 = tpu.vector_load %arg13[%get3A_1117, %get3A_1118] {strides = array<i32>} : memref<512x64xf32, #tpu.memory_space<vmem>>, vector<16xf32>,
      %get3A_1120 = arith.index_cast %add3A_1070 : i32 to index
      %get3A_1121 = arith.constant 32 : index
      %get3A_1122 = tpu.vector_load %arg14[%get3A_1120, %get3A_1121] {strides = array<i32>} : memref<512x64xf32, #tpu.memory_space<vmem>>, vector<16xf32>,
      %get3A_1123 = arith.index_cast %add3A_1070 : i32 to index
      %get3A_1124 = arith.constant 32 : index
      %get3A_1125 = tpu.vector_load %arg15[%get3A_1123, %get3A_1124] {strides = array<i32>} : memref<512x64xf32, #tpu.memory_space<vmem>>, vector<16xf32>,
      %sub3A_1126 = arith.subf %get3A_1119, %get3A_1122 : vector<16xf32>
      %sub3A_1127 = arith.subf %get3A_1119, %get3A_1125 : vector<16xf32>
      %mul3A_1128 = arith.mulf %sub3A_1126, %sub3A_1126 : vector<16xf32>
      %add3A_1129 = arith.addf %add3A_1108, %mul3A_1128 : vector<16xf32>
      %mul3A_1130 = arith.mulf %sub3A_1127, %sub3A_1127 : vector<16xf32>
      %add3A_1131 = arith.addf %add3A_1110, %mul3A_1130 : vector<16xf32>
      %mul3A_1132 = arith.mulf %get3A_1119, %get3A_1119 : vector<16xf32>
      %add3A_1133 = arith.addf %add3A_1116, %mul3A_1132 : vector<16xf32>
      %mul3A_1134 = arith.mulf %get3A_1122, %get3A_1122 : vector<16xf32>
      %add3A_1135 = arith.addf %add3A_1133, %mul3A_1134 : vector<16xf32>
      %mul3A_1136 = arith.mulf %get3A_1125, %get3A_1125 : vector<16xf32>
      %add3A_1137 = arith.addf %add3A_1135, %mul3A_1136 : vector<16xf32>
      %get3A_1138 = arith.index_cast %add3A_1070 : i32 to index
      %get3A_1139 = arith.constant 48 : index
      %get3A_1140 = tpu.vector_load %arg13[%get3A_1138, %get3A_1139] {strides = array<i32>} : memref<512x64xf32, #tpu.memory_space<vmem>>, vector<16xf32>,
      %get3A_1141 = arith.index_cast %add3A_1070 : i32 to index
      %get3A_1142 = arith.constant 48 : index
      %get3A_1143 = tpu.vector_load %arg14[%get3A_1141, %get3A_1142] {strides = array<i32>} : memref<512x64xf32, #tpu.memory_space<vmem>>, vector<16xf32>,
      %get3A_1144 = arith.index_cast %add3A_1070 : i32 to index
      %get3A_1145 = arith.constant 48 : index
      %get3A_1146 = tpu.vector_load %arg15[%get3A_1144, %get3A_1145] {strides = array<i32>} : memref<512x64xf32, #tpu.memory_space<vmem>>, vector<16xf32>,
      %sub3A_1147 = arith.subf %get3A_1140, %get3A_1143 : vector<16xf32>
      %sub3A_1148 = arith.subf %get3A_1140, %get3A_1146 : vector<16xf32>
      %mul3A_1149 = arith.mulf %sub3A_1147, %sub3A_1147 : vector<16xf32>
      %add3A_1150 = arith.addf %add3A_1129, %mul3A_1149 : vector<16xf32>
      %mul3A_1151 = arith.mulf %sub3A_1148, %sub3A_1148 : vector<16xf32>
      %add3A_1152 = arith.addf %add3A_1131, %mul3A_1151 : vector<16xf32>
      %mul3A_1153 = arith.mulf %get3A_1140, %get3A_1140 : vector<16xf32>
      %add3A_1154 = arith.addf %add3A_1137, %mul3A_1153 : vector<16xf32>
      %mul3A_1155 = arith.mulf %get3A_1143, %get3A_1143 : vector<16xf32>
      %add3A_1156 = arith.addf %add3A_1154, %mul3A_1155 : vector<16xf32>
      %mul3A_1157 = arith.mulf %get3A_1146, %get3A_1146 : vector<16xf32>
      %add3A_1158 = arith.addf %add3A_1156, %mul3A_1157 : vector<16xf32>
      %reduce_sum3A_1159 = arith.constant true
      %reduce_sum3A_1160 = vector.broadcast %reduce_sum3A_1159 : i1 to vector<16xi1>
      %reduce_sum3A_1161 = tpu.scan <sum>, %add3A_1150 masked %reduce_sum3A_1160 : vector<16xf32>, vector<16xi1> -> vector<16xf32>
      %reduce_sum3A_1162 = vector.extract %reduce_sum3A_1161[15] : f32 from vector<16xf32>
      %reduce_sum3A_1163 = arith.constant true
      %reduce_sum3A_1164 = vector.broadcast %reduce_sum3A_1163 : i1 to vector<16xi1>
      %reduce_sum3A_1165 = tpu.scan <sum>, %add3A_1152 masked %reduce_sum3A_1164 : vector<16xf32>, vector<16xi1> -> vector<16xf32>
      %reduce_sum3A_1166 = vector.extract %reduce_sum3A_1165[15] : f32 from vector<16xf32>
      %sub3A_1167 = arith.subf %reduce_sum3A_1166, %reduce_sum3A_1162 : f32
      %slice3A_1168 = vector.extract_strided_slice %get3A_395 {offsets = [6], sizes = [1], strides = [1]} : vector<16xf32> to vector<1xf32>
      %squeeze3A_1169 = vector.extract %slice3A_1168[0] : f32 from vector<1xf32>
      %slice3A_1170 = vector.extract_strided_slice %get3A_399 {offsets = [6], sizes = [1], strides = [1]} : vector<16xf32> to vector<1xf32>
      %squeeze3A_1171 = vector.extract %slice3A_1170[0] : f32 from vector<1xf32>
      %sub3A_1172 = arith.subf %squeeze3A_1169, %squeeze3A_1171 : f32
      %add3A_1173 = arith.addf %sub3A_1167, %sub3A_1172 : f32
      %sub3A_1174 = arith.constant 5.000000e-01 : f32
      %sub3A_1175 = arith.subf %sub3A_1174, %add3A_1173 : f32
      %max3A_1176 = arith.constant 0.000000e+00 : f32
      %max3A_1177 = arith.maximumf %sub3A_1175, %max3A_1176 : f32
      %add3A_1178 = arith.addf %add3A_1066, %max3A_1177 : f32
      %mul3A_1179 = arith.constant 16 : i32
      %mul3A_1180 = arith.muli %scan3A_390, %mul3A_1179 : i32
      %add3A_1181 = arith.constant 7 : i32
      %add3A_1182 = arith.addi %mul3A_1180, %add3A_1181 : i32
      %broadcast_in_dim3A_1183 = arith.constant 0.000000e+00 : f32
      %broadcast_in_dim3A_1184 = vector.broadcast %broadcast_in_dim3A_1183 : f32 to vector<16xf32>
      %broadcast_in_dim3A_1185 = arith.constant 0.000000e+00 : f32
      %broadcast_in_dim3A_1186 = vector.broadcast %broadcast_in_dim3A_1185 : f32 to vector<16xf32>
      %get3A_1187 = arith.index_cast %add3A_1182 : i32 to index
      %get3A_1188 = arith.constant 0 : index
      %get3A_1189 = tpu.vector_load %arg13[%get3A_1187, %get3A_1188] {strides = array<i32>} : memref<512x64xf32, #tpu.memory_space<vmem>>, vector<16xf32>,
      %get3A_1190 = arith.index_cast %add3A_1182 : i32 to index
      %get3A_1191 = arith.constant 0 : index
      %get3A_1192 = tpu.vector_load %arg14[%get3A_1190, %get3A_1191] {strides = array<i32>} : memref<512x64xf32, #tpu.memory_space<vmem>>, vector<16xf32>,
      %get3A_1193 = arith.index_cast %add3A_1182 : i32 to index
      %get3A_1194 = arith.constant 0 : index
      %get3A_1195 = tpu.vector_load %arg15[%get3A_1193, %get3A_1194] {strides = array<i32>} : memref<512x64xf32, #tpu.memory_space<vmem>>, vector<16xf32>,
      %sub3A_1196 = arith.subf %get3A_1189, %get3A_1192 : vector<16xf32>
      %sub3A_1197 = arith.subf %get3A_1189, %get3A_1195 : vector<16xf32>
      %mul3A_1198 = arith.mulf %sub3A_1196, %sub3A_1196 : vector<16xf32>
      %add3A_1199 = arith.addf %broadcast_in_dim3A_1184, %mul3A_1198 : vector<16xf32>
      %mul3A_1200 = arith.mulf %sub3A_1197, %sub3A_1197 : vector<16xf32>
      %add3A_1201 = arith.addf %broadcast_in_dim3A_1186, %mul3A_1200 : vector<16xf32>
      %mul3A_1202 = arith.mulf %get3A_1189, %get3A_1189 : vector<16xf32>
      %add3A_1203 = arith.addf %add3A_1158, %mul3A_1202 : vector<16xf32>
      %mul3A_1204 = arith.mulf %get3A_1192, %get3A_1192 : vector<16xf32>
      %add3A_1205 = arith.addf %add3A_1203, %mul3A_1204 : vector<16xf32>
      %mul3A_1206 = arith.mulf %get3A_1195, %get3A_1195 : vector<16xf32>
      %add3A_1207 = arith.addf %add3A_1205, %mul3A_1206 : vector<16xf32>
      %get3A_1208 = arith.index_cast %add3A_1182 : i32 to index
      %get3A_1209 = arith.constant 16 : index
      %get3A_1210 = tpu.vector_load %arg13[%get3A_1208, %get3A_1209] {strides = array<i32>} : memref<512x64xf32, #tpu.memory_space<vmem>>, vector<16xf32>,
      %get3A_1211 = arith.index_cast %add3A_1182 : i32 to index
      %get3A_1212 = arith.constant 16 : index
      %get3A_1213 = tpu.vector_load %arg14[%get3A_1211, %get3A_1212] {strides = array<i32>} : memref<512x64xf32, #tpu.memory_space<vmem>>, vector<16xf32>,
      %get3A_1214 = arith.index_cast %add3A_1182 : i32 to index
      %get3A_1215 = arith.constant 16 : index
      %get3A_1216 = tpu.vector_load %arg15[%get3A_1214, %get3A_1215] {strides = array<i32>} : memref<512x64xf32, #tpu.memory_space<vmem>>, vector<16xf32>,
      %sub3A_1217 = arith.subf %get3A_1210, %get3A_1213 : vector<16xf32>
      %sub3A_1218 = arith.subf %get3A_1210, %get3A_1216 : vector<16xf32>
      %mul3A_1219 = arith.mulf %sub3A_1217, %sub3A_1217 : vector<16xf32>
      %add3A_1220 = arith.addf %add3A_1199, %mul3A_1219 : vector<16xf32>
      %mul3A_1221 = arith.mulf %sub3A_1218, %sub3A_1218 : vector<16xf32>
      %add3A_1222 = arith.addf %add3A_1201, %mul3A_1221 : vector<16xf32>
      %mul3A_1223 = arith.mulf %get3A_1210, %get3A_1210 : vector<16xf32>
      %add3A_1224 = arith.addf %add3A_1207, %mul3A_1223 : vector<16xf32>
      %mul3A_1225 = arith.mulf %get3A_1213, %get3A_1213 : vector<16xf32>
      %add3A_1226 = arith.addf %add3A_1224, %mul3A_1225 : vector<16xf32>
      %mul3A_1227 = arith.mulf %get3A_1216, %get3A_1216 : vector<16xf32>
      %add3A_1228 = arith.addf %add3A_1226, %mul3A_1227 : vector<16xf32>
      %get3A_1229 = arith.index_cast %add3A_1182 : i32 to index
      %get3A_1230 = arith.constant 32 : index
      %get3A_1231 = tpu.vector_load %arg13[%get3A_1229, %get3A_1230] {strides = array<i32>} : memref<512x64xf32, #tpu.memory_space<vmem>>, vector<16xf32>,
      %get3A_1232 = arith.index_cast %add3A_1182 : i32 to index
      %get3A_1233 = arith.constant 32 : index
      %get3A_1234 = tpu.vector_load %arg14[%get3A_1232, %get3A_1233] {strides = array<i32>} : memref<512x64xf32, #tpu.memory_space<vmem>>, vector<16xf32>,
      %get3A_1235 = arith.index_cast %add3A_1182 : i32 to index
      %get3A_1236 = arith.constant 32 : index
      %get3A_1237 = tpu.vector_load %arg15[%get3A_1235, %get3A_1236] {strides = array<i32>} : memref<512x64xf32, #tpu.memory_space<vmem>>, vector<16xf32>,
      %sub3A_1238 = arith.subf %get3A_1231, %get3A_1234 : vector<16xf32>
      %sub3A_1239 = arith.subf %get3A_1231, %get3A_1237 : vector<16xf32>
      %mul3A_1240 = arith.mulf %sub3A_1238, %sub3A_1238 : vector<16xf32>
      %add3A_1241 = arith.addf %add3A_1220, %mul3A_1240 : vector<16xf32>
      %mul3A_1242 = arith.mulf %sub3A_1239, %sub3A_1239 : vector<16xf32>
      %add3A_1243 = arith.addf %add3A_1222, %mul3A_1242 : vector<16xf32>
      %mul3A_1244 = arith.mulf %get3A_1231, %get3A_1231 : vector<16xf32>
      %add3A_1245 = arith.addf %add3A_1228, %mul3A_1244 : vector<16xf32>
      %mul3A_1246 = arith.mulf %get3A_1234, %get3A_1234 : vector<16xf32>
      %add3A_1247 = arith.addf %add3A_1245, %mul3A_1246 : vector<16xf32>
      %mul3A_1248 = arith.mulf %get3A_1237, %get3A_1237 : vector<16xf32>
      %add3A_1249 = arith.addf %add3A_1247, %mul3A_1248 : vector<16xf32>
      %get3A_1250 = arith.index_cast %add3A_1182 : i32 to index
      %get3A_1251 = arith.constant 48 : index
      %get3A_1252 = tpu.vector_load %arg13[%get3A_1250, %get3A_1251] {strides = array<i32>} : memref<512x64xf32, #tpu.memory_space<vmem>>, vector<16xf32>,
      %get3A_1253 = arith.index_cast %add3A_1182 : i32 to index
      %get3A_1254 = arith.constant 48 : index
      %get3A_1255 = tpu.vector_load %arg14[%get3A_1253, %get3A_1254] {strides = array<i32>} : memref<512x64xf32, #tpu.memory_space<vmem>>, vector<16xf32>,
      %get3A_1256 = arith.index_cast %add3A_1182 : i32 to index
      %get3A_1257 = arith.constant 48 : index
      %get3A_1258 = tpu.vector_load %arg15[%get3A_1256, %get3A_1257] {strides = array<i32>} : memref<512x64xf32, #tpu.memory_space<vmem>>, vector<16xf32>,
      %sub3A_1259 = arith.subf %get3A_1252, %get3A_1255 : vector<16xf32>
      %sub3A_1260 = arith.subf %get3A_1252, %get3A_1258 : vector<16xf32>
      %mul3A_1261 = arith.mulf %sub3A_1259, %sub3A_1259 : vector<16xf32>
      %add3A_1262 = arith.addf %add3A_1241, %mul3A_1261 : vector<16xf32>
      %mul3A_1263 = arith.mulf %sub3A_1260, %sub3A_1260 : vector<16xf32>
      %add3A_1264 = arith.addf %add3A_1243, %mul3A_1263 : vector<16xf32>
      %mul3A_1265 = arith.mulf %get3A_1252, %get3A_1252 : vector<16xf32>
      %add3A_1266 = arith.addf %add3A_1249, %mul3A_1265 : vector<16xf32>
      %mul3A_1267 = arith.mulf %get3A_1255, %get3A_1255 : vector<16xf32>
      %add3A_1268 = arith.addf %add3A_1266, %mul3A_1267 : vector<16xf32>
      %mul3A_1269 = arith.mulf %get3A_1258, %get3A_1258 : vector<16xf32>
      %add3A_1270 = arith.addf %add3A_1268, %mul3A_1269 : vector<16xf32>
      %reduce_sum3A_1271 = arith.constant true
      %reduce_sum3A_1272 = vector.broadcast %reduce_sum3A_1271 : i1 to vector<16xi1>
      %reduce_sum3A_1273 = tpu.scan <sum>, %add3A_1262 masked %reduce_sum3A_1272 : vector<16xf32>, vector<16xi1> -> vector<16xf32>
      %reduce_sum3A_1274 = vector.extract %reduce_sum3A_1273[15] : f32 from vector<16xf32>
      %reduce_sum3A_1275 = arith.constant true
      %reduce_sum3A_1276 = vector.broadcast %reduce_sum3A_1275 : i1 to vector<16xi1>
      %reduce_sum3A_1277 = tpu.scan <sum>, %add3A_1264 masked %reduce_sum3A_1276 : vector<16xf32>, vector<16xi1> -> vector<16xf32>
      %reduce_sum3A_1278 = vector.extract %reduce_sum3A_1277[15] : f32 from vector<16xf32>
      %sub3A_1279 = arith.subf %reduce_sum3A_1278, %reduce_sum3A_1274 : f32
      %slice3A_1280 = vector.extract_strided_slice %get3A_395 {offsets = [7], sizes = [1], strides = [1]} : vector<16xf32> to vector<1xf32>
      %squeeze3A_1281 = vector.extract %slice3A_1280[0] : f32 from vector<1xf32>
      %slice3A_1282 = vector.extract_strided_slice %get3A_399 {offsets = [7], sizes = [1], strides = [1]} : vector<16xf32> to vector<1xf32>
      %squeeze3A_1283 = vector.extract %slice3A_1282[0] : f32 from vector<1xf32>
      %sub3A_1284 = arith.subf %squeeze3A_1281, %squeeze3A_1283 : f32
      %add3A_1285 = arith.addf %sub3A_1279, %sub3A_1284 : f32
      %sub3A_1286 = arith.constant 5.000000e-01 : f32
      %sub3A_1287 = arith.subf %sub3A_1286, %add3A_1285 : f32
      %max3A_1288 = arith.constant 0.000000e+00 : f32
      %max3A_1289 = arith.maximumf %sub3A_1287, %max3A_1288 : f32
      %add3A_1290 = arith.addf %add3A_1178, %max3A_1289 : f32
      %mul3A_1291 = arith.constant 16 : i32
      %mul3A_1292 = arith.muli %scan3A_390, %mul3A_1291 : i32
      %add3A_1293 = arith.constant 8 : i32
      %add3A_1294 = arith.addi %mul3A_1292, %add3A_1293 : i32
      %broadcast_in_dim3A_1295 = arith.constant 0.000000e+00 : f32
      %broadcast_in_dim3A_1296 = vector.broadcast %broadcast_in_dim3A_1295 : f32 to vector<16xf32>
      %broadcast_in_dim3A_1297 = arith.constant 0.000000e+00 : f32
      %broadcast_in_dim3A_1298 = vector.broadcast %broadcast_in_dim3A_1297 : f32 to vector<16xf32>
      %get3A_1299 = arith.index_cast %add3A_1294 : i32 to index
      %get3A_1300 = arith.constant 0 : index
      %get3A_1301 = tpu.vector_load %arg13[%get3A_1299, %get3A_1300] {strides = array<i32>} : memref<512x64xf32, #tpu.memory_space<vmem>>, vector<16xf32>,
      %get3A_1302 = arith.index_cast %add3A_1294 : i32 to index
      %get3A_1303 = arith.constant 0 : index
      %get3A_1304 = tpu.vector_load %arg14[%get3A_1302, %get3A_1303] {strides = array<i32>} : memref<512x64xf32, #tpu.memory_space<vmem>>, vector<16xf32>,
      %get3A_1305 = arith.index_cast %add3A_1294 : i32 to index
      %get3A_1306 = arith.constant 0 : index
      %get3A_1307 = tpu.vector_load %arg15[%get3A_1305, %get3A_1306] {strides = array<i32>} : memref<512x64xf32, #tpu.memory_space<vmem>>, vector<16xf32>,
      %sub3A_1308 = arith.subf %get3A_1301, %get3A_1304 : vector<16xf32>
      %sub3A_1309 = arith.subf %get3A_1301, %get3A_1307 : vector<16xf32>
      %mul3A_1310 = arith.mulf %sub3A_1308, %sub3A_1308 : vector<16xf32>
      %add3A_1311 = arith.addf %broadcast_in_dim3A_1296, %mul3A_1310 : vector<16xf32>
      %mul3A_1312 = arith.mulf %sub3A_1309, %sub3A_1309 : vector<16xf32>
      %add3A_1313 = arith.addf %broadcast_in_dim3A_1298, %mul3A_1312 : vector<16xf32>
      %mul3A_1314 = arith.mulf %get3A_1301, %get3A_1301 : vector<16xf32>
      %add3A_1315 = arith.addf %add3A_1270, %mul3A_1314 : vector<16xf32>
      %mul3A_1316 = arith.mulf %get3A_1304, %get3A_1304 : vector<16xf32>
      %add3A_1317 = arith.addf %add3A_1315, %mul3A_1316 : vector<16xf32>
      %mul3A_1318 = arith.mulf %get3A_1307, %get3A_1307 : vector<16xf32>
      %add3A_1319 = arith.addf %add3A_1317, %mul3A_1318 : vector<16xf32>
      %get3A_1320 = arith.index_cast %add3A_1294 : i32 to index
      %get3A_1321 = arith.constant 16 : index
      %get3A_1322 = tpu.vector_load %arg13[%get3A_1320, %get3A_1321] {strides = array<i32>} : memref<512x64xf32, #tpu.memory_space<vmem>>, vector<16xf32>,
      %get3A_1323 = arith.index_cast %add3A_1294 : i32 to index
      %get3A_1324 = arith.constant 16 : index
      %get3A_1325 = tpu.vector_load %arg14[%get3A_1323, %get3A_1324] {strides = array<i32>} : memref<512x64xf32, #tpu.memory_space<vmem>>, vector<16xf32>,
      %get3A_1326 = arith.index_cast %add3A_1294 : i32 to index
      %get3A_1327 = arith.constant 16 : index
      %get3A_1328 = tpu.vector_load %arg15[%get3A_1326, %get3A_1327] {strides = array<i32>} : memref<512x64xf32, #tpu.memory_space<vmem>>, vector<16xf32>,
      %sub3A_1329 = arith.subf %get3A_1322, %get3A_1325 : vector<16xf32>
      %sub3A_1330 = arith.subf %get3A_1322, %get3A_1328 : vector<16xf32>
      %mul3A_1331 = arith.mulf %sub3A_1329, %sub3A_1329 : vector<16xf32>
      %add3A_1332 = arith.addf %add3A_1311, %mul3A_1331 : vector<16xf32>
      %mul3A_1333 = arith.mulf %sub3A_1330, %sub3A_1330 : vector<16xf32>
      %add3A_1334 = arith.addf %add3A_1313, %mul3A_1333 : vector<16xf32>
      %mul3A_1335 = arith.mulf %get3A_1322, %get3A_1322 : vector<16xf32>
      %add3A_1336 = arith.addf %add3A_1319, %mul3A_1335 : vector<16xf32>
      %mul3A_1337 = arith.mulf %get3A_1325, %get3A_1325 : vector<16xf32>
      %add3A_1338 = arith.addf %add3A_1336, %mul3A_1337 : vector<16xf32>
      %mul3A_1339 = arith.mulf %get3A_1328, %get3A_1328 : vector<16xf32>
      %add3A_1340 = arith.addf %add3A_1338, %mul3A_1339 : vector<16xf32>
      %get3A_1341 = arith.index_cast %add3A_1294 : i32 to index
      %get3A_1342 = arith.constant 32 : index
      %get3A_1343 = tpu.vector_load %arg13[%get3A_1341, %get3A_1342] {strides = array<i32>} : memref<512x64xf32, #tpu.memory_space<vmem>>, vector<16xf32>,
      %get3A_1344 = arith.index_cast %add3A_1294 : i32 to index
      %get3A_1345 = arith.constant 32 : index
      %get3A_1346 = tpu.vector_load %arg14[%get3A_1344, %get3A_1345] {strides = array<i32>} : memref<512x64xf32, #tpu.memory_space<vmem>>, vector<16xf32>,
      %get3A_1347 = arith.index_cast %add3A_1294 : i32 to index
      %get3A_1348 = arith.constant 32 : index
      %get3A_1349 = tpu.vector_load %arg15[%get3A_1347, %get3A_1348] {strides = array<i32>} : memref<512x64xf32, #tpu.memory_space<vmem>>, vector<16xf32>,
      %sub3A_1350 = arith.subf %get3A_1343, %get3A_1346 : vector<16xf32>
      %sub3A_1351 = arith.subf %get3A_1343, %get3A_1349 : vector<16xf32>
      %mul3A_1352 = arith.mulf %sub3A_1350, %sub3A_1350 : vector<16xf32>
      %add3A_1353 = arith.addf %add3A_1332, %mul3A_1352 : vector<16xf32>
      %mul3A_1354 = arith.mulf %sub3A_1351, %sub3A_1351 : vector<16xf32>
      %add3A_1355 = arith.addf %add3A_1334, %mul3A_1354 : vector<16xf32>
      %mul3A_1356 = arith.mulf %get3A_1343, %get3A_1343 : vector<16xf32>
      %add3A_1357 = arith.addf %add3A_1340, %mul3A_1356 : vector<16xf32>
      %mul3A_1358 = arith.mulf %get3A_1346, %get3A_1346 : vector<16xf32>
      %add3A_1359 = arith.addf %add3A_1357, %mul3A_1358 : vector<16xf32>
      %mul3A_1360 = arith.mulf %get3A_1349, %get3A_1349 : vector<16xf32>
      %add3A_1361 = arith.addf %add3A_1359, %mul3A_1360 : vector<16xf32>
      %get3A_1362 = arith.index_cast %add3A_1294 : i32 to index
      %get3A_1363 = arith.constant 48 : index
      %get3A_1364 = tpu.vector_load %arg13[%get3A_1362, %get3A_1363] {strides = array<i32>} : memref<512x64xf32, #tpu.memory_space<vmem>>, vector<16xf32>,
      %get3A_1365 = arith.index_cast %add3A_1294 : i32 to index
      %get3A_1366 = arith.constant 48 : index
      %get3A_1367 = tpu.vector_load %arg14[%get3A_1365, %get3A_1366] {strides = array<i32>} : memref<512x64xf32, #tpu.memory_space<vmem>>, vector<16xf32>,
      %get3A_1368 = arith.index_cast %add3A_1294 : i32 to index
      %get3A_1369 = arith.constant 48 : index
      %get3A_1370 = tpu.vector_load %arg15[%get3A_1368, %get3A_1369] {strides = array<i32>} : memref<512x64xf32, #tpu.memory_space<vmem>>, vector<16xf32>,
      %sub3A_1371 = arith.subf %get3A_1364, %get3A_1367 : vector<16xf32>
      %sub3A_1372 = arith.subf %get3A_1364, %get3A_1370 : vector<16xf32>
      %mul3A_1373 = arith.mulf %sub3A_1371, %sub3A_1371 : vector<16xf32>
      %add3A_1374 = arith.addf %add3A_1353, %mul3A_1373 : vector<16xf32>
      %mul3A_1375 = arith.mulf %sub3A_1372, %sub3A_1372 : vector<16xf32>
      %add3A_1376 = arith.addf %add3A_1355, %mul3A_1375 : vector<16xf32>
      %mul3A_1377 = arith.mulf %get3A_1364, %get3A_1364 : vector<16xf32>
      %add3A_1378 = arith.addf %add3A_1361, %mul3A_1377 : vector<16xf32>
      %mul3A_1379 = arith.mulf %get3A_1367, %get3A_1367 : vector<16xf32>
      %add3A_1380 = arith.addf %add3A_1378, %mul3A_1379 : vector<16xf32>
      %mul3A_1381 = arith.mulf %get3A_1370, %get3A_1370 : vector<16xf32>
      %add3A_1382 = arith.addf %add3A_1380, %mul3A_1381 : vector<16xf32>
      %reduce_sum3A_1383 = arith.constant true
      %reduce_sum3A_1384 = vector.broadcast %reduce_sum3A_1383 : i1 to vector<16xi1>
      %reduce_sum3A_1385 = tpu.scan <sum>, %add3A_1374 masked %reduce_sum3A_1384 : vector<16xf32>, vector<16xi1> -> vector<16xf32>
      %reduce_sum3A_1386 = vector.extract %reduce_sum3A_1385[15] : f32 from vector<16xf32>
      %reduce_sum3A_1387 = arith.constant true
      %reduce_sum3A_1388 = vector.broadcast %reduce_sum3A_1387 : i1 to vector<16xi1>
      %reduce_sum3A_1389 = tpu.scan <sum>, %add3A_1376 masked %reduce_sum3A_1388 : vector<16xf32>, vector<16xi1> -> vector<16xf32>
      %reduce_sum3A_1390 = vector.extract %reduce_sum3A_1389[15] : f32 from vector<16xf32>
      %sub3A_1391 = arith.subf %reduce_sum3A_1390, %reduce_sum3A_1386 : f32
      %slice3A_1392 = vector.extract_strided_slice %get3A_395 {offsets = [8], sizes = [1], strides = [1]} : vector<16xf32> to vector<1xf32>
      %squeeze3A_1393 = vector.extract %slice3A_1392[0] : f32 from vector<1xf32>
      %slice3A_1394 = vector.extract_strided_slice %get3A_399 {offsets = [8], sizes = [1], strides = [1]} : vector<16xf32> to vector<1xf32>
      %squeeze3A_1395 = vector.extract %slice3A_1394[0] : f32 from vector<1xf32>
      %sub3A_1396 = arith.subf %squeeze3A_1393, %squeeze3A_1395 : f32
      %add3A_1397 = arith.addf %sub3A_1391, %sub3A_1396 : f32
      %sub3A_1398 = arith.constant 5.000000e-01 : f32
      %sub3A_1399 = arith.subf %sub3A_1398, %add3A_1397 : f32
      %max3A_1400 = arith.constant 0.000000e+00 : f32
      %max3A_1401 = arith.maximumf %sub3A_1399, %max3A_1400 : f32
      %add3A_1402 = arith.addf %add3A_1290, %max3A_1401 : f32
      %mul3A_1403 = arith.constant 16 : i32
      %mul3A_1404 = arith.muli %scan3A_390, %mul3A_1403 : i32
      %add3A_1405 = arith.constant 9 : i32
      %add3A_1406 = arith.addi %mul3A_1404, %add3A_1405 : i32
      %broadcast_in_dim3A_1407 = arith.constant 0.000000e+00 : f32
      %broadcast_in_dim3A_1408 = vector.broadcast %broadcast_in_dim3A_1407 : f32 to vector<16xf32>
      %broadcast_in_dim3A_1409 = arith.constant 0.000000e+00 : f32
      %broadcast_in_dim3A_1410 = vector.broadcast %broadcast_in_dim3A_1409 : f32 to vector<16xf32>
      %get3A_1411 = arith.index_cast %add3A_1406 : i32 to index
      %get3A_1412 = arith.constant 0 : index
      %get3A_1413 = tpu.vector_load %arg13[%get3A_1411, %get3A_1412] {strides = array<i32>} : memref<512x64xf32, #tpu.memory_space<vmem>>, vector<16xf32>,
      %get3A_1414 = arith.index_cast %add3A_1406 : i32 to index
      %get3A_1415 = arith.constant 0 : index
      %get3A_1416 = tpu.vector_load %arg14[%get3A_1414, %get3A_1415] {strides = array<i32>} : memref<512x64xf32, #tpu.memory_space<vmem>>, vector<16xf32>,
      %get3A_1417 = arith.index_cast %add3A_1406 : i32 to index
      %get3A_1418 = arith.constant 0 : index
      %get3A_1419 = tpu.vector_load %arg15[%get3A_1417, %get3A_1418] {strides = array<i32>} : memref<512x64xf32, #tpu.memory_space<vmem>>, vector<16xf32>,
      %sub3A_1420 = arith.subf %get3A_1413, %get3A_1416 : vector<16xf32>
      %sub3A_1421 = arith.subf %get3A_1413, %get3A_1419 : vector<16xf32>
      %mul3A_1422 = arith.mulf %sub3A_1420, %sub3A_1420 : vector<16xf32>
      %add3A_1423 = arith.addf %broadcast_in_dim3A_1408, %mul3A_1422 : vector<16xf32>
      %mul3A_1424 = arith.mulf %sub3A_1421, %sub3A_1421 : vector<16xf32>
      %add3A_1425 = arith.addf %broadcast_in_dim3A_1410, %mul3A_1424 : vector<16xf32>
      %mul3A_1426 = arith.mulf %get3A_1413, %get3A_1413 : vector<16xf32>
      %add3A_1427 = arith.addf %add3A_1382, %mul3A_1426 : vector<16xf32>
      %mul3A_1428 = arith.mulf %get3A_1416, %get3A_1416 : vector<16xf32>
      %add3A_1429 = arith.addf %add3A_1427, %mul3A_1428 : vector<16xf32>
      %mul3A_1430 = arith.mulf %get3A_1419, %get3A_1419 : vector<16xf32>
      %add3A_1431 = arith.addf %add3A_1429, %mul3A_1430 : vector<16xf32>
      %get3A_1432 = arith.index_cast %add3A_1406 : i32 to index
      %get3A_1433 = arith.constant 16 : index
      %get3A_1434 = tpu.vector_load %arg13[%get3A_1432, %get3A_1433] {strides = array<i32>} : memref<512x64xf32, #tpu.memory_space<vmem>>, vector<16xf32>,
      %get3A_1435 = arith.index_cast %add3A_1406 : i32 to index
      %get3A_1436 = arith.constant 16 : index
      %get3A_1437 = tpu.vector_load %arg14[%get3A_1435, %get3A_1436] {strides = array<i32>} : memref<512x64xf32, #tpu.memory_space<vmem>>, vector<16xf32>,
      %get3A_1438 = arith.index_cast %add3A_1406 : i32 to index
      %get3A_1439 = arith.constant 16 : index
      %get3A_1440 = tpu.vector_load %arg15[%get3A_1438, %get3A_1439] {strides = array<i32>} : memref<512x64xf32, #tpu.memory_space<vmem>>, vector<16xf32>,
      %sub3A_1441 = arith.subf %get3A_1434, %get3A_1437 : vector<16xf32>
      %sub3A_1442 = arith.subf %get3A_1434, %get3A_1440 : vector<16xf32>
      %mul3A_1443 = arith.mulf %sub3A_1441, %sub3A_1441 : vector<16xf32>
      %add3A_1444 = arith.addf %add3A_1423, %mul3A_1443 : vector<16xf32>
      %mul3A_1445 = arith.mulf %sub3A_1442, %sub3A_1442 : vector<16xf32>
      %add3A_1446 = arith.addf %add3A_1425, %mul3A_1445 : vector<16xf32>
      %mul3A_1447 = arith.mulf %get3A_1434, %get3A_1434 : vector<16xf32>
      %add3A_1448 = arith.addf %add3A_1431, %mul3A_1447 : vector<16xf32>
      %mul3A_1449 = arith.mulf %get3A_1437, %get3A_1437 : vector<16xf32>
      %add3A_1450 = arith.addf %add3A_1448, %mul3A_1449 : vector<16xf32>
      %mul3A_1451 = arith.mulf %get3A_1440, %get3A_1440 : vector<16xf32>
      %add3A_1452 = arith.addf %add3A_1450, %mul3A_1451 : vector<16xf32>
      %get3A_1453 = arith.index_cast %add3A_1406 : i32 to index
      %get3A_1454 = arith.constant 32 : index
      %get3A_1455 = tpu.vector_load %arg13[%get3A_1453, %get3A_1454] {strides = array<i32>} : memref<512x64xf32, #tpu.memory_space<vmem>>, vector<16xf32>,
      %get3A_1456 = arith.index_cast %add3A_1406 : i32 to index
      %get3A_1457 = arith.constant 32 : index
      %get3A_1458 = tpu.vector_load %arg14[%get3A_1456, %get3A_1457] {strides = array<i32>} : memref<512x64xf32, #tpu.memory_space<vmem>>, vector<16xf32>,
      %get3A_1459 = arith.index_cast %add3A_1406 : i32 to index
      %get3A_1460 = arith.constant 32 : index
      %get3A_1461 = tpu.vector_load %arg15[%get3A_1459, %get3A_1460] {strides = array<i32>} : memref<512x64xf32, #tpu.memory_space<vmem>>, vector<16xf32>,
      %sub3A_1462 = arith.subf %get3A_1455, %get3A_1458 : vector<16xf32>
      %sub3A_1463 = arith.subf %get3A_1455, %get3A_1461 : vector<16xf32>
      %mul3A_1464 = arith.mulf %sub3A_1462, %sub3A_1462 : vector<16xf32>
      %add3A_1465 = arith.addf %add3A_1444, %mul3A_1464 : vector<16xf32>
      %mul3A_1466 = arith.mulf %sub3A_1463, %sub3A_1463 : vector<16xf32>
      %add3A_1467 = arith.addf %add3A_1446, %mul3A_1466 : vector<16xf32>
      %mul3A_1468 = arith.mulf %get3A_1455, %get3A_1455 : vector<16xf32>
      %add3A_1469 = arith.addf %add3A_1452, %mul3A_1468 : vector<16xf32>
      %mul3A_1470 = arith.mulf %get3A_1458, %get3A_1458 : vector<16xf32>
      %add3A_1471 = arith.addf %add3A_1469, %mul3A_1470 : vector<16xf32>
      %mul3A_1472 = arith.mulf %get3A_1461, %get3A_1461 : vector<16xf32>
      %add3A_1473 = arith.addf %add3A_1471, %mul3A_1472 : vector<16xf32>
      %get3A_1474 = arith.index_cast %add3A_1406 : i32 to index
      %get3A_1475 = arith.constant 48 : index
      %get3A_1476 = tpu.vector_load %arg13[%get3A_1474, %get3A_1475] {strides = array<i32>} : memref<512x64xf32, #tpu.memory_space<vmem>>, vector<16xf32>,
      %get3A_1477 = arith.index_cast %add3A_1406 : i32 to index
      %get3A_1478 = arith.constant 48 : index
      %get3A_1479 = tpu.vector_load %arg14[%get3A_1477, %get3A_1478] {strides = array<i32>} : memref<512x64xf32, #tpu.memory_space<vmem>>, vector<16xf32>,
      %get3A_1480 = arith.index_cast %add3A_1406 : i32 to index
      %get3A_1481 = arith.constant 48 : index
      %get3A_1482 = tpu.vector_load %arg15[%get3A_1480, %get3A_1481] {strides = array<i32>} : memref<512x64xf32, #tpu.memory_space<vmem>>, vector<16xf32>,
      %sub3A_1483 = arith.subf %get3A_1476, %get3A_1479 : vector<16xf32>
      %sub3A_1484 = arith.subf %get3A_1476, %get3A_1482 : vector<16xf32>
      %mul3A_1485 = arith.mulf %sub3A_1483, %sub3A_1483 : vector<16xf32>
      %add3A_1486 = arith.addf %add3A_1465, %mul3A_1485 : vector<16xf32>
      %mul3A_1487 = arith.mulf %sub3A_1484, %sub3A_1484 : vector<16xf32>
      %add3A_1488 = arith.addf %add3A_1467, %mul3A_1487 : vector<16xf32>
      %mul3A_1489 = arith.mulf %get3A_1476, %get3A_1476 : vector<16xf32>
      %add3A_1490 = arith.addf %add3A_1473, %mul3A_1489 : vector<16xf32>
      %mul3A_1491 = arith.mulf %get3A_1479, %get3A_1479 : vector<16xf32>
      %add3A_1492 = arith.addf %add3A_1490, %mul3A_1491 : vector<16xf32>
      %mul3A_1493 = arith.mulf %get3A_1482, %get3A_1482 : vector<16xf32>
      %add3A_1494 = arith.addf %add3A_1492, %mul3A_1493 : vector<16xf32>
      %reduce_sum3A_1495 = arith.constant true
      %reduce_sum3A_1496 = vector.broadcast %reduce_sum3A_1495 : i1 to vector<16xi1>
      %reduce_sum3A_1497 = tpu.scan <sum>, %add3A_1486 masked %reduce_sum3A_1496 : vector<16xf32>, vector<16xi1> -> vector<16xf32>
      %reduce_sum3A_1498 = vector.extract %reduce_sum3A_1497[15] : f32 from vector<16xf32>
      %reduce_sum3A_1499 = arith.constant true
      %reduce_sum3A_1500 = vector.broadcast %reduce_sum3A_1499 : i1 to vector<16xi1>
      %reduce_sum3A_1501 = tpu.scan <sum>, %add3A_1488 masked %reduce_sum3A_1500 : vector<16xf32>, vector<16xi1> -> vector<16xf32>
      %reduce_sum3A_1502 = vector.extract %reduce_sum3A_1501[15] : f32 from vector<16xf32>
      %sub3A_1503 = arith.subf %reduce_sum3A_1502, %reduce_sum3A_1498 : f32
      %slice3A_1504 = vector.extract_strided_slice %get3A_395 {offsets = [9], sizes = [1], strides = [1]} : vector<16xf32> to vector<1xf32>
      %squeeze3A_1505 = vector.extract %slice3A_1504[0] : f32 from vector<1xf32>
      %slice3A_1506 = vector.extract_strided_slice %get3A_399 {offsets = [9], sizes = [1], strides = [1]} : vector<16xf32> to vector<1xf32>
      %squeeze3A_1507 = vector.extract %slice3A_1506[0] : f32 from vector<1xf32>
      %sub3A_1508 = arith.subf %squeeze3A_1505, %squeeze3A_1507 : f32
      %add3A_1509 = arith.addf %sub3A_1503, %sub3A_1508 : f32
      %sub3A_1510 = arith.constant 5.000000e-01 : f32
      %sub3A_1511 = arith.subf %sub3A_1510, %add3A_1509 : f32
      %max3A_1512 = arith.constant 0.000000e+00 : f32
      %max3A_1513 = arith.maximumf %sub3A_1511, %max3A_1512 : f32
      %add3A_1514 = arith.addf %add3A_1402, %max3A_1513 : f32
      %mul3A_1515 = arith.constant 16 : i32
      %mul3A_1516 = arith.muli %scan3A_390, %mul3A_1515 : i32
      %add3A_1517 = arith.constant 10 : i32
      %add3A_1518 = arith.addi %mul3A_1516, %add3A_1517 : i32
      %broadcast_in_dim3A_1519 = arith.constant 0.000000e+00 : f32
      %broadcast_in_dim3A_1520 = vector.broadcast %broadcast_in_dim3A_1519 : f32 to vector<16xf32>
      %broadcast_in_dim3A_1521 = arith.constant 0.000000e+00 : f32
      %broadcast_in_dim3A_1522 = vector.broadcast %broadcast_in_dim3A_1521 : f32 to vector<16xf32>
      %get3A_1523 = arith.index_cast %add3A_1518 : i32 to index
      %get3A_1524 = arith.constant 0 : index
      %get3A_1525 = tpu.vector_load %arg13[%get3A_1523, %get3A_1524] {strides = array<i32>} : memref<512x64xf32, #tpu.memory_space<vmem>>, vector<16xf32>,
      %get3A_1526 = arith.index_cast %add3A_1518 : i32 to index
      %get3A_1527 = arith.constant 0 : index
      %get3A_1528 = tpu.vector_load %arg14[%get3A_1526, %get3A_1527] {strides = array<i32>} : memref<512x64xf32, #tpu.memory_space<vmem>>, vector<16xf32>,
      %get3A_1529 = arith.index_cast %add3A_1518 : i32 to index
      %get3A_1530 = arith.constant 0 : index
      %get3A_1531 = tpu.vector_load %arg15[%get3A_1529, %get3A_1530] {strides = array<i32>} : memref<512x64xf32, #tpu.memory_space<vmem>>, vector<16xf32>,
      %sub3A_1532 = arith.subf %get3A_1525, %get3A_1528 : vector<16xf32>
      %sub3A_1533 = arith.subf %get3A_1525, %get3A_1531 : vector<16xf32>
      %mul3A_1534 = arith.mulf %sub3A_1532, %sub3A_1532 : vector<16xf32>
      %add3A_1535 = arith.addf %broadcast_in_dim3A_1520, %mul3A_1534 : vector<16xf32>
      %mul3A_1536 = arith.mulf %sub3A_1533, %sub3A_1533 : vector<16xf32>
      %add3A_1537 = arith.addf %broadcast_in_dim3A_1522, %mul3A_1536 : vector<16xf32>
      %mul3A_1538 = arith.mulf %get3A_1525, %get3A_1525 : vector<16xf32>
      %add3A_1539 = arith.addf %add3A_1494, %mul3A_1538 : vector<16xf32>
      %mul3A_1540 = arith.mulf %get3A_1528, %get3A_1528 : vector<16xf32>
      %add3A_1541 = arith.addf %add3A_1539, %mul3A_1540 : vector<16xf32>
      %mul3A_1542 = arith.mulf %get3A_1531, %get3A_1531 : vector<16xf32>
      %add3A_1543 = arith.addf %add3A_1541, %mul3A_1542 : vector<16xf32>
      %get3A_1544 = arith.index_cast %add3A_1518 : i32 to index
      %get3A_1545 = arith.constant 16 : index
      %get3A_1546 = tpu.vector_load %arg13[%get3A_1544, %get3A_1545] {strides = array<i32>} : memref<512x64xf32, #tpu.memory_space<vmem>>, vector<16xf32>,
      %get3A_1547 = arith.index_cast %add3A_1518 : i32 to index
      %get3A_1548 = arith.constant 16 : index
      %get3A_1549 = tpu.vector_load %arg14[%get3A_1547, %get3A_1548] {strides = array<i32>} : memref<512x64xf32, #tpu.memory_space<vmem>>, vector<16xf32>,
      %get3A_1550 = arith.index_cast %add3A_1518 : i32 to index
      %get3A_1551 = arith.constant 16 : index
      %get3A_1552 = tpu.vector_load %arg15[%get3A_1550, %get3A_1551] {strides = array<i32>} : memref<512x64xf32, #tpu.memory_space<vmem>>, vector<16xf32>,
      %sub3A_1553 = arith.subf %get3A_1546, %get3A_1549 : vector<16xf32>
      %sub3A_1554 = arith.subf %get3A_1546, %get3A_1552 : vector<16xf32>
      %mul3A_1555 = arith.mulf %sub3A_1553, %sub3A_1553 : vector<16xf32>
      %add3A_1556 = arith.addf %add3A_1535, %mul3A_1555 : vector<16xf32>
      %mul3A_1557 = arith.mulf %sub3A_1554, %sub3A_1554 : vector<16xf32>
      %add3A_1558 = arith.addf %add3A_1537, %mul3A_1557 : vector<16xf32>
      %mul3A_1559 = arith.mulf %get3A_1546, %get3A_1546 : vector<16xf32>
      %add3A_1560 = arith.addf %add3A_1543, %mul3A_1559 : vector<16xf32>
      %mul3A_1561 = arith.mulf %get3A_1549, %get3A_1549 : vector<16xf32>
      %add3A_1562 = arith.addf %add3A_1560, %mul3A_1561 : vector<16xf32>
      %mul3A_1563 = arith.mulf %get3A_1552, %get3A_1552 : vector<16xf32>
      %add3A_1564 = arith.addf %add3A_1562, %mul3A_1563 : vector<16xf32>
      %get3A_1565 = arith.index_cast %add3A_1518 : i32 to index
      %get3A_1566 = arith.constant 32 : index
      %get3A_1567 = tpu.vector_load %arg13[%get3A_1565, %get3A_1566] {strides = array<i32>} : memref<512x64xf32, #tpu.memory_space<vmem>>, vector<16xf32>,
      %get3A_1568 = arith.index_cast %add3A_1518 : i32 to index
      %get3A_1569 = arith.constant 32 : index
      %get3A_1570 = tpu.vector_load %arg14[%get3A_1568, %get3A_1569] {strides = array<i32>} : memref<512x64xf32, #tpu.memory_space<vmem>>, vector<16xf32>,
      %get3A_1571 = arith.index_cast %add3A_1518 : i32 to index
      %get3A_1572 = arith.constant 32 : index
      %get3A_1573 = tpu.vector_load %arg15[%get3A_1571, %get3A_1572] {strides = array<i32>} : memref<512x64xf32, #tpu.memory_space<vmem>>, vector<16xf32>,
      %sub3A_1574 = arith.subf %get3A_1567, %get3A_1570 : vector<16xf32>
      %sub3A_1575 = arith.subf %get3A_1567, %get3A_1573 : vector<16xf32>
      %mul3A_1576 = arith.mulf %sub3A_1574, %sub3A_1574 : vector<16xf32>
      %add3A_1577 = arith.addf %add3A_1556, %mul3A_1576 : vector<16xf32>
      %mul3A_1578 = arith.mulf %sub3A_1575, %sub3A_1575 : vector<16xf32>
      %add3A_1579 = arith.addf %add3A_1558, %mul3A_1578 : vector<16xf32>
      %mul3A_1580 = arith.mulf %get3A_1567, %get3A_1567 : vector<16xf32>
      %add3A_1581 = arith.addf %add3A_1564, %mul3A_1580 : vector<16xf32>
      %mul3A_1582 = arith.mulf %get3A_1570, %get3A_1570 : vector<16xf32>
      %add3A_1583 = arith.addf %add3A_1581, %mul3A_1582 : vector<16xf32>
      %mul3A_1584 = arith.mulf %get3A_1573, %get3A_1573 : vector<16xf32>
      %add3A_1585 = arith.addf %add3A_1583, %mul3A_1584 : vector<16xf32>
      %get3A_1586 = arith.index_cast %add3A_1518 : i32 to index
      %get3A_1587 = arith.constant 48 : index
      %get3A_1588 = tpu.vector_load %arg13[%get3A_1586, %get3A_1587] {strides = array<i32>} : memref<512x64xf32, #tpu.memory_space<vmem>>, vector<16xf32>,
      %get3A_1589 = arith.index_cast %add3A_1518 : i32 to index
      %get3A_1590 = arith.constant 48 : index
      %get3A_1591 = tpu.vector_load %arg14[%get3A_1589, %get3A_1590] {strides = array<i32>} : memref<512x64xf32, #tpu.memory_space<vmem>>, vector<16xf32>,
      %get3A_1592 = arith.index_cast %add3A_1518 : i32 to index
      %get3A_1593 = arith.constant 48 : index
      %get3A_1594 = tpu.vector_load %arg15[%get3A_1592, %get3A_1593] {strides = array<i32>} : memref<512x64xf32, #tpu.memory_space<vmem>>, vector<16xf32>,
      %sub3A_1595 = arith.subf %get3A_1588, %get3A_1591 : vector<16xf32>
      %sub3A_1596 = arith.subf %get3A_1588, %get3A_1594 : vector<16xf32>
      %mul3A_1597 = arith.mulf %sub3A_1595, %sub3A_1595 : vector<16xf32>
      %add3A_1598 = arith.addf %add3A_1577, %mul3A_1597 : vector<16xf32>
      %mul3A_1599 = arith.mulf %sub3A_1596, %sub3A_1596 : vector<16xf32>
      %add3A_1600 = arith.addf %add3A_1579, %mul3A_1599 : vector<16xf32>
      %mul3A_1601 = arith.mulf %get3A_1588, %get3A_1588 : vector<16xf32>
      %add3A_1602 = arith.addf %add3A_1585, %mul3A_1601 : vector<16xf32>
      %mul3A_1603 = arith.mulf %get3A_1591, %get3A_1591 : vector<16xf32>
      %add3A_1604 = arith.addf %add3A_1602, %mul3A_1603 : vector<16xf32>
      %mul3A_1605 = arith.mulf %get3A_1594, %get3A_1594 : vector<16xf32>
      %add3A_1606 = arith.addf %add3A_1604, %mul3A_1605 : vector<16xf32>
      %reduce_sum3A_1607 = arith.constant true
      %reduce_sum3A_1608 = vector.broadcast %reduce_sum3A_1607 : i1 to vector<16xi1>
      %reduce_sum3A_1609 = tpu.scan <sum>, %add3A_1598 masked %reduce_sum3A_1608 : vector<16xf32>, vector<16xi1> -> vector<16xf32>
      %reduce_sum3A_1610 = vector.extract %reduce_sum3A_1609[15] : f32 from vector<16xf32>
      %reduce_sum3A_1611 = arith.constant true
      %reduce_sum3A_1612 = vector.broadcast %reduce_sum3A_1611 : i1 to vector<16xi1>
      %reduce_sum3A_1613 = tpu.scan <sum>, %add3A_1600 masked %reduce_sum3A_1612 : vector<16xf32>, vector<16xi1> -> vector<16xf32>
      %reduce_sum3A_1614 = vector.extract %reduce_sum3A_1613[15] : f32 from vector<16xf32>
      %sub3A_1615 = arith.subf %reduce_sum3A_1614, %reduce_sum3A_1610 : f32
      %slice3A_1616 = vector.extract_strided_slice %get3A_395 {offsets = [10], sizes = [1], strides = [1]} : vector<16xf32> to vector<1xf32>
      %squeeze3A_1617 = vector.extract %slice3A_1616[0] : f32 from vector<1xf32>
      %slice3A_1618 = vector.extract_strided_slice %get3A_399 {offsets = [10], sizes = [1], strides = [1]} : vector<16xf32> to vector<1xf32>
      %squeeze3A_1619 = vector.extract %slice3A_1618[0] : f32 from vector<1xf32>
      %sub3A_1620 = arith.subf %squeeze3A_1617, %squeeze3A_1619 : f32
      %add3A_1621 = arith.addf %sub3A_1615, %sub3A_1620 : f32
      %sub3A_1622 = arith.constant 5.000000e-01 : f32
      %sub3A_1623 = arith.subf %sub3A_1622, %add3A_1621 : f32
      %max3A_1624 = arith.constant 0.000000e+00 : f32
      %max3A_1625 = arith.maximumf %sub3A_1623, %max3A_1624 : f32
      %add3A_1626 = arith.addf %add3A_1514, %max3A_1625 : f32
      %mul3A_1627 = arith.constant 16 : i32
      %mul3A_1628 = arith.muli %scan3A_390, %mul3A_1627 : i32
      %add3A_1629 = arith.constant 11 : i32
      %add3A_1630 = arith.addi %mul3A_1628, %add3A_1629 : i32
      %broadcast_in_dim3A_1631 = arith.constant 0.000000e+00 : f32
      %broadcast_in_dim3A_1632 = vector.broadcast %broadcast_in_dim3A_1631 : f32 to vector<16xf32>
      %broadcast_in_dim3A_1633 = arith.constant 0.000000e+00 : f32
      %broadcast_in_dim3A_1634 = vector.broadcast %broadcast_in_dim3A_1633 : f32 to vector<16xf32>
      %get3A_1635 = arith.index_cast %add3A_1630 : i32 to index
      %get3A_1636 = arith.constant 0 : index
      %get3A_1637 = tpu.vector_load %arg13[%get3A_1635, %get3A_1636] {strides = array<i32>} : memref<512x64xf32, #tpu.memory_space<vmem>>, vector<16xf32>,
      %get3A_1638 = arith.index_cast %add3A_1630 : i32 to index
      %get3A_1639 = arith.constant 0 : index
      %get3A_1640 = tpu.vector_load %arg14[%get3A_1638, %get3A_1639] {strides = array<i32>} : memref<512x64xf32, #tpu.memory_space<vmem>>, vector<16xf32>,
      %get3A_1641 = arith.index_cast %add3A_1630 : i32 to index
      %get3A_1642 = arith.constant 0 : index
      %get3A_1643 = tpu.vector_load %arg15[%get3A_1641, %get3A_1642] {strides = array<i32>} : memref<512x64xf32, #tpu.memory_space<vmem>>, vector<16xf32>,
      %sub3A_1644 = arith.subf %get3A_1637, %get3A_1640 : vector<16xf32>
      %sub3A_1645 = arith.subf %get3A_1637, %get3A_1643 : vector<16xf32>
      %mul3A_1646 = arith.mulf %sub3A_1644, %sub3A_1644 : vector<16xf32>
      %add3A_1647 = arith.addf %broadcast_in_dim3A_1632, %mul3A_1646 : vector<16xf32>
      %mul3A_1648 = arith.mulf %sub3A_1645, %sub3A_1645 : vector<16xf32>
      %add3A_1649 = arith.addf %broadcast_in_dim3A_1634, %mul3A_1648 : vector<16xf32>
      %mul3A_1650 = arith.mulf %get3A_1637, %get3A_1637 : vector<16xf32>
      %add3A_1651 = arith.addf %add3A_1606, %mul3A_1650 : vector<16xf32>
      %mul3A_1652 = arith.mulf %get3A_1640, %get3A_1640 : vector<16xf32>
      %add3A_1653 = arith.addf %add3A_1651, %mul3A_1652 : vector<16xf32>
      %mul3A_1654 = arith.mulf %get3A_1643, %get3A_1643 : vector<16xf32>
      %add3A_1655 = arith.addf %add3A_1653, %mul3A_1654 : vector<16xf32>
      %get3A_1656 = arith.index_cast %add3A_1630 : i32 to index
      %get3A_1657 = arith.constant 16 : index
      %get3A_1658 = tpu.vector_load %arg13[%get3A_1656, %get3A_1657] {strides = array<i32>} : memref<512x64xf32, #tpu.memory_space<vmem>>, vector<16xf32>,
      %get3A_1659 = arith.index_cast %add3A_1630 : i32 to index
      %get3A_1660 = arith.constant 16 : index
      %get3A_1661 = tpu.vector_load %arg14[%get3A_1659, %get3A_1660] {strides = array<i32>} : memref<512x64xf32, #tpu.memory_space<vmem>>, vector<16xf32>,
      %get3A_1662 = arith.index_cast %add3A_1630 : i32 to index
      %get3A_1663 = arith.constant 16 : index
      %get3A_1664 = tpu.vector_load %arg15[%get3A_1662, %get3A_1663] {strides = array<i32>} : memref<512x64xf32, #tpu.memory_space<vmem>>, vector<16xf32>,
      %sub3A_1665 = arith.subf %get3A_1658, %get3A_1661 : vector<16xf32>
      %sub3A_1666 = arith.subf %get3A_1658, %get3A_1664 : vector<16xf32>
      %mul3A_1667 = arith.mulf %sub3A_1665, %sub3A_1665 : vector<16xf32>
      %add3A_1668 = arith.addf %add3A_1647, %mul3A_1667 : vector<16xf32>
      %mul3A_1669 = arith.mulf %sub3A_1666, %sub3A_1666 : vector<16xf32>
      %add3A_1670 = arith.addf %add3A_1649, %mul3A_1669 : vector<16xf32>
      %mul3A_1671 = arith.mulf %get3A_1658, %get3A_1658 : vector<16xf32>
      %add3A_1672 = arith.addf %add3A_1655, %mul3A_1671 : vector<16xf32>
      %mul3A_1673 = arith.mulf %get3A_1661, %get3A_1661 : vector<16xf32>
      %add3A_1674 = arith.addf %add3A_1672, %mul3A_1673 : vector<16xf32>
      %mul3A_1675 = arith.mulf %get3A_1664, %get3A_1664 : vector<16xf32>
      %add3A_1676 = arith.addf %add3A_1674, %mul3A_1675 : vector<16xf32>
      %get3A_1677 = arith.index_cast %add3A_1630 : i32 to index
      %get3A_1678 = arith.constant 32 : index
      %get3A_1679 = tpu.vector_load %arg13[%get3A_1677, %get3A_1678] {strides = array<i32>} : memref<512x64xf32, #tpu.memory_space<vmem>>, vector<16xf32>,
      %get3A_1680 = arith.index_cast %add3A_1630 : i32 to index
      %get3A_1681 = arith.constant 32 : index
      %get3A_1682 = tpu.vector_load %arg14[%get3A_1680, %get3A_1681] {strides = array<i32>} : memref<512x64xf32, #tpu.memory_space<vmem>>, vector<16xf32>,
      %get3A_1683 = arith.index_cast %add3A_1630 : i32 to index
      %get3A_1684 = arith.constant 32 : index
      %get3A_1685 = tpu.vector_load %arg15[%get3A_1683, %get3A_1684] {strides = array<i32>} : memref<512x64xf32, #tpu.memory_space<vmem>>, vector<16xf32>,
      %sub3A_1686 = arith.subf %get3A_1679, %get3A_1682 : vector<16xf32>
      %sub3A_1687 = arith.subf %get3A_1679, %get3A_1685 : vector<16xf32>
      %mul3A_1688 = arith.mulf %sub3A_1686, %sub3A_1686 : vector<16xf32>
      %add3A_1689 = arith.addf %add3A_1668, %mul3A_1688 : vector<16xf32>
      %mul3A_1690 = arith.mulf %sub3A_1687, %sub3A_1687 : vector<16xf32>
      %add3A_1691 = arith.addf %add3A_1670, %mul3A_1690 : vector<16xf32>
      %mul3A_1692 = arith.mulf %get3A_1679, %get3A_1679 : vector<16xf32>
      %add3A_1693 = arith.addf %add3A_1676, %mul3A_1692 : vector<16xf32>
      %mul3A_1694 = arith.mulf %get3A_1682, %get3A_1682 : vector<16xf32>
      %add3A_1695 = arith.addf %add3A_1693, %mul3A_1694 : vector<16xf32>
      %mul3A_1696 = arith.mulf %get3A_1685, %get3A_1685 : vector<16xf32>
      %add3A_1697 = arith.addf %add3A_1695, %mul3A_1696 : vector<16xf32>
      %get3A_1698 = arith.index_cast %add3A_1630 : i32 to index
      %get3A_1699 = arith.constant 48 : index
      %get3A_1700 = tpu.vector_load %arg13[%get3A_1698, %get3A_1699] {strides = array<i32>} : memref<512x64xf32, #tpu.memory_space<vmem>>, vector<16xf32>,
      %get3A_1701 = arith.index_cast %add3A_1630 : i32 to index
      %get3A_1702 = arith.constant 48 : index
      %get3A_1703 = tpu.vector_load %arg14[%get3A_1701, %get3A_1702] {strides = array<i32>} : memref<512x64xf32, #tpu.memory_space<vmem>>, vector<16xf32>,
      %get3A_1704 = arith.index_cast %add3A_1630 : i32 to index
      %get3A_1705 = arith.constant 48 : index
      %get3A_1706 = tpu.vector_load %arg15[%get3A_1704, %get3A_1705] {strides = array<i32>} : memref<512x64xf32, #tpu.memory_space<vmem>>, vector<16xf32>,
      %sub3A_1707 = arith.subf %get3A_1700, %get3A_1703 : vector<16xf32>
      %sub3A_1708 = arith.subf %get3A_1700, %get3A_1706 : vector<16xf32>
      %mul3A_1709 = arith.mulf %sub3A_1707, %sub3A_1707 : vector<16xf32>
      %add3A_1710 = arith.addf %add3A_1689, %mul3A_1709 : vector<16xf32>
      %mul3A_1711 = arith.mulf %sub3A_1708, %sub3A_1708 : vector<16xf32>
      %add3A_1712 = arith.addf %add3A_1691, %mul3A_1711 : vector<16xf32>
      %mul3A_1713 = arith.mulf %get3A_1700, %get3A_1700 : vector<16xf32>
      %add3A_1714 = arith.addf %add3A_1697, %mul3A_1713 : vector<16xf32>
      %mul3A_1715 = arith.mulf %get3A_1703, %get3A_1703 : vector<16xf32>
      %add3A_1716 = arith.addf %add3A_1714, %mul3A_1715 : vector<16xf32>
      %mul3A_1717 = arith.mulf %get3A_1706, %get3A_1706 : vector<16xf32>
      %add3A_1718 = arith.addf %add3A_1716, %mul3A_1717 : vector<16xf32>
      %reduce_sum3A_1719 = arith.constant true
      %reduce_sum3A_1720 = vector.broadcast %reduce_sum3A_1719 : i1 to vector<16xi1>
      %reduce_sum3A_1721 = tpu.scan <sum>, %add3A_1710 masked %reduce_sum3A_1720 : vector<16xf32>, vector<16xi1> -> vector<16xf32>
      %reduce_sum3A_1722 = vector.extract %reduce_sum3A_1721[15] : f32 from vector<16xf32>
      %reduce_sum3A_1723 = arith.constant true
      %reduce_sum3A_1724 = vector.broadcast %reduce_sum3A_1723 : i1 to vector<16xi1>
      %reduce_sum3A_1725 = tpu.scan <sum>, %add3A_1712 masked %reduce_sum3A_1724 : vector<16xf32>, vector<16xi1> -> vector<16xf32>
      %reduce_sum3A_1726 = vector.extract %reduce_sum3A_1725[15] : f32 from vector<16xf32>
      %sub3A_1727 = arith.subf %reduce_sum3A_1726, %reduce_sum3A_1722 : f32
      %slice3A_1728 = vector.extract_strided_slice %get3A_395 {offsets = [11], sizes = [1], strides = [1]} : vector<16xf32> to vector<1xf32>
      %squeeze3A_1729 = vector.extract %slice3A_1728[0] : f32 from vector<1xf32>
      %slice3A_1730 = vector.extract_strided_slice %get3A_399 {offsets = [11], sizes = [1], strides = [1]} : vector<16xf32> to vector<1xf32>
      %squeeze3A_1731 = vector.extract %slice3A_1730[0] : f32 from vector<1xf32>
      %sub3A_1732 = arith.subf %squeeze3A_1729, %squeeze3A_1731 : f32
      %add3A_1733 = arith.addf %sub3A_1727, %sub3A_1732 : f32
      %sub3A_1734 = arith.constant 5.000000e-01 : f32
      %sub3A_1735 = arith.subf %sub3A_1734, %add3A_1733 : f32
      %max3A_1736 = arith.constant 0.000000e+00 : f32
      %max3A_1737 = arith.maximumf %sub3A_1735, %max3A_1736 : f32
      %add3A_1738 = arith.addf %add3A_1626, %max3A_1737 : f32
      %mul3A_1739 = arith.constant 16 : i32
      %mul3A_1740 = arith.muli %scan3A_390, %mul3A_1739 : i32
      %add3A_1741 = arith.constant 12 : i32
      %add3A_1742 = arith.addi %mul3A_1740, %add3A_1741 : i32
      %broadcast_in_dim3A_1743 = arith.constant 0.000000e+00 : f32
      %broadcast_in_dim3A_1744 = vector.broadcast %broadcast_in_dim3A_1743 : f32 to vector<16xf32>
      %broadcast_in_dim3A_1745 = arith.constant 0.000000e+00 : f32
      %broadcast_in_dim3A_1746 = vector.broadcast %broadcast_in_dim3A_1745 : f32 to vector<16xf32>
      %get3A_1747 = arith.index_cast %add3A_1742 : i32 to index
      %get3A_1748 = arith.constant 0 : index
      %get3A_1749 = tpu.vector_load %arg13[%get3A_1747, %get3A_1748] {strides = array<i32>} : memref<512x64xf32, #tpu.memory_space<vmem>>, vector<16xf32>,
      %get3A_1750 = arith.index_cast %add3A_1742 : i32 to index
      %get3A_1751 = arith.constant 0 : index
      %get3A_1752 = tpu.vector_load %arg14[%get3A_1750, %get3A_1751] {strides = array<i32>} : memref<512x64xf32, #tpu.memory_space<vmem>>, vector<16xf32>,
      %get3A_1753 = arith.index_cast %add3A_1742 : i32 to index
      %get3A_1754 = arith.constant 0 : index
      %get3A_1755 = tpu.vector_load %arg15[%get3A_1753, %get3A_1754] {strides = array<i32>} : memref<512x64xf32, #tpu.memory_space<vmem>>, vector<16xf32>,
      %sub3A_1756 = arith.subf %get3A_1749, %get3A_1752 : vector<16xf32>
      %sub3A_1757 = arith.subf %get3A_1749, %get3A_1755 : vector<16xf32>
      %mul3A_1758 = arith.mulf %sub3A_1756, %sub3A_1756 : vector<16xf32>
      %add3A_1759 = arith.addf %broadcast_in_dim3A_1744, %mul3A_1758 : vector<16xf32>
      %mul3A_1760 = arith.mulf %sub3A_1757, %sub3A_1757 : vector<16xf32>
      %add3A_1761 = arith.addf %broadcast_in_dim3A_1746, %mul3A_1760 : vector<16xf32>
      %mul3A_1762 = arith.mulf %get3A_1749, %get3A_1749 : vector<16xf32>
      %add3A_1763 = arith.addf %add3A_1718, %mul3A_1762 : vector<16xf32>
      %mul3A_1764 = arith.mulf %get3A_1752, %get3A_1752 : vector<16xf32>
      %add3A_1765 = arith.addf %add3A_1763, %mul3A_1764 : vector<16xf32>
      %mul3A_1766 = arith.mulf %get3A_1755, %get3A_1755 : vector<16xf32>
      %add3A_1767 = arith.addf %add3A_1765, %mul3A_1766 : vector<16xf32>
      %get3A_1768 = arith.index_cast %add3A_1742 : i32 to index
      %get3A_1769 = arith.constant 16 : index
      %get3A_1770 = tpu.vector_load %arg13[%get3A_1768, %get3A_1769] {strides = array<i32>} : memref<512x64xf32, #tpu.memory_space<vmem>>, vector<16xf32>,
      %get3A_1771 = arith.index_cast %add3A_1742 : i32 to index
      %get3A_1772 = arith.constant 16 : index
      %get3A_1773 = tpu.vector_load %arg14[%get3A_1771, %get3A_1772] {strides = array<i32>} : memref<512x64xf32, #tpu.memory_space<vmem>>, vector<16xf32>,
      %get3A_1774 = arith.index_cast %add3A_1742 : i32 to index
      %get3A_1775 = arith.constant 16 : index
      %get3A_1776 = tpu.vector_load %arg15[%get3A_1774, %get3A_1775] {strides = array<i32>} : memref<512x64xf32, #tpu.memory_space<vmem>>, vector<16xf32>,
      %sub3A_1777 = arith.subf %get3A_1770, %get3A_1773 : vector<16xf32>
      %sub3A_1778 = arith.subf %get3A_1770, %get3A_1776 : vector<16xf32>
      %mul3A_1779 = arith.mulf %sub3A_1777, %sub3A_1777 : vector<16xf32>
      %add3A_1780 = arith.addf %add3A_1759, %mul3A_1779 : vector<16xf32>
      %mul3A_1781 = arith.mulf %sub3A_1778, %sub3A_1778 : vector<16xf32>
      %add3A_1782 = arith.addf %add3A_1761, %mul3A_1781 : vector<16xf32>
      %mul3A_1783 = arith.mulf %get3A_1770, %get3A_1770 : vector<16xf32>
      %add3A_1784 = arith.addf %add3A_1767, %mul3A_1783 : vector<16xf32>
      %mul3A_1785 = arith.mulf %get3A_1773, %get3A_1773 : vector<16xf32>
      %add3A_1786 = arith.addf %add3A_1784, %mul3A_1785 : vector<16xf32>
      %mul3A_1787 = arith.mulf %get3A_1776, %get3A_1776 : vector<16xf32>
      %add3A_1788 = arith.addf %add3A_1786, %mul3A_1787 : vector<16xf32>
      %get3A_1789 = arith.index_cast %add3A_1742 : i32 to index
      %get3A_1790 = arith.constant 32 : index
      %get3A_1791 = tpu.vector_load %arg13[%get3A_1789, %get3A_1790] {strides = array<i32>} : memref<512x64xf32, #tpu.memory_space<vmem>>, vector<16xf32>,
      %get3A_1792 = arith.index_cast %add3A_1742 : i32 to index
      %get3A_1793 = arith.constant 32 : index
      %get3A_1794 = tpu.vector_load %arg14[%get3A_1792, %get3A_1793] {strides = array<i32>} : memref<512x64xf32, #tpu.memory_space<vmem>>, vector<16xf32>,
      %get3A_1795 = arith.index_cast %add3A_1742 : i32 to index
      %get3A_1796 = arith.constant 32 : index
      %get3A_1797 = tpu.vector_load %arg15[%get3A_1795, %get3A_1796] {strides = array<i32>} : memref<512x64xf32, #tpu.memory_space<vmem>>, vector<16xf32>,
      %sub3A_1798 = arith.subf %get3A_1791, %get3A_1794 : vector<16xf32>
      %sub3A_1799 = arith.subf %get3A_1791, %get3A_1797 : vector<16xf32>
      %mul3A_1800 = arith.mulf %sub3A_1798, %sub3A_1798 : vector<16xf32>
      %add3A_1801 = arith.addf %add3A_1780, %mul3A_1800 : vector<16xf32>
      %mul3A_1802 = arith.mulf %sub3A_1799, %sub3A_1799 : vector<16xf32>
      %add3A_1803 = arith.addf %add3A_1782, %mul3A_1802 : vector<16xf32>
      %mul3A_1804 = arith.mulf %get3A_1791, %get3A_1791 : vector<16xf32>
      %add3A_1805 = arith.addf %add3A_1788, %mul3A_1804 : vector<16xf32>
      %mul3A_1806 = arith.mulf %get3A_1794, %get3A_1794 : vector<16xf32>
      %add3A_1807 = arith.addf %add3A_1805, %mul3A_1806 : vector<16xf32>
      %mul3A_1808 = arith.mulf %get3A_1797, %get3A_1797 : vector<16xf32>
      %add3A_1809 = arith.addf %add3A_1807, %mul3A_1808 : vector<16xf32>
      %get3A_1810 = arith.index_cast %add3A_1742 : i32 to index
      %get3A_1811 = arith.constant 48 : index
      %get3A_1812 = tpu.vector_load %arg13[%get3A_1810, %get3A_1811] {strides = array<i32>} : memref<512x64xf32, #tpu.memory_space<vmem>>, vector<16xf32>,
      %get3A_1813 = arith.index_cast %add3A_1742 : i32 to index
      %get3A_1814 = arith.constant 48 : index
      %get3A_1815 = tpu.vector_load %arg14[%get3A_1813, %get3A_1814] {strides = array<i32>} : memref<512x64xf32, #tpu.memory_space<vmem>>, vector<16xf32>,
      %get3A_1816 = arith.index_cast %add3A_1742 : i32 to index
      %get3A_1817 = arith.constant 48 : index
      %get3A_1818 = tpu.vector_load %arg15[%get3A_1816, %get3A_1817] {strides = array<i32>} : memref<512x64xf32, #tpu.memory_space<vmem>>, vector<16xf32>,
      %sub3A_1819 = arith.subf %get3A_1812, %get3A_1815 : vector<16xf32>
      %sub3A_1820 = arith.subf %get3A_1812, %get3A_1818 : vector<16xf32>
      %mul3A_1821 = arith.mulf %sub3A_1819, %sub3A_1819 : vector<16xf32>
      %add3A_1822 = arith.addf %add3A_1801, %mul3A_1821 : vector<16xf32>
      %mul3A_1823 = arith.mulf %sub3A_1820, %sub3A_1820 : vector<16xf32>
      %add3A_1824 = arith.addf %add3A_1803, %mul3A_1823 : vector<16xf32>
      %mul3A_1825 = arith.mulf %get3A_1812, %get3A_1812 : vector<16xf32>
      %add3A_1826 = arith.addf %add3A_1809, %mul3A_1825 : vector<16xf32>
      %mul3A_1827 = arith.mulf %get3A_1815, %get3A_1815 : vector<16xf32>
      %add3A_1828 = arith.addf %add3A_1826, %mul3A_1827 : vector<16xf32>
      %mul3A_1829 = arith.mulf %get3A_1818, %get3A_1818 : vector<16xf32>
      %add3A_1830 = arith.addf %add3A_1828, %mul3A_1829 : vector<16xf32>
      %reduce_sum3A_1831 = arith.constant true
      %reduce_sum3A_1832 = vector.broadcast %reduce_sum3A_1831 : i1 to vector<16xi1>
      %reduce_sum3A_1833 = tpu.scan <sum>, %add3A_1822 masked %reduce_sum3A_1832 : vector<16xf32>, vector<16xi1> -> vector<16xf32>
      %reduce_sum3A_1834 = vector.extract %reduce_sum3A_1833[15] : f32 from vector<16xf32>
      %reduce_sum3A_1835 = arith.constant true
      %reduce_sum3A_1836 = vector.broadcast %reduce_sum3A_1835 : i1 to vector<16xi1>
      %reduce_sum3A_1837 = tpu.scan <sum>, %add3A_1824 masked %reduce_sum3A_1836 : vector<16xf32>, vector<16xi1> -> vector<16xf32>
      %reduce_sum3A_1838 = vector.extract %reduce_sum3A_1837[15] : f32 from vector<16xf32>
      %sub3A_1839 = arith.subf %reduce_sum3A_1838, %reduce_sum3A_1834 : f32
      %slice3A_1840 = vector.extract_strided_slice %get3A_395 {offsets = [12], sizes = [1], strides = [1]} : vector<16xf32> to vector<1xf32>
      %squeeze3A_1841 = vector.extract %slice3A_1840[0] : f32 from vector<1xf32>
      %slice3A_1842 = vector.extract_strided_slice %get3A_399 {offsets = [12], sizes = [1], strides = [1]} : vector<16xf32> to vector<1xf32>
      %squeeze3A_1843 = vector.extract %slice3A_1842[0] : f32 from vector<1xf32>
      %sub3A_1844 = arith.subf %squeeze3A_1841, %squeeze3A_1843 : f32
      %add3A_1845 = arith.addf %sub3A_1839, %sub3A_1844 : f32
      %sub3A_1846 = arith.constant 5.000000e-01 : f32
      %sub3A_1847 = arith.subf %sub3A_1846, %add3A_1845 : f32
      %max3A_1848 = arith.constant 0.000000e+00 : f32
      %max3A_1849 = arith.maximumf %sub3A_1847, %max3A_1848 : f32
      %add3A_1850 = arith.addf %add3A_1738, %max3A_1849 : f32
      %mul3A_1851 = arith.constant 16 : i32
      %mul3A_1852 = arith.muli %scan3A_390, %mul3A_1851 : i32
      %add3A_1853 = arith.constant 13 : i32
      %add3A_1854 = arith.addi %mul3A_1852, %add3A_1853 : i32
      %broadcast_in_dim3A_1855 = arith.constant 0.000000e+00 : f32
      %broadcast_in_dim3A_1856 = vector.broadcast %broadcast_in_dim3A_1855 : f32 to vector<16xf32>
      %broadcast_in_dim3A_1857 = arith.constant 0.000000e+00 : f32
      %broadcast_in_dim3A_1858 = vector.broadcast %broadcast_in_dim3A_1857 : f32 to vector<16xf32>
      %get3A_1859 = arith.index_cast %add3A_1854 : i32 to index
      %get3A_1860 = arith.constant 0 : index
      %get3A_1861 = tpu.vector_load %arg13[%get3A_1859, %get3A_1860] {strides = array<i32>} : memref<512x64xf32, #tpu.memory_space<vmem>>, vector<16xf32>,
      %get3A_1862 = arith.index_cast %add3A_1854 : i32 to index
      %get3A_1863 = arith.constant 0 : index
      %get3A_1864 = tpu.vector_load %arg14[%get3A_1862, %get3A_1863] {strides = array<i32>} : memref<512x64xf32, #tpu.memory_space<vmem>>, vector<16xf32>,
      %get3A_1865 = arith.index_cast %add3A_1854 : i32 to index
      %get3A_1866 = arith.constant 0 : index
      %get3A_1867 = tpu.vector_load %arg15[%get3A_1865, %get3A_1866] {strides = array<i32>} : memref<512x64xf32, #tpu.memory_space<vmem>>, vector<16xf32>,
      %sub3A_1868 = arith.subf %get3A_1861, %get3A_1864 : vector<16xf32>
      %sub3A_1869 = arith.subf %get3A_1861, %get3A_1867 : vector<16xf32>
      %mul3A_1870 = arith.mulf %sub3A_1868, %sub3A_1868 : vector<16xf32>
      %add3A_1871 = arith.addf %broadcast_in_dim3A_1856, %mul3A_1870 : vector<16xf32>
      %mul3A_1872 = arith.mulf %sub3A_1869, %sub3A_1869 : vector<16xf32>
      %add3A_1873 = arith.addf %broadcast_in_dim3A_1858, %mul3A_1872 : vector<16xf32>
      %mul3A_1874 = arith.mulf %get3A_1861, %get3A_1861 : vector<16xf32>
      %add3A_1875 = arith.addf %add3A_1830, %mul3A_1874 : vector<16xf32>
      %mul3A_1876 = arith.mulf %get3A_1864, %get3A_1864 : vector<16xf32>
      %add3A_1877 = arith.addf %add3A_1875, %mul3A_1876 : vector<16xf32>
      %mul3A_1878 = arith.mulf %get3A_1867, %get3A_1867 : vector<16xf32>
      %add3A_1879 = arith.addf %add3A_1877, %mul3A_1878 : vector<16xf32>
      %get3A_1880 = arith.index_cast %add3A_1854 : i32 to index
      %get3A_1881 = arith.constant 16 : index
      %get3A_1882 = tpu.vector_load %arg13[%get3A_1880, %get3A_1881] {strides = array<i32>} : memref<512x64xf32, #tpu.memory_space<vmem>>, vector<16xf32>,
      %get3A_1883 = arith.index_cast %add3A_1854 : i32 to index
      %get3A_1884 = arith.constant 16 : index
      %get3A_1885 = tpu.vector_load %arg14[%get3A_1883, %get3A_1884] {strides = array<i32>} : memref<512x64xf32, #tpu.memory_space<vmem>>, vector<16xf32>,
      %get3A_1886 = arith.index_cast %add3A_1854 : i32 to index
      %get3A_1887 = arith.constant 16 : index
      %get3A_1888 = tpu.vector_load %arg15[%get3A_1886, %get3A_1887] {strides = array<i32>} : memref<512x64xf32, #tpu.memory_space<vmem>>, vector<16xf32>,
      %sub3A_1889 = arith.subf %get3A_1882, %get3A_1885 : vector<16xf32>
      %sub3A_1890 = arith.subf %get3A_1882, %get3A_1888 : vector<16xf32>
      %mul3A_1891 = arith.mulf %sub3A_1889, %sub3A_1889 : vector<16xf32>
      %add3A_1892 = arith.addf %add3A_1871, %mul3A_1891 : vector<16xf32>
      %mul3A_1893 = arith.mulf %sub3A_1890, %sub3A_1890 : vector<16xf32>
      %add3A_1894 = arith.addf %add3A_1873, %mul3A_1893 : vector<16xf32>
      %mul3A_1895 = arith.mulf %get3A_1882, %get3A_1882 : vector<16xf32>
      %add3A_1896 = arith.addf %add3A_1879, %mul3A_1895 : vector<16xf32>
      %mul3A_1897 = arith.mulf %get3A_1885, %get3A_1885 : vector<16xf32>
      %add3A_1898 = arith.addf %add3A_1896, %mul3A_1897 : vector<16xf32>
      %mul3A_1899 = arith.mulf %get3A_1888, %get3A_1888 : vector<16xf32>
      %add3A_1900 = arith.addf %add3A_1898, %mul3A_1899 : vector<16xf32>
      %get3A_1901 = arith.index_cast %add3A_1854 : i32 to index
      %get3A_1902 = arith.constant 32 : index
      %get3A_1903 = tpu.vector_load %arg13[%get3A_1901, %get3A_1902] {strides = array<i32>} : memref<512x64xf32, #tpu.memory_space<vmem>>, vector<16xf32>,
      %get3A_1904 = arith.index_cast %add3A_1854 : i32 to index
      %get3A_1905 = arith.constant 32 : index
      %get3A_1906 = tpu.vector_load %arg14[%get3A_1904, %get3A_1905] {strides = array<i32>} : memref<512x64xf32, #tpu.memory_space<vmem>>, vector<16xf32>,
      %get3A_1907 = arith.index_cast %add3A_1854 : i32 to index
      %get3A_1908 = arith.constant 32 : index
      %get3A_1909 = tpu.vector_load %arg15[%get3A_1907, %get3A_1908] {strides = array<i32>} : memref<512x64xf32, #tpu.memory_space<vmem>>, vector<16xf32>,
      %sub3A_1910 = arith.subf %get3A_1903, %get3A_1906 : vector<16xf32>
      %sub3A_1911 = arith.subf %get3A_1903, %get3A_1909 : vector<16xf32>
      %mul3A_1912 = arith.mulf %sub3A_1910, %sub3A_1910 : vector<16xf32>
      %add3A_1913 = arith.addf %add3A_1892, %mul3A_1912 : vector<16xf32>
      %mul3A_1914 = arith.mulf %sub3A_1911, %sub3A_1911 : vector<16xf32>
      %add3A_1915 = arith.addf %add3A_1894, %mul3A_1914 : vector<16xf32>
      %mul3A_1916 = arith.mulf %get3A_1903, %get3A_1903 : vector<16xf32>
      %add3A_1917 = arith.addf %add3A_1900, %mul3A_1916 : vector<16xf32>
      %mul3A_1918 = arith.mulf %get3A_1906, %get3A_1906 : vector<16xf32>
      %add3A_1919 = arith.addf %add3A_1917, %mul3A_1918 : vector<16xf32>
      %mul3A_1920 = arith.mulf %get3A_1909, %get3A_1909 : vector<16xf32>
      %add3A_1921 = arith.addf %add3A_1919, %mul3A_1920 : vector<16xf32>
      %get3A_1922 = arith.index_cast %add3A_1854 : i32 to index
      %get3A_1923 = arith.constant 48 : index
      %get3A_1924 = tpu.vector_load %arg13[%get3A_1922, %get3A_1923] {strides = array<i32>} : memref<512x64xf32, #tpu.memory_space<vmem>>, vector<16xf32>,
      %get3A_1925 = arith.index_cast %add3A_1854 : i32 to index
      %get3A_1926 = arith.constant 48 : index
      %get3A_1927 = tpu.vector_load %arg14[%get3A_1925, %get3A_1926] {strides = array<i32>} : memref<512x64xf32, #tpu.memory_space<vmem>>, vector<16xf32>,
      %get3A_1928 = arith.index_cast %add3A_1854 : i32 to index
      %get3A_1929 = arith.constant 48 : index
      %get3A_1930 = tpu.vector_load %arg15[%get3A_1928, %get3A_1929] {strides = array<i32>} : memref<512x64xf32, #tpu.memory_space<vmem>>, vector<16xf32>,
      %sub3A_1931 = arith.subf %get3A_1924, %get3A_1927 : vector<16xf32>
      %sub3A_1932 = arith.subf %get3A_1924, %get3A_1930 : vector<16xf32>
      %mul3A_1933 = arith.mulf %sub3A_1931, %sub3A_1931 : vector<16xf32>
      %add3A_1934 = arith.addf %add3A_1913, %mul3A_1933 : vector<16xf32>
      %mul3A_1935 = arith.mulf %sub3A_1932, %sub3A_1932 : vector<16xf32>
      %add3A_1936 = arith.addf %add3A_1915, %mul3A_1935 : vector<16xf32>
      %mul3A_1937 = arith.mulf %get3A_1924, %get3A_1924 : vector<16xf32>
      %add3A_1938 = arith.addf %add3A_1921, %mul3A_1937 : vector<16xf32>
      %mul3A_1939 = arith.mulf %get3A_1927, %get3A_1927 : vector<16xf32>
      %add3A_1940 = arith.addf %add3A_1938, %mul3A_1939 : vector<16xf32>
      %mul3A_1941 = arith.mulf %get3A_1930, %get3A_1930 : vector<16xf32>
      %add3A_1942 = arith.addf %add3A_1940, %mul3A_1941 : vector<16xf32>
      %reduce_sum3A_1943 = arith.constant true
      %reduce_sum3A_1944 = vector.broadcast %reduce_sum3A_1943 : i1 to vector<16xi1>
      %reduce_sum3A_1945 = tpu.scan <sum>, %add3A_1934 masked %reduce_sum3A_1944 : vector<16xf32>, vector<16xi1> -> vector<16xf32>
      %reduce_sum3A_1946 = vector.extract %reduce_sum3A_1945[15] : f32 from vector<16xf32>
      %reduce_sum3A_1947 = arith.constant true
      %reduce_sum3A_1948 = vector.broadcast %reduce_sum3A_1947 : i1 to vector<16xi1>
      %reduce_sum3A_1949 = tpu.scan <sum>, %add3A_1936 masked %reduce_sum3A_1948 : vector<16xf32>, vector<16xi1> -> vector<16xf32>
      %reduce_sum3A_1950 = vector.extract %reduce_sum3A_1949[15] : f32 from vector<16xf32>
      %sub3A_1951 = arith.subf %reduce_sum3A_1950, %reduce_sum3A_1946 : f32
      %slice3A_1952 = vector.extract_strided_slice %get3A_395 {offsets = [13], sizes = [1], strides = [1]} : vector<16xf32> to vector<1xf32>
      %squeeze3A_1953 = vector.extract %slice3A_1952[0] : f32 from vector<1xf32>
      %slice3A_1954 = vector.extract_strided_slice %get3A_399 {offsets = [13], sizes = [1], strides = [1]} : vector<16xf32> to vector<1xf32>
      %squeeze3A_1955 = vector.extract %slice3A_1954[0] : f32 from vector<1xf32>
      %sub3A_1956 = arith.subf %squeeze3A_1953, %squeeze3A_1955 : f32
      %add3A_1957 = arith.addf %sub3A_1951, %sub3A_1956 : f32
      %sub3A_1958 = arith.constant 5.000000e-01 : f32
      %sub3A_1959 = arith.subf %sub3A_1958, %add3A_1957 : f32
      %max3A_1960 = arith.constant 0.000000e+00 : f32
      %max3A_1961 = arith.maximumf %sub3A_1959, %max3A_1960 : f32
      %add3A_1962 = arith.addf %add3A_1850, %max3A_1961 : f32
      %mul3A_1963 = arith.constant 16 : i32
      %mul3A_1964 = arith.muli %scan3A_390, %mul3A_1963 : i32
      %add3A_1965 = arith.constant 14 : i32
      %add3A_1966 = arith.addi %mul3A_1964, %add3A_1965 : i32
      %broadcast_in_dim3A_1967 = arith.constant 0.000000e+00 : f32
      %broadcast_in_dim3A_1968 = vector.broadcast %broadcast_in_dim3A_1967 : f32 to vector<16xf32>
      %broadcast_in_dim3A_1969 = arith.constant 0.000000e+00 : f32
      %broadcast_in_dim3A_1970 = vector.broadcast %broadcast_in_dim3A_1969 : f32 to vector<16xf32>
      %get3A_1971 = arith.index_cast %add3A_1966 : i32 to index
      %get3A_1972 = arith.constant 0 : index
      %get3A_1973 = tpu.vector_load %arg13[%get3A_1971, %get3A_1972] {strides = array<i32>} : memref<512x64xf32, #tpu.memory_space<vmem>>, vector<16xf32>,
      %get3A_1974 = arith.index_cast %add3A_1966 : i32 to index
      %get3A_1975 = arith.constant 0 : index
      %get3A_1976 = tpu.vector_load %arg14[%get3A_1974, %get3A_1975] {strides = array<i32>} : memref<512x64xf32, #tpu.memory_space<vmem>>, vector<16xf32>,
      %get3A_1977 = arith.index_cast %add3A_1966 : i32 to index
      %get3A_1978 = arith.constant 0 : index
      %get3A_1979 = tpu.vector_load %arg15[%get3A_1977, %get3A_1978] {strides = array<i32>} : memref<512x64xf32, #tpu.memory_space<vmem>>, vector<16xf32>,
      %sub3A_1980 = arith.subf %get3A_1973, %get3A_1976 : vector<16xf32>
      %sub3A_1981 = arith.subf %get3A_1973, %get3A_1979 : vector<16xf32>
      %mul3A_1982 = arith.mulf %sub3A_1980, %sub3A_1980 : vector<16xf32>
      %add3A_1983 = arith.addf %broadcast_in_dim3A_1968, %mul3A_1982 : vector<16xf32>
      %mul3A_1984 = arith.mulf %sub3A_1981, %sub3A_1981 : vector<16xf32>
      %add3A_1985 = arith.addf %broadcast_in_dim3A_1970, %mul3A_1984 : vector<16xf32>
      %mul3A_1986 = arith.mulf %get3A_1973, %get3A_1973 : vector<16xf32>
      %add3A_1987 = arith.addf %add3A_1942, %mul3A_1986 : vector<16xf32>
      %mul3A_1988 = arith.mulf %get3A_1976, %get3A_1976 : vector<16xf32>
      %add3A_1989 = arith.addf %add3A_1987, %mul3A_1988 : vector<16xf32>
      %mul3A_1990 = arith.mulf %get3A_1979, %get3A_1979 : vector<16xf32>
      %add3A_1991 = arith.addf %add3A_1989, %mul3A_1990 : vector<16xf32>
      %get3A_1992 = arith.index_cast %add3A_1966 : i32 to index
      %get3A_1993 = arith.constant 16 : index
      %get3A_1994 = tpu.vector_load %arg13[%get3A_1992, %get3A_1993] {strides = array<i32>} : memref<512x64xf32, #tpu.memory_space<vmem>>, vector<16xf32>,
      %get3A_1995 = arith.index_cast %add3A_1966 : i32 to index
      %get3A_1996 = arith.constant 16 : index
      %get3A_1997 = tpu.vector_load %arg14[%get3A_1995, %get3A_1996] {strides = array<i32>} : memref<512x64xf32, #tpu.memory_space<vmem>>, vector<16xf32>,
      %get3A_1998 = arith.index_cast %add3A_1966 : i32 to index
      %get3A_1999 = arith.constant 16 : index
      %get3A_2000 = tpu.vector_load %arg15[%get3A_1998, %get3A_1999] {strides = array<i32>} : memref<512x64xf32, #tpu.memory_space<vmem>>, vector<16xf32>,
      %sub3A_2001 = arith.subf %get3A_1994, %get3A_1997 : vector<16xf32>
      %sub3A_2002 = arith.subf %get3A_1994, %get3A_2000 : vector<16xf32>
      %mul3A_2003 = arith.mulf %sub3A_2001, %sub3A_2001 : vector<16xf32>
      %add3A_2004 = arith.addf %add3A_1983, %mul3A_2003 : vector<16xf32>
      %mul3A_2005 = arith.mulf %sub3A_2002, %sub3A_2002 : vector<16xf32>
      %add3A_2006 = arith.addf %add3A_1985, %mul3A_2005 : vector<16xf32>
      %mul3A_2007 = arith.mulf %get3A_1994, %get3A_1994 : vector<16xf32>
      %add3A_2008 = arith.addf %add3A_1991, %mul3A_2007 : vector<16xf32>
      %mul3A_2009 = arith.mulf %get3A_1997, %get3A_1997 : vector<16xf32>
      %add3A_2010 = arith.addf %add3A_2008, %mul3A_2009 : vector<16xf32>
      %mul3A_2011 = arith.mulf %get3A_2000, %get3A_2000 : vector<16xf32>
      %add3A_2012 = arith.addf %add3A_2010, %mul3A_2011 : vector<16xf32>
      %get3A_2013 = arith.index_cast %add3A_1966 : i32 to index
      %get3A_2014 = arith.constant 32 : index
      %get3A_2015 = tpu.vector_load %arg13[%get3A_2013, %get3A_2014] {strides = array<i32>} : memref<512x64xf32, #tpu.memory_space<vmem>>, vector<16xf32>,
      %get3A_2016 = arith.index_cast %add3A_1966 : i32 to index
      %get3A_2017 = arith.constant 32 : index
      %get3A_2018 = tpu.vector_load %arg14[%get3A_2016, %get3A_2017] {strides = array<i32>} : memref<512x64xf32, #tpu.memory_space<vmem>>, vector<16xf32>,
      %get3A_2019 = arith.index_cast %add3A_1966 : i32 to index
      %get3A_2020 = arith.constant 32 : index
      %get3A_2021 = tpu.vector_load %arg15[%get3A_2019, %get3A_2020] {strides = array<i32>} : memref<512x64xf32, #tpu.memory_space<vmem>>, vector<16xf32>,
      %sub3A_2022 = arith.subf %get3A_2015, %get3A_2018 : vector<16xf32>
      %sub3A_2023 = arith.subf %get3A_2015, %get3A_2021 : vector<16xf32>
      %mul3A_2024 = arith.mulf %sub3A_2022, %sub3A_2022 : vector<16xf32>
      %add3A_2025 = arith.addf %add3A_2004, %mul3A_2024 : vector<16xf32>
      %mul3A_2026 = arith.mulf %sub3A_2023, %sub3A_2023 : vector<16xf32>
      %add3A_2027 = arith.addf %add3A_2006, %mul3A_2026 : vector<16xf32>
      %mul3A_2028 = arith.mulf %get3A_2015, %get3A_2015 : vector<16xf32>
      %add3A_2029 = arith.addf %add3A_2012, %mul3A_2028 : vector<16xf32>
      %mul3A_2030 = arith.mulf %get3A_2018, %get3A_2018 : vector<16xf32>
      %add3A_2031 = arith.addf %add3A_2029, %mul3A_2030 : vector<16xf32>
      %mul3A_2032 = arith.mulf %get3A_2021, %get3A_2021 : vector<16xf32>
      %add3A_2033 = arith.addf %add3A_2031, %mul3A_2032 : vector<16xf32>
      %get3A_2034 = arith.index_cast %add3A_1966 : i32 to index
      %get3A_2035 = arith.constant 48 : index
      %get3A_2036 = tpu.vector_load %arg13[%get3A_2034, %get3A_2035] {strides = array<i32>} : memref<512x64xf32, #tpu.memory_space<vmem>>, vector<16xf32>,
      %get3A_2037 = arith.index_cast %add3A_1966 : i32 to index
      %get3A_2038 = arith.constant 48 : index
      %get3A_2039 = tpu.vector_load %arg14[%get3A_2037, %get3A_2038] {strides = array<i32>} : memref<512x64xf32, #tpu.memory_space<vmem>>, vector<16xf32>,
      %get3A_2040 = arith.index_cast %add3A_1966 : i32 to index
      %get3A_2041 = arith.constant 48 : index
      %get3A_2042 = tpu.vector_load %arg15[%get3A_2040, %get3A_2041] {strides = array<i32>} : memref<512x64xf32, #tpu.memory_space<vmem>>, vector<16xf32>,
      %sub3A_2043 = arith.subf %get3A_2036, %get3A_2039 : vector<16xf32>
      %sub3A_2044 = arith.subf %get3A_2036, %get3A_2042 : vector<16xf32>
      %mul3A_2045 = arith.mulf %sub3A_2043, %sub3A_2043 : vector<16xf32>
      %add3A_2046 = arith.addf %add3A_2025, %mul3A_2045 : vector<16xf32>
      %mul3A_2047 = arith.mulf %sub3A_2044, %sub3A_2044 : vector<16xf32>
      %add3A_2048 = arith.addf %add3A_2027, %mul3A_2047 : vector<16xf32>
      %mul3A_2049 = arith.mulf %get3A_2036, %get3A_2036 : vector<16xf32>
      %add3A_2050 = arith.addf %add3A_2033, %mul3A_2049 : vector<16xf32>
      %mul3A_2051 = arith.mulf %get3A_2039, %get3A_2039 : vector<16xf32>
      %add3A_2052 = arith.addf %add3A_2050, %mul3A_2051 : vector<16xf32>
      %mul3A_2053 = arith.mulf %get3A_2042, %get3A_2042 : vector<16xf32>
      %add3A_2054 = arith.addf %add3A_2052, %mul3A_2053 : vector<16xf32>
      %reduce_sum3A_2055 = arith.constant true
      %reduce_sum3A_2056 = vector.broadcast %reduce_sum3A_2055 : i1 to vector<16xi1>
      %reduce_sum3A_2057 = tpu.scan <sum>, %add3A_2046 masked %reduce_sum3A_2056 : vector<16xf32>, vector<16xi1> -> vector<16xf32>
      %reduce_sum3A_2058 = vector.extract %reduce_sum3A_2057[15] : f32 from vector<16xf32>
      %reduce_sum3A_2059 = arith.constant true
      %reduce_sum3A_2060 = vector.broadcast %reduce_sum3A_2059 : i1 to vector<16xi1>
      %reduce_sum3A_2061 = tpu.scan <sum>, %add3A_2048 masked %reduce_sum3A_2060 : vector<16xf32>, vector<16xi1> -> vector<16xf32>
      %reduce_sum3A_2062 = vector.extract %reduce_sum3A_2061[15] : f32 from vector<16xf32>
      %sub3A_2063 = arith.subf %reduce_sum3A_2062, %reduce_sum3A_2058 : f32
      %slice3A_2064 = vector.extract_strided_slice %get3A_395 {offsets = [14], sizes = [1], strides = [1]} : vector<16xf32> to vector<1xf32>
      %squeeze3A_2065 = vector.extract %slice3A_2064[0] : f32 from vector<1xf32>
      %slice3A_2066 = vector.extract_strided_slice %get3A_399 {offsets = [14], sizes = [1], strides = [1]} : vector<16xf32> to vector<1xf32>
      %squeeze3A_2067 = vector.extract %slice3A_2066[0] : f32 from vector<1xf32>
      %sub3A_2068 = arith.subf %squeeze3A_2065, %squeeze3A_2067 : f32
      %add3A_2069 = arith.addf %sub3A_2063, %sub3A_2068 : f32
      %sub3A_2070 = arith.constant 5.000000e-01 : f32
      %sub3A_2071 = arith.subf %sub3A_2070, %add3A_2069 : f32
      %max3A_2072 = arith.constant 0.000000e+00 : f32
      %max3A_2073 = arith.maximumf %sub3A_2071, %max3A_2072 : f32
      %add3A_2074 = arith.addf %add3A_1962, %max3A_2073 : f32
      %mul3A_2075 = arith.constant 16 : i32
      %mul3A_2076 = arith.muli %scan3A_390, %mul3A_2075 : i32
      %add3A_2077 = arith.constant 15 : i32
      %add3A_2078 = arith.addi %mul3A_2076, %add3A_2077 : i32
      %broadcast_in_dim3A_2079 = arith.constant 0.000000e+00 : f32
      %broadcast_in_dim3A_2080 = vector.broadcast %broadcast_in_dim3A_2079 : f32 to vector<16xf32>
      %broadcast_in_dim3A_2081 = arith.constant 0.000000e+00 : f32
      %broadcast_in_dim3A_2082 = vector.broadcast %broadcast_in_dim3A_2081 : f32 to vector<16xf32>
      %get3A_2083 = arith.index_cast %add3A_2078 : i32 to index
      %get3A_2084 = arith.constant 0 : index
      %get3A_2085 = tpu.vector_load %arg13[%get3A_2083, %get3A_2084] {strides = array<i32>} : memref<512x64xf32, #tpu.memory_space<vmem>>, vector<16xf32>,
      %get3A_2086 = arith.index_cast %add3A_2078 : i32 to index
      %get3A_2087 = arith.constant 0 : index
      %get3A_2088 = tpu.vector_load %arg14[%get3A_2086, %get3A_2087] {strides = array<i32>} : memref<512x64xf32, #tpu.memory_space<vmem>>, vector<16xf32>,
      %get3A_2089 = arith.index_cast %add3A_2078 : i32 to index
      %get3A_2090 = arith.constant 0 : index
      %get3A_2091 = tpu.vector_load %arg15[%get3A_2089, %get3A_2090] {strides = array<i32>} : memref<512x64xf32, #tpu.memory_space<vmem>>, vector<16xf32>,
      %sub3A_2092 = arith.subf %get3A_2085, %get3A_2088 : vector<16xf32>
      %sub3A_2093 = arith.subf %get3A_2085, %get3A_2091 : vector<16xf32>
      %mul3A_2094 = arith.mulf %sub3A_2092, %sub3A_2092 : vector<16xf32>
      %add3A_2095 = arith.addf %broadcast_in_dim3A_2080, %mul3A_2094 : vector<16xf32>
      %mul3A_2096 = arith.mulf %sub3A_2093, %sub3A_2093 : vector<16xf32>
      %add3A_2097 = arith.addf %broadcast_in_dim3A_2082, %mul3A_2096 : vector<16xf32>
      %mul3A_2098 = arith.mulf %get3A_2085, %get3A_2085 : vector<16xf32>
      %add3A_2099 = arith.addf %add3A_2054, %mul3A_2098 : vector<16xf32>
      %mul3A_2100 = arith.mulf %get3A_2088, %get3A_2088 : vector<16xf32>
      %add3A_2101 = arith.addf %add3A_2099, %mul3A_2100 : vector<16xf32>
      %mul3A_2102 = arith.mulf %get3A_2091, %get3A_2091 : vector<16xf32>
      %add3A_2103 = arith.addf %add3A_2101, %mul3A_2102 : vector<16xf32>
      %get3A_2104 = arith.index_cast %add3A_2078 : i32 to index
      %get3A_2105 = arith.constant 16 : index
      %get3A_2106 = tpu.vector_load %arg13[%get3A_2104, %get3A_2105] {strides = array<i32>} : memref<512x64xf32, #tpu.memory_space<vmem>>, vector<16xf32>,
      %get3A_2107 = arith.index_cast %add3A_2078 : i32 to index
      %get3A_2108 = arith.constant 16 : index
      %get3A_2109 = tpu.vector_load %arg14[%get3A_2107, %get3A_2108] {strides = array<i32>} : memref<512x64xf32, #tpu.memory_space<vmem>>, vector<16xf32>,
      %get3A_2110 = arith.index_cast %add3A_2078 : i32 to index
      %get3A_2111 = arith.constant 16 : index
      %get3A_2112 = tpu.vector_load %arg15[%get3A_2110, %get3A_2111] {strides = array<i32>} : memref<512x64xf32, #tpu.memory_space<vmem>>, vector<16xf32>,
      %sub3A_2113 = arith.subf %get3A_2106, %get3A_2109 : vector<16xf32>
      %sub3A_2114 = arith.subf %get3A_2106, %get3A_2112 : vector<16xf32>
      %mul3A_2115 = arith.mulf %sub3A_2113, %sub3A_2113 : vector<16xf32>
      %add3A_2116 = arith.addf %add3A_2095, %mul3A_2115 : vector<16xf32>
      %mul3A_2117 = arith.mulf %sub3A_2114, %sub3A_2114 : vector<16xf32>
      %add3A_2118 = arith.addf %add3A_2097, %mul3A_2117 : vector<16xf32>
      %mul3A_2119 = arith.mulf %get3A_2106, %get3A_2106 : vector<16xf32>
      %add3A_2120 = arith.addf %add3A_2103, %mul3A_2119 : vector<16xf32>
      %mul3A_2121 = arith.mulf %get3A_2109, %get3A_2109 : vector<16xf32>
      %add3A_2122 = arith.addf %add3A_2120, %mul3A_2121 : vector<16xf32>
      %mul3A_2123 = arith.mulf %get3A_2112, %get3A_2112 : vector<16xf32>
      %add3A_2124 = arith.addf %add3A_2122, %mul3A_2123 : vector<16xf32>
      %get3A_2125 = arith.index_cast %add3A_2078 : i32 to index
      %get3A_2126 = arith.constant 32 : index
      %get3A_2127 = tpu.vector_load %arg13[%get3A_2125, %get3A_2126] {strides = array<i32>} : memref<512x64xf32, #tpu.memory_space<vmem>>, vector<16xf32>,
      %get3A_2128 = arith.index_cast %add3A_2078 : i32 to index
      %get3A_2129 = arith.constant 32 : index
      %get3A_2130 = tpu.vector_load %arg14[%get3A_2128, %get3A_2129] {strides = array<i32>} : memref<512x64xf32, #tpu.memory_space<vmem>>, vector<16xf32>,
      %get3A_2131 = arith.index_cast %add3A_2078 : i32 to index
      %get3A_2132 = arith.constant 32 : index
      %get3A_2133 = tpu.vector_load %arg15[%get3A_2131, %get3A_2132] {strides = array<i32>} : memref<512x64xf32, #tpu.memory_space<vmem>>, vector<16xf32>,
      %sub3A_2134 = arith.subf %get3A_2127, %get3A_2130 : vector<16xf32>
      %sub3A_2135 = arith.subf %get3A_2127, %get3A_2133 : vector<16xf32>
      %mul3A_2136 = arith.mulf %sub3A_2134, %sub3A_2134 : vector<16xf32>
      %add3A_2137 = arith.addf %add3A_2116, %mul3A_2136 : vector<16xf32>
      %mul3A_2138 = arith.mulf %sub3A_2135, %sub3A_2135 : vector<16xf32>
      %add3A_2139 = arith.addf %add3A_2118, %mul3A_2138 : vector<16xf32>
      %mul3A_2140 = arith.mulf %get3A_2127, %get3A_2127 : vector<16xf32>
      %add3A_2141 = arith.addf %add3A_2124, %mul3A_2140 : vector<16xf32>
      %mul3A_2142 = arith.mulf %get3A_2130, %get3A_2130 : vector<16xf32>
      %add3A_2143 = arith.addf %add3A_2141, %mul3A_2142 : vector<16xf32>
      %mul3A_2144 = arith.mulf %get3A_2133, %get3A_2133 : vector<16xf32>
      %add3A_2145 = arith.addf %add3A_2143, %mul3A_2144 : vector<16xf32>
      %get3A_2146 = arith.index_cast %add3A_2078 : i32 to index
      %get3A_2147 = arith.constant 48 : index
      %get3A_2148 = tpu.vector_load %arg13[%get3A_2146, %get3A_2147] {strides = array<i32>} : memref<512x64xf32, #tpu.memory_space<vmem>>, vector<16xf32>,
      %get3A_2149 = arith.index_cast %add3A_2078 : i32 to index
      %get3A_2150 = arith.constant 48 : index
      %get3A_2151 = tpu.vector_load %arg14[%get3A_2149, %get3A_2150] {strides = array<i32>} : memref<512x64xf32, #tpu.memory_space<vmem>>, vector<16xf32>,
      %get3A_2152 = arith.index_cast %add3A_2078 : i32 to index
      %get3A_2153 = arith.constant 48 : index
      %get3A_2154 = tpu.vector_load %arg15[%get3A_2152, %get3A_2153] {strides = array<i32>} : memref<512x64xf32, #tpu.memory_space<vmem>>, vector<16xf32>,
      %sub3A_2155 = arith.subf %get3A_2148, %get3A_2151 : vector<16xf32>
      %sub3A_2156 = arith.subf %get3A_2148, %get3A_2154 : vector<16xf32>
      %mul3A_2157 = arith.mulf %sub3A_2155, %sub3A_2155 : vector<16xf32>
      %add3A_2158 = arith.addf %add3A_2137, %mul3A_2157 : vector<16xf32>
      %mul3A_2159 = arith.mulf %sub3A_2156, %sub3A_2156 : vector<16xf32>
      %add3A_2160 = arith.addf %add3A_2139, %mul3A_2159 : vector<16xf32>
      %mul3A_2161 = arith.mulf %get3A_2148, %get3A_2148 : vector<16xf32>
      %add3A_2162 = arith.addf %add3A_2145, %mul3A_2161 : vector<16xf32>
      %mul3A_2163 = arith.mulf %get3A_2151, %get3A_2151 : vector<16xf32>
      %add3A_2164 = arith.addf %add3A_2162, %mul3A_2163 : vector<16xf32>
      %mul3A_2165 = arith.mulf %get3A_2154, %get3A_2154 : vector<16xf32>
      %add3A_2166 = arith.addf %add3A_2164, %mul3A_2165 : vector<16xf32>
      %reduce_sum3A_2167 = arith.constant true
      %reduce_sum3A_2168 = vector.broadcast %reduce_sum3A_2167 : i1 to vector<16xi1>
      %reduce_sum3A_2169 = tpu.scan <sum>, %add3A_2158 masked %reduce_sum3A_2168 : vector<16xf32>, vector<16xi1> -> vector<16xf32>
      %reduce_sum3A_2170 = vector.extract %reduce_sum3A_2169[15] : f32 from vector<16xf32>
      %reduce_sum3A_2171 = arith.constant true
      %reduce_sum3A_2172 = vector.broadcast %reduce_sum3A_2171 : i1 to vector<16xi1>
      %reduce_sum3A_2173 = tpu.scan <sum>, %add3A_2160 masked %reduce_sum3A_2172 : vector<16xf32>, vector<16xi1> -> vector<16xf32>
      %reduce_sum3A_2174 = vector.extract %reduce_sum3A_2173[15] : f32 from vector<16xf32>
      %sub3A_2175 = arith.subf %reduce_sum3A_2174, %reduce_sum3A_2170 : f32
      %slice3A_2176 = vector.extract_strided_slice %get3A_395 {offsets = [15], sizes = [1], strides = [1]} : vector<16xf32> to vector<1xf32>
      %squeeze3A_2177 = vector.extract %slice3A_2176[0] : f32 from vector<1xf32>
      %slice3A_2178 = vector.extract_strided_slice %get3A_399 {offsets = [15], sizes = [1], strides = [1]} : vector<16xf32> to vector<1xf32>
      %squeeze3A_2179 = vector.extract %slice3A_2178[0] : f32 from vector<1xf32>
      %sub3A_2180 = arith.subf %squeeze3A_2177, %squeeze3A_2179 : f32
      %add3A_2181 = arith.addf %sub3A_2175, %sub3A_2180 : f32
      %sub3A_2182 = arith.constant 5.000000e-01 : f32
      %sub3A_2183 = arith.subf %sub3A_2182, %add3A_2181 : f32
      %max3A_2184 = arith.constant 0.000000e+00 : f32
      %max3A_2185 = arith.maximumf %sub3A_2183, %max3A_2184 : f32
      %add3A_2186 = arith.addf %add3A_2074, %max3A_2185 : f32
      scf.yield %add3A_2186, %add3A_2166 : f32, vector<16xf32>
    }
    %scan3A_379 = arith.constant 32 : i32
    %iota3A = tpu.iota {dimensions = array<i32: 0>} : vector<16xi32>
    %eq3A = arith.constant 0 : i32
    %eq3A_380 = vector.broadcast %eq3A : i32 to vector<16xi32>
    %eq3A_381 = arith.cmpi eq, %iota3A, %eq3A_380 : vector<16xi32>
    %jit3A = arith.constant 0.000000e+00 : f32
    %broadcast_in_dim3A_382 = vector.broadcast %scan3A_378#0 : f32 to vector<16xf32>
    %broadcast_in_dim3A_383 = vector.broadcast %jit3A : f32 to vector<16xf32>
    %select_n3A = arith.select %eq3A_381, %broadcast_in_dim3A_382, %broadcast_in_dim3A_383 : vector<16xi1>, vector<16xf32>
    %swap3A = arith.constant 0 : index
    %swap3A_384 = tpu.vector_load %arg18[%swap3A] {strides = array<i32>} : memref<16xf32, #tpu.memory_space<vmem>>, vector<16xf32>,
    tpu.vector_store %arg18[%swap3A], %select_n3A {strides = array<i32>} : memref<16xf32, #tpu.memory_space<vmem>>, vector<16xf32>,
    %mul3A_385 = arith.constant 5.000000e-01 : f32
    %mul3A_386 = vector.broadcast %mul3A_385 : f32 to vector<16xf32>
    %mul3A_387 = arith.mulf %mul3A_386, %scan3A_378#1 : vector<16xf32>
    %swap3A_388 = arith.constant 0 : index
    %swap3A_389 = tpu.vector_load %arg19[%swap3A_388] {strides = array<i32>} : memref<16xf32, #tpu.memory_space<vmem>>, vector<16xf32>,
    tpu.vector_store %arg19[%swap3A_388], %mul3A_387 {strides = array<i32>} : memref<16xf32, #tpu.memory_space<vmem>>, vector<16xf32>,
    "tpu.region"() ({
      %run_scoped3A = tpu.sem_alloc : memref<!tpu.dma_semaphore, #tpu.memory_space<semaphore_mem>>
      %dma_start3A_390 = arith.constant 0 : i32
      %dma_start3A_391 = tpu.memref_slice %arg8[%add3A, %dma_start3A_390] : memref<32x16xf32, #tpu.memory_space<hbm>> -> memref<1x16xf32, #tpu.memory_space<hbm>>
      %dma_start3A_392 = tpu.memref_squeeze %dma_start3A_391 : memref<1x16xf32, #tpu.memory_space<hbm>> -> memref<16xf32, #tpu.memory_space<hbm>>
      %dma_start3A_393 = arith.constant 0 : i32
      %dma_start3A_394 = tpu.memref_slice %arg8[%add3A, %dma_start3A_393] : memref<32x16xf32, #tpu.memory_space<hbm>> -> memref<1x16xf32, #tpu.memory_space<hbm>>
      %dma_start3A_395 = tpu.memref_squeeze %dma_start3A_394 : memref<1x16xf32, #tpu.memory_space<hbm>> -> memref<16xf32, #tpu.memory_space<hbm>>
      tpu.enqueue_dma source(%arg18 : memref<16xf32, #tpu.memory_space<vmem>>) target(%dma_start3A_395 : memref<16xf32, #tpu.memory_space<hbm>>) target_semaphore(%run_scoped3A : memref<!tpu.dma_semaphore, #tpu.memory_space<semaphore_mem>>)
      %dma_wait3A_396 = arith.constant 0 : i32
      %dma_wait3A_397 = tpu.memref_slice %arg8[%add3A, %dma_wait3A_396] : memref<32x16xf32, #tpu.memory_space<hbm>> -> memref<1x16xf32, #tpu.memory_space<hbm>>
      %dma_wait3A_398 = tpu.memref_squeeze %dma_wait3A_397 : memref<1x16xf32, #tpu.memory_space<hbm>> -> memref<16xf32, #tpu.memory_space<hbm>>
      %dma_wait3A_399 = arith.constant 0 : i32
      %dma_wait3A_400 = tpu.memref_slice %arg8[%add3A, %dma_wait3A_399] : memref<32x16xf32, #tpu.memory_space<hbm>> -> memref<1x16xf32, #tpu.memory_space<hbm>>
      %dma_wait3A_401 = tpu.memref_squeeze %dma_wait3A_400 : memref<1x16xf32, #tpu.memory_space<hbm>> -> memref<16xf32, #tpu.memory_space<hbm>>
      tpu.wait_dma2 semaphore(%run_scoped3A : memref<!tpu.dma_semaphore, #tpu.memory_space<semaphore_mem>>) src(%arg18 : memref<16xf32, #tpu.memory_space<vmem>>) dst(%dma_wait3A_401 : memref<16xf32, #tpu.memory_space<hbm>>)
      tpu.yield
    }) : () -> ()
    "tpu.region"() ({
      %run_scoped3A = tpu.sem_alloc : memref<!tpu.dma_semaphore, #tpu.memory_space<semaphore_mem>>
      %dma_start3A_390 = arith.constant 0 : i32
      %dma_start3A_391 = tpu.memref_slice %arg9[%add3A, %dma_start3A_390] : memref<32x16xf32, #tpu.memory_space<hbm>> -> memref<1x16xf32, #tpu.memory_space<hbm>>
      %dma_start3A_392 = tpu.memref_squeeze %dma_start3A_391 : memref<1x16xf32, #tpu.memory_space<hbm>> -> memref<16xf32, #tpu.memory_space<hbm>>
      %dma_start3A_393 = arith.constant 0 : i32
      %dma_start3A_394 = tpu.memref_slice %arg9[%add3A, %dma_start3A_393] : memref<32x16xf32, #tpu.memory_space<hbm>> -> memref<1x16xf32, #tpu.memory_space<hbm>>
      %dma_start3A_395 = tpu.memref_squeeze %dma_start3A_394 : memref<1x16xf32, #tpu.memory_space<hbm>> -> memref<16xf32, #tpu.memory_space<hbm>>
      tpu.enqueue_dma source(%arg19 : memref<16xf32, #tpu.memory_space<vmem>>) target(%dma_start3A_395 : memref<16xf32, #tpu.memory_space<hbm>>) target_semaphore(%run_scoped3A : memref<!tpu.dma_semaphore, #tpu.memory_space<semaphore_mem>>)
      %dma_wait3A_396 = arith.constant 0 : i32
      %dma_wait3A_397 = tpu.memref_slice %arg9[%add3A, %dma_wait3A_396] : memref<32x16xf32, #tpu.memory_space<hbm>> -> memref<1x16xf32, #tpu.memory_space<hbm>>
      %dma_wait3A_398 = tpu.memref_squeeze %dma_wait3A_397 : memref<1x16xf32, #tpu.memory_space<hbm>> -> memref<16xf32, #tpu.memory_space<hbm>>
      %dma_wait3A_399 = arith.constant 0 : i32
      %dma_wait3A_400 = tpu.memref_slice %arg9[%add3A, %dma_wait3A_399] : memref<32x16xf32, #tpu.memory_space<hbm>> -> memref<1x16xf32, #tpu.memory_space<hbm>>
      %dma_wait3A_401 = tpu.memref_squeeze %dma_wait3A_400 : memref<1x16xf32, #tpu.memory_space<hbm>> -> memref<16xf32, #tpu.memory_space<hbm>>
      tpu.wait_dma2 semaphore(%run_scoped3A : memref<!tpu.dma_semaphore, #tpu.memory_space<semaphore_mem>>) src(%arg19 : memref<16xf32, #tpu.memory_space<vmem>>) dst(%dma_wait3A_401 : memref<16xf32, #tpu.memory_space<hbm>>)
      tpu.yield
    }) : () -> ()
    return
  }
}

</mosaic_0001>

<sc_bundles>
// kernel: kernel.3.cloned.1.call-start
scs
__scs_entry_jumppad:
0x0: {  	(pc) =	sbr.rel $0x88, $3  }
0x1: {  	(tag) =	ssettag $0x0;
	lr =	simm.s32 $0x1  }
0x2: {  	[smem:$0x3F9B] =	sst lr;
	_ =	strace $0xD0000000  }
0x3: {  	_ = 	snop  }
0x4: {  	_ = 	snop  }
0x5: {  	_ = 	snop  }
0x6: {  	_ = 	snop  }
0x7: {  	_ = 	snop  }
__scs_overlays_trampoline_lowered:
0x8: {  	[smem:$0x3FAA] =	sst s0  }
0x9: {  	[smem:$0x3FAB] =	sst s1  }
0xa: {  	[smem:$0x3FAC] =	sst s2  }
0xb: {  	[smem:$0x3FAD] =	sst s3  }
0xc: {  	[smem:$0x3FAE] =	sst s4  }
0xd: {  	[smem:$0x3FAF] =	sst s5  }
0xe: {  	[smem:$0x3FB0] =	sst s6  }
0xf: {  	[smem:$0x3FB1] =	sst s7  }
0x10: {  	[smem:$0x3FB2] =	sst s8  }
0x11: {  	[smem:$0x3FB3] =	sst s9;
	s0 =	simm.s32 @!p0 $0x0  }
0x12: {  	s1 =	sld [smem:$0x3F99];
	s0 =	simm.s32 @p0 $0x1  }
0x13: {  	[smem:$0x3FB4] =	sst s0;
	s0 =	simm.s32 @!p1 $0x0  }
0x14: {  	s2 =	sld [smem:$0x3F98];
	s0 =	simm.s32 @p1 $0x1  }
0x15: {  	[smem:$0x3FB5] =	sst s0;
	s0 =	simm.s32 @!p2 $0x0  }
0x16: {  	s3 =	sld [smem:$0x3FDB];
	s0 =	simm.s32 @p2 $0x1  }
0x17: {  	s4 =	simm.s32 $0x1BF5;
	[smem:$0x3FB7] =	sst s0  }
0x18: {  	s0 =	sld [smem:$0x3F9A];
	_ =	swait.ge [sflag:s4], $0x0  }
0x19: {  	s7 =	sld [smem:$0x3F9B]  }
0x1a: {  	s8 =	sadd.s32 $0xFFFFE003, lr  }
0x1b: {  	s9 =	sadd.s32 $0xFFFFFEF7, lr;
	s5 =	simm.s32 $0xFFFFFFFF;
	p2 =	slt.u32 s8, $0xFFFFF086  }
0x1c: {  	p1 =	slt.u32 s9, $0xF7A;
	s5 =	simm.s32 @!p2 $0x0  }
0x1d: {  	s5 =	simm.s32 @p1 $0x1;
	p0 =	seq.s32 s7, s2  }
0x1e: {  	s7 =	smul.u32 @!p0 $0xF7A, s2;
	p2 =	seq.s32 @!p0 s5, $0x0  }
0x1f: {  	s9 =	smul.u32 $0xF7A, s1;
	s8 =	simm.s32 @!p0 $0x1BF5;
	p2 =	por !p2, p0  }
0x20: {  	[sflag:s8] =	ssyncset.s32 @!p0 $0xFFFFF086;
	s6 =	sadd.s32 @!p0 s3, s7;
	s7 =	simm.s32 @!p0 $0x108  }
0x21: {  	s3 =	sadd.s32 s3, s9;
	s6 =	sadd.s32 @!p0 $0x88, s6;
	s7 =	simm.s32 @p2 $0x1082  }
0x22: {  	[simem:s7], [sflag:s8] =	dma.local @!p0 [hbm:s6], $0xF7A  }
0x23: {  	s9 =	sor.u32 $0xD0000000, s2;
	s6 =	simm.s32 $0x108;
	_ =	swait.ge @!p0 [sflag:s8], $0x0  }
0x24: {  	s3 =	sadd.s32 $0x88, s3;
	s6 =	simm.s32 @!p1 $0x1082;
	[sflag:s4] =	ssyncset.s32 $0xFFFFF086  }
0x25: {  	[simem:s6], [sflag:s4] =	dma.local [hbm:s3], $0xF7A  }
0x26: {  	[smem:$0x3F9B] =	sst s1;
	(tag) =	ssettag s2;
	_ =	strace s9  }
0x27: {  	s1 =	sld [smem:$0x3FAB]  }
0x28: {  	s2 =	sld [smem:$0x3FAC]  }
0x29: {  	s4 =	sld [smem:$0x3FAE]  }
0x2a: {  	p0 =	seq.s32 s5, $0x0;
	s5 =	sld [smem:$0x3FAF]  }
0x2b: {  	s6 =	sld [smem:$0x3FB0]  }
0x2c: {  	s7 =	sld [smem:$0x3FB1]  }
0x2d: {  	s3 =	simm.s32 $0x108;
	s8 =	sld [smem:$0x3FB2]  }
0x2e: {  	s3 =	simm.s32 @!p0 $0x1082;
	s9 =	sld [smem:$0x3FB3]  }
0x2f: {  	lr =	sadd.s32 s0, s3;
	s0 =	sld [smem:$0x3FAA]  }
0x30: {  	s3 =	sld [smem:$0x3FAD]  }
0x31: {  	[smem:$0x3FB6] =	sst s10  }
0x32: {  	s10 =	sld [smem:$0x3FB4];
	_ =	sdelay $0x3  }
0x33: {  	p0 =	seq.s32 s10, $0x1;
	s10 =	sld [smem:$0x3FB6];
	_ =	sdelay $0x3  }
0x34: {  	[smem:$0x3FB6] =	sst s10  }
0x35: {  	s10 =	sld [smem:$0x3FB5];
	_ =	sdelay $0x3  }
0x36: {  	p1 =	seq.s32 s10, $0x1;
	s10 =	sld [smem:$0x3FB6];
	_ =	sdelay $0x3  }
0x37: {  	[smem:$0x3FB6] =	sst s10  }
0x38: {  	s10 =	sld [smem:$0x3FB7]  }
0x39: {  	_ = 	snop;
	(pc) =	sbr.ind lr, $3  }
0x3a: {  	_ = 	snop  }
0x3b: {  	_ = 	snop  }
0x3c: {  	p2 =	seq.s32 s10, $0x1;
	s10 =	sld [smem:$0x3FB6]  }
0x3d: {  	_ =	shalt  }
0x3e: {  	_ =	shalt  }
0x3f: {  	_ =	shalt  }
0x40: {  	_ =	shalt  }
0x41: {  	_ =	shalt  }
0x42: {  	_ =	shalt  }
0x43: {  	_ =	shalt  }
0x44: {  	_ =	shalt  }
0x45: {  	_ =	shalt  }
0x46: {  	_ =	shalt  }
0x47: {  	_ =	shalt  }
0x48: {  	_ =	shalt  }
0x49: {  	_ =	shalt  }
0x4a: {  	_ =	shalt  }
0x4b: {  	_ =	shalt  }
0x4c: {  	_ =	shalt  }
0x4d: {  	_ =	shalt  }
0x4e: {  	_ =	shalt  }
0x4f: {  	_ =	shalt  }
0x50: {  	_ =	shalt  }
0x51: {  	_ =	shalt  }
0x52: {  	_ =	shalt  }
0x53: {  	_ =	shalt  }
0x54: {  	_ =	shalt  }
0x55: {  	_ =	shalt  }
0x56: {  	_ =	shalt  }
0x57: {  	_ =	shalt  }
0x58: {  	_ =	shalt  }
0x59: {  	_ =	shalt  }
0x5a: {  	_ =	shalt  }
0x5b: {  	_ =	shalt  }
0x5c: {  	_ =	shalt  }
0x5d: {  	_ =	shalt  }
0x5e: {  	_ =	shalt  }
0x5f: {  	_ =	shalt  }
0x60: {  	_ =	shalt  }
0x61: {  	_ =	shalt  }
0x62: {  	_ =	shalt  }
0x63: {  	_ =	shalt  }
0x64: {  	_ =	shalt  }
0x65: {  	_ =	shalt  }
0x66: {  	_ =	shalt  }
0x67: {  	_ =	shalt  }
0x68: {  	_ =	shalt  }
0x69: {  	_ =	shalt  }
0x6a: {  	_ =	shalt  }
0x6b: {  	_ =	shalt  }
0x6c: {  	_ =	shalt  }
0x6d: {  	_ =	shalt  }
0x6e: {  	_ =	shalt  }
0x6f: {  	_ =	shalt  }
0x70: {  	_ =	shalt  }
0x71: {  	_ =	shalt  }
0x72: {  	_ =	shalt  }
0x73: {  	_ =	shalt  }
0x74: {  	_ =	shalt  }
0x75: {  	_ =	shalt  }
0x76: {  	_ =	shalt  }
0x77: {  	_ =	shalt  }
0x78: {  	_ =	shalt  }
0x79: {  	_ =	shalt  }
0x7a: {  	_ =	shalt  }
0x7b: {  	_ =	shalt  }
0x7c: {  	_ =	shalt  }
0x7d: {  	_ =	shalt  }
0x7e: {  	_ =	shalt  }
0x7f: {  	_ =	shalt  }
0x80: {  	_ =	shalt  }
0x81: {  	_ =	shalt  }
0x82: {  	_ =	shalt  }
0x83: {  	_ =	shalt  }
0x84: {  	_ =	shalt  }
0x85: {  	_ =	shalt  }
0x86: {  	_ =	shalt  }
0x87: {  	_ =	shalt  }
.Lfunc_end0:
.L_simem_size_0:
called_computation_lowered:
.L_overlay_start_0:
0x88: {  	s2 =	sld [smem:$0x3FD9]  }
0x89: {  	s3 =	sld [smem:$0x3FFE];
	_ =	sdelay $0x1  }
0x8a: {  	s1 =	srdreg.scid  }
0x8b: {  	s0 =	sand.u32 $0x1, s1  }
0x8c: {  	s17 =	sshll.u32 s0, $0xA;
	s2 =	sadd.s32 s3, s2  }
0x8d: {  	s2 =	sadd.s32 s2, s17  }
0x8e: {  	[smem:$0x3FC2] =	sst s2  }
0x8f: {  	_ = 	snop  }
0x90: {  	s2 =	sld [smem:$0x3FC9]  }
0x91: {  	s18 =	sld [smem:$0x3FC8]  }
0x92: {  	s4 =	sld [smem:$0x3FC7];
	(tm) =	ssettm $0x1  }
0x93: {  	s5 =	sld [smem:$0x3FFB];
	_ =	sdelay $0x3  }
0x94: {  	_ =	strace s5  }
0x95: {  	s5 =	sld [smem:$0x3FFC];
	_ =	sdelay $0x3  }
0x96: {  	_ =	strace s5  }
0x97: {  	s5 =	sld [smem:$0x3FFD];
	_ =	sdelay $0x3  }
0x98: {  	_ =	strace s5  }
0x99: {  	_ =	strace $0x8FFFFFFF  }
0x9a: {  	s19 =	sld [smem:$0x3FDB];
	_ =	sdelay $0x1  }
0x9b: {  	s6 =	simm.s32 $_scs_section_size  }
0x9c: {  	s7 =	simm.s32 $_size__tile_overlayer_lowered;
	s8 =	simm.s32 $_tile_overlayer_lowered  }
0x9d: {  	s22 =	simm.s32 $0x1BFF;
	s21 =	sshll.u32 s8, $0x1;
	s5 =	sadd.s32 s6, s19  }
0x9e: {  	s9 =	simm.s32 $0x0;
	s20 =	sshll.u32 s7, $0x1;
	s7 =	sadd.s32 s21, s5  }
0x9f: {  	[timem:s9], [sflag:s22] =	dma.local [hbm:s7], s20  }
0xa0: {  	_ =	swait.ge [sflag:s22], s20  }
0xa1: {  	s6 =	ssub.s32 $0x0, s20;
	[sflag:s22] =	ssyncset.done $0x0  }
0xa2: {  	[sflag:s22] =	ssyncadd.s32 s6;
	_ =	sdelay $0x1  }
0xa3: {  	s23 =	simm.s32 $0x1B8B  }
0xa4: {  	_ =	swait.ge [sflag:s23], $0x1  }
0xa5: {  	[sflag:s23] =	ssyncset.done $0x0  }
0xa6: {  	s25 =	simm.s32 $0x1B8E;
	s24 =	sld [smem:$0x3FFE];
	[sflag:s23] =	ssyncadd.s32 $0xFFFFFFFF  }
0xa7: {  	s26 =	simm.s32 $execute0_lowered;
	[smem:$0x3FD2] =	sst s25  }
0xa8: {  	s7 =	sshll.u32 s26, $0x1;
	_ =	strace $0x80000046;
	[dreg:$0x1] =	wrdreg $0xFFFFFFFF  }
0xa9: {  	s28 =	simm.s32 $_size_execute0_lowered;
	s5 =	sadd.s32 s5, s7;
	[dreg:$0x0] =	wrdreg $0x0  }
0xaa: {  	s7 =	sshll.u32 s28, $0x1;
	[dreg:$0x2] =	wrdreg s5  }
0xab: {  	[dreg:$0x3] =	wrdreg s7  }
0xac: {  	[dreg:$0x4] =	wrdreg $0xC0  }
0xad: {  	_ =	task [dreg:s9], $0x5FFFF  }
0xae: {  	[dreg:$0x1] =	wrdreg $0xFFFFFFFF  }
0xaf: {  	[dreg:$0x0] =	wrdreg $0x60  }
0xb0: {  	[dreg:$0x2] =	wrdreg s2  }
0xb1: {  	[dreg:$0x3] =	wrdreg s18  }
0xb2: {  	[dreg:$0x4] =	wrdreg s4  }
0xb3: {  	[dreg:$0x5] =	wrdreg s24  }
0xb4: {  	[dreg:$0x6] =	wrdreg $0x9  }
0xb5: {  	_ =	task.clear_ibuf [dreg:s9], $0x7FFFF;
	_ =	strace $0x90000046  }
0xb6: {  	s29 =	simm.s32 $0x9;
	_ =	strace $0x80000048  }
0xb7: {  	_ =	swait.ge [sflag:s29], $0x1  }
0xb8: {  	[sflag:s29] =	ssyncadd.s32 $0xFFFFFFFF  }
0xb9: {  	_ =	strace $0x90000048  }
0xba: {  	_ =	sfence  }
0xbb: {  	s30 =	sld [smem:$0x0];
	_ =	sdelay $0x2  }
0xbc: {  	s31 =	sshll.u32 s1, $0xD;
	s1 =	sshrl.u32 s1, $0x2  }
0xbd: {  	s3 =	sand.u32 $0x4000, s31;
	s1 =	sadd.s32 s1, s30  }
0xbe: {  	s0 =	sor.u32 s3, s0;
	s1 =	sshll.u32 s1, $0x11  }
0xbf: {  	s0 =	sor.u32 s1, s0  }
0xc0: {  	s0 =	sadd.s32 $0x8F2B, s0  }
0xc1: {  	[sflag:s0] =	ssyncadd.remote.s32 $0x1  }
0xc2: {  	_ =	sfence.sel $0xFFFF  }
0xc3: {  	[dreg:$0x0] =	wrdreg $0xFFFFFFFF;
	(pc) =	sbr.abs _section_cstart, $3  }
0xc4: {  	[dreg:$0x1] =	wrdreg $0xFFFFFFFF  }
0xc5: {  	_ =	task.clear_ibuf [dreg:s9], $0x2FFFF;
	_ =	strace $0x9FFFFFFF  }
0xc6: {  	(tm) =	ssettm $0x7FFFFFFF  }
0xc7: {  	_ =	shalt  }
tec
execute0_lowered:
.L_overlay_start_1:
0x0: {  	(tag) =	ssettag $0x1  }
0x1: {  	s0 =	rddreg [dreg:$0x0]  }
0x2: {  	s2 =	rddreg [dreg:$0x1]  }
0x3: {  	s6 =	rddreg [dreg:$0x2]  }
0x4: {  	s1 =	rddreg [dreg:$0x3]  }
0x5: {  	s5 =	srdreg.scid;
	s3 =	stileid.u32  }
0x6: {  	s11 =	simm.s32 $0x0;
	s7 =	sand.u32 $0x1, s5;
	s8 =	sshll.u32 s3, $0x1  }
0x7: {  	s12 =	simm.s32 $0x2;
	s15 =	simm.s32 $0x80;
	s8 =	sor.u32 s7, s8  }
0x8: {  	[smem:$0x7FF] =	sst s11;
	s9 =	sshll.u32 s8, $0x1;
	s8 =	sshll.u32 s8, $0x6  }
0x9: {  	s28 =	simm.s32 $0x1;
	_ =	strace $0x80000047;
	s0 =	sadd.s32 s0, s8  }
0xa: {  	s7 =	ssub.s32 $0x2, s7;
	s25 =	sadd.s32 s2, s8;
	[dreg:$0x5] =	wrdreg s0  }
0xb: {  	s9 =	sadd.s32 s9, s1;
	s26 =	sadd.s32 s6, s8;
	[dreg:$0x6] =	wrdreg s25  }
0xc: {  	s10 =	sshrl.u32 s7, $0x1;
	[dreg:$0x7] =	wrdreg s26;
	s29 =	sadd.s32 $0x1EA00, s9  }
0xd: {  	s7 =	ssub.s32 s7, s10;
	s30 =	sadd.s32 $0x1EC00, s9;
	[dreg:$0x8] =	wrdreg s29  }
0xe: {  	s4 =	sadd.s32 $0x16E3600, s1;
	s31 =	smax.u32 s7, $0x1;
	[dreg:$0x9] =	wrdreg s30  }
0xf: {  	vm0 =	vcmask $0x300;
	s5 =	sadd.s32 $0xF42400, s1;
	s2 =	simm.s32 $0x0;
	[dreg:$0xa] =	wrdreg s31  }
.LBB2_1:
0x10: {  	s0 =	rddreg [dreg:$0x5]  }
0x11: {  	[tilespmem:s11], [sflag:$0x2] =	stream.linear.gather [hbm4b:s0+s11], $0x200, $0x38;
	[tilespmem:$0x18A20] =	vst v63  }
0x12: {  	_ =	swait.ge [sflag:s12], $0x200  }
0x13: {  	[sflag:s12] =	ssyncset.done $0x0  }
0x14: {  	s3 =	simm.s32 $0x200;
	s21 =	rddreg [dreg:$0x6];
	[sflag:s12] =	ssyncadd.s32 $0xFFFFFE00  }
0x15: {  	[tilespmem:s3], [sflag:$0x2] =	stream.linear.gather [hbm4b:s21+s11], $0x200, $0x38;
	[tilespmem:$0x18A20] =	vst v63  }
0x16: {  	_ =	swait.ge [sflag:s12], $0x200  }
0x17: {  	[sflag:s12] =	ssyncset.done $0x0  }
0x18: {  	s6 =	simm.s32 $0x400;
	s22 =	rddreg [dreg:$0x7];
	[sflag:s12] =	ssyncadd.s32 $0xFFFFFE00  }
0x19: {  	[tilespmem:s6], [sflag:$0x2] =	stream.linear.gather [hbm4b:s22+s11], $0x200, $0x38;
	[tilespmem:$0x18A20] =	vst v63  }
0x1a: {  	_ =	swait.ge [sflag:s12], $0x200  }
0x1b: {  	[sflag:s12] =	ssyncset.done $0x0  }
0x1c: {  	s23 =	simm.s32 $0x600;
	[sflag:s12] =	ssyncadd.s32 $0xFFFFFE00  }
0x1d: {  	[tilespmem:s23], [sflag:$0x1] =	stream.indirect.gather [hbm4b:s4+s15], $0x40, s11, s15, $0xb8;
	[tilespmem:$0x18A20] =	vst v63  }
0x1e: {  	s24 =	simm.s32 $0x8600  }
0x1f: {  	[tilespmem:s24], [sflag:$0x1] =	stream.indirect.gather [hbm4b:s5+s15], $0x40, s3, s15, $0xb8;
	[tilespmem:$0x18A20] =	vst v63  }
0x20: {  	s25 =	simm.s32 $0x10600  }
0x21: {  	[tilespmem:s25], [sflag:$0x1] =	stream.indirect.gather [hbm4b:s5+s15], $0x40, s6, s15, $0xb8;
	[tilespmem:$0x18A20] =	vst v63  }
0x22: {  	s16 =	simm.s32 $0x18600  }
0x23: {  	[tilespmem:s16], [sflag:$0x1] =	stream.indirect.gather [hbm4b:s1+s15], $0x1, s3, s15, $0xb8;
	[tilespmem:$0x18A20] =	vst v63  }
0x24: {  	s17 =	simm.s32 $0x18800  }
0x25: {  	[tilespmem:s17], [sflag:$0x1] =	stream.indirect.gather [hbm4b:s1+s15], $0x1, s6, s15, $0xb8;
	[tilespmem:$0x18A20] =	vst v63  }
0x26: {  	s26 =	simm.s32 $0x2600  }
0x27: {  	[tilespmem:s26], [sflag:$0x1] =	stream.indirect.gather [hbm4b:s4+s15], $0x40, s15, s15, $0xb8;
	[tilespmem:$0x18A20] =	vst v63  }
0x28: {  	s29 =	simm.s32 $0x280;
	s30 =	simm.s32 $0xA600  }
0x29: {  	[tilespmem:s30], [sflag:$0x1] =	stream.indirect.gather [hbm4b:s5+s15], $0x40, s29, s15, $0xb8;
	[tilespmem:$0x18A20] =	vst v63  }
0x2a: {  	s31 =	simm.s32 $0x480;
	s7 =	simm.s32 $0x12600  }
0x2b: {  	[tilespmem:s7], [sflag:$0x1] =	stream.indirect.gather [hbm4b:s5+s15], $0x40, s31, s15, $0xb8;
	[tilespmem:$0x18A20] =	vst v63  }
0x2c: {  	s8 =	simm.s32 $0x18680  }
0x2d: {  	[tilespmem:s8], [sflag:$0x1] =	stream.indirect.gather [hbm4b:s1+s15], $0x1, s29, s15, $0xb8;
	[tilespmem:$0x18A20] =	vst v63  }
0x2e: {  	s9 =	simm.s32 $0x18880  }
0x2f: {  	[tilespmem:s9], [sflag:$0x1] =	stream.indirect.gather [hbm4b:s1+s15], $0x1, s31, s15, $0xb8;
	[tilespmem:$0x18A20] =	vst v63  }
0x30: {  	s10 =	simm.s32 $0x100;
	s11 =	simm.s32 $0x4600  }
0x31: {  	[tilespmem:s11], [sflag:$0x1] =	stream.indirect.gather [hbm4b:s4+s15], $0x40, s10, s15, $0xb8;
	[tilespmem:$0x18A20] =	vst v63  }
0x32: {  	s13 =	simm.s32 $0x300;
	s14 =	simm.s32 $0xC600  }
0x33: {  	[tilespmem:s14], [sflag:$0x1] =	stream.indirect.gather [hbm4b:s5+s15], $0x40, s13, s15, $0xb8;
	[tilespmem:$0x18A20] =	vst v63  }
0x34: {  	s18 =	simm.s32 $0x500;
	s19 =	simm.s32 $0x14600  }
0x35: {  	[tilespmem:s19], [sflag:$0x1] =	stream.indirect.gather [hbm4b:s5+s15], $0x40, s18, s15, $0xb8;
	[tilespmem:$0x18A20] =	vst v63  }
0x36: {  	s20 =	simm.s32 $0x18700  }
0x37: {  	[tilespmem:s20], [sflag:$0x1] =	stream.indirect.gather [hbm4b:s1+s15], $0x1, s13, s15, $0xb8;
	[tilespmem:$0x18A20] =	vst v63  }
0x38: {  	s21 =	simm.s32 $0x18900  }
0x39: {  	[tilespmem:s21], [sflag:$0x1] =	stream.indirect.gather [hbm4b:s1+s15], $0x1, s18, s15, $0xb8;
	[tilespmem:$0x18A20] =	vst v63  }
0x3a: {  	s22 =	simm.s32 $0x180;
	s23 =	simm.s32 $0x6600  }
0x3b: {  	[tilespmem:s23], [sflag:$0x1] =	stream.indirect.gather [hbm4b:s4+s15], $0x40, s22, s15, $0xb8;
	[tilespmem:$0x18A20] =	vst v63  }
0x3c: {  	s24 =	simm.s32 $0x380;
	s25 =	simm.s32 $0xE600  }
0x3d: {  	[tilespmem:s25], [sflag:$0x1] =	stream.indirect.gather [hbm4b:s5+s15], $0x40, s24, s15, $0xb8;
	[tilespmem:$0x18A20] =	vst v63  }
0x3e: {  	s26 =	simm.s32 $0x580;
	s29 =	simm.s32 $0x16600  }
0x3f: {  	[tilespmem:s29], [sflag:$0x1] =	stream.indirect.gather [hbm4b:s5+s15], $0x40, s26, s15, $0xb8;
	[tilespmem:$0x18A20] =	vst v63  }
0x40: {  	s30 =	simm.s32 $0x18780  }
0x41: {  	[tilespmem:s30], [sflag:$0x1] =	stream.indirect.gather [hbm4b:s1+s15], $0x1, s24, s15, $0xb8;
	[tilespmem:$0x18A20] =	vst v63  }
0x42: {  	s31 =	simm.s32 $0x18980  }
0x43: {  	[tilespmem:s31], [sflag:$0x1] =	stream.indirect.gather [hbm4b:s1+s15], $0x1, s26, s15, $0xb8;
	[tilespmem:$0x18A20] =	vst v63  }
0x44: {  	_ =	swait.ge [sflag:s28], $0x2000  }
0x45: {  	[sflag:s28] =	ssyncset.done $0x0  }
0x46: {  	[sflag:s28] =	ssyncadd.s32 $0xFFFFE000  }
0x47: {  	_ =	swait.ge [sflag:s28], $0x2000  }
0x48: {  	[sflag:s28] =	ssyncset.done $0x0  }
0x49: {  	[sflag:s28] =	ssyncadd.s32 $0xFFFFE000  }
0x4a: {  	_ =	swait.ge [sflag:s28], $0x2000  }
0x4b: {  	[sflag:s28] =	ssyncset.done $0x0  }
0x4c: {  	[sflag:s28] =	ssyncadd.s32 $0xFFFFE000  }
0x4d: {  	_ =	swait.ge [sflag:s28], $0x80  }
0x4e: {  	[sflag:s28] =	ssyncset.done $0x0  }
0x4f: {  	[sflag:s28] =	ssyncadd.s32 $0xFFFFFF80  }
0x50: {  	_ =	swait.ge [sflag:s28], $0x80  }
0x51: {  	[sflag:s28] =	ssyncset.done $0x0  }
0x52: {  	[sflag:s28] =	ssyncadd.s32 $0xFFFFFF80  }
0x53: {  	_ =	swait.ge [sflag:s28], $0x2000  }
0x54: {  	[sflag:s28] =	ssyncset.done $0x0  }
0x55: {  	[sflag:s28] =	ssyncadd.s32 $0xFFFFE000  }
0x56: {  	_ =	swait.ge [sflag:s28], $0x2000  }
0x57: {  	[sflag:s28] =	ssyncset.done $0x0  }
0x58: {  	[sflag:s28] =	ssyncadd.s32 $0xFFFFE000  }
0x59: {  	_ =	swait.ge [sflag:s28], $0x2000  }
0x5a: {  	[sflag:s28] =	ssyncset.done $0x0  }
0x5b: {  	[sflag:s28] =	ssyncadd.s32 $0xFFFFE000  }
0x5c: {  	_ =	swait.ge [sflag:s28], $0x80  }
0x5d: {  	[sflag:s28] =	ssyncset.done $0x0  }
0x5e: {  	[sflag:s28] =	ssyncadd.s32 $0xFFFFFF80  }
0x5f: {  	_ =	swait.ge [sflag:s28], $0x80  }
0x60: {  	[sflag:s28] =	ssyncset.done $0x0  }
0x61: {  	[sflag:s28] =	ssyncadd.s32 $0xFFFFFF80  }
0x62: {  	_ =	swait.ge [sflag:s28], $0x2000  }
0x63: {  	[sflag:s28] =	ssyncset.done $0x0  }
0x64: {  	[sflag:s28] =	ssyncadd.s32 $0xFFFFE000  }
0x65: {  	_ =	swait.ge [sflag:s28], $0x2000  }
0x66: {  	[sflag:s28] =	ssyncset.done $0x0  }
0x67: {  	[sflag:s28] =	ssyncadd.s32 $0xFFFFE000  }
0x68: {  	_ =	swait.ge [sflag:s28], $0x2000  }
0x69: {  	[sflag:s28] =	ssyncset.done $0x0  }
0x6a: {  	[sflag:s28] =	ssyncadd.s32 $0xFFFFE000  }
0x6b: {  	_ =	swait.ge [sflag:s28], $0x80  }
0x6c: {  	[sflag:s28] =	ssyncset.done $0x0  }
0x6d: {  	[sflag:s28] =	ssyncadd.s32 $0xFFFFFF80  }
0x6e: {  	_ =	swait.ge [sflag:s28], $0x80  }
0x6f: {  	[sflag:s28] =	ssyncset.done $0x0  }
0x70: {  	[sflag:s28] =	ssyncadd.s32 $0xFFFFFF80  }
0x71: {  	_ =	swait.ge [sflag:s28], $0x2000  }
0x72: {  	[sflag:s28] =	ssyncset.done $0x0  }
0x73: {  	[sflag:s28] =	ssyncadd.s32 $0xFFFFE000  }
0x74: {  	_ =	swait.ge [sflag:s28], $0x2000  }
0x75: {  	[sflag:s28] =	ssyncset.done $0x0  }
0x76: {  	[sflag:s28] =	ssyncadd.s32 $0xFFFFE000  }
0x77: {  	_ =	swait.ge [sflag:s28], $0x2000  }
0x78: {  	[sflag:s28] =	ssyncset.done $0x0  }
0x79: {  	[sflag:s28] =	ssyncadd.s32 $0xFFFFE000  }
0x7a: {  	_ =	swait.ge [sflag:s28], $0x80  }
0x7b: {  	[sflag:s28] =	ssyncset.done $0x0  }
0x7c: {  	[sflag:s28] =	ssyncadd.s32 $0xFFFFFF80  }
0x7d: {  	_ =	swait.ge [sflag:s28], $0x80  }
0x7e: {  	[sflag:s28] =	ssyncset.done $0x0  }
0x7f: {  	v0 =	vimm.f32 $0.0e+00;
	s18 =	simm.s32 $0x0;
	s24 =	simm.f32 $0.0e+00;
	[sflag:s28] =	ssyncadd.s32 $0xFFFFFF80  }
.LBB2_2:
0x80: {  	s21 =	sshra.s32 s18, $0x2  }
0x81: {  	v5 =	vld [tilespmem:s21+$0x600];
	_ =	sdelay $0x1  }
0x82: {  	v9 =	vld [tilespmem:s21+$0x8600];
	_ =	sdelay $0x1  }
0x83: {  	v19 =	vld [tilespmem:s21+$0x10600]  }
0x84: {  	v1 =	vmul.f32 v5, v5  }
0x85: {  	v13 =	vld [tilespmem:s21+$0x610]  }
0x86: {  	v0 =	vadd.f32 v1, v0;
	v1 =	vmul.f32 v9, v9  }
0x87: {  	v63 =	vld [tilespmem:s21+$0x8610]  }
0x88: {  	v0 =	vadd.f32 v1, v0;
	v1 =	vmul.f32 v19, v19  }
0x89: {  	v24 =	vld [tilespmem:s21+$0x10610]  }
0x8a: {  	v0 =	vadd.f32 v1, v0;
	v1 =	vmul.f32 v13, v13  }
0x8b: {  	v16 =	vld [tilespmem:s21+$0x620]  }
0x8c: {  	v0 =	vadd.f32 v1, v0;
	v1 =	vmul.f32 v63, v63  }
0x8d: {  	v25 =	vld [tilespmem:s21+$0x8620]  }
0x8e: {  	v0 =	vadd.f32 v1, v0;
	v1 =	vmul.f32 v24, v24  }
0x8f: {  	v23 =	vld [tilespmem:s21+$0x10620]  }
0x90: {  	v0 =	vadd.f32 v1, v0;
	v1 =	vmul.f32 v16, v16  }
0x91: {  	v20 =	vld [tilespmem:s21+$0x630]  }
0x92: {  	v0 =	vadd.f32 v1, v0;
	v1 =	vmul.f32 v25, v25  }
0x93: {  	v61 =	vld [tilespmem:s21+$0x8630]  }
0x94: {  	v0 =	vadd.f32 v1, v0;
	v1 =	vmul.f32 v23, v23  }
0x95: {  	v21 =	vld [tilespmem:s21+$0x10630]  }
0x96: {  	v2 =	vmul.f32 v20, v20;
	v1 =	vadd.f32 v1, v0  }
0x97: {  	v4 =	vld [tilespmem:s21+$0x640]  }
0x98: {  	v1 =	vadd.f32 v2, v1;
	v2 =	vmul.f32 v61, v61  }
0x99: {  	v22 =	vld [tilespmem:s21+$0x8640]  }
0x9a: {  	v1 =	vadd.f32 v2, v1;
	v2 =	vmul.f32 v21, v21  }
0x9b: {  	v15 =	vld [tilespmem:s21+$0x10640]  }
0x9c: {  	v1 =	vadd.f32 v2, v1;
	v2 =	vmul.f32 v4, v4  }
0x9d: {  	v27 =	vld [tilespmem:s21+$0x650]  }
0x9e: {  	v1 =	vadd.f32 v2, v1;
	v2 =	vmul.f32 v22, v22  }
0x9f: {  	v60 =	vld [tilespmem:s21+$0x8650]  }
0xa0: {  	v1 =	vadd.f32 v2, v1;
	v2 =	vmul.f32 v15, v15  }
0xa1: {  	v33 =	vld [tilespmem:s21+$0x10650]  }
0xa2: {  	v1 =	vadd.f32 v2, v1;
	v2 =	vmul.f32 v27, v27  }
0xa3: {  	v30 =	vld [tilespmem:s21+$0x660]  }
0xa4: {  	v1 =	vadd.f32 v2, v1;
	v2 =	vmul.f32 v60, v60  }
0xa5: {  	v62 =	vld [tilespmem:s21+$0x8660]  }
0xa6: {  	v1 =	vadd.f32 v2, v1;
	v2 =	vmul.f32 v33, v33  }
0xa7: {  	v59 =	vld [tilespmem:s21+$0x10660]  }
0xa8: {  	v1 =	vadd.f32 v2, v1;
	v2 =	vmul.f32 v30, v30  }
0xa9: {  	v50 =	vld [tilespmem:s21+$0x670]  }
0xaa: {  	v3 =	vmul.f32 v62, v62;
	v2 =	vadd.f32 v2, v1  }
0xab: {  	v6 =	vld [tilespmem:s21+$0x8670]  }
0xac: {  	v2 =	vadd.f32 v3, v2;
	v3 =	vmul.f32 v59, v59  }
0xad: {  	v53 =	vld [tilespmem:s21+$0x10670]  }
0xae: {  	v2 =	vadd.f32 v3, v2;
	v3 =	vmul.f32 v50, v50  }
0xaf: {  	v35 =	vld [tilespmem:s21+$0x680]  }
0xb0: {  	v2 =	vadd.f32 v3, v2;
	v3 =	vmul.f32 v6, v6  }
0xb1: {  	v34 =	vld [tilespmem:s21+$0x8680]  }
0xb2: {  	v2 =	vadd.f32 v3, v2;
	v3 =	vmul.f32 v53, v53  }
0xb3: {  	v17 =	vld [tilespmem:s21+$0x10680]  }
0xb4: {  	v2 =	vadd.f32 v3, v2;
	v3 =	vmul.f32 v35, v35  }
0xb5: {  	v45 =	vld [tilespmem:s21+$0x690]  }
0xb6: {  	v2 =	vadd.f32 v3, v2;
	v3 =	vmul.f32 v34, v34  }
0xb7: {  	v58 =	vld [tilespmem:s21+$0x8690]  }
0xb8: {  	v2 =	vadd.f32 v3, v2;
	v3 =	vmul.f32 v17, v17  }
0xb9: {  	v54 =	vld [tilespmem:s21+$0x10690]  }
0xba: {  	v2 =	vadd.f32 v3, v2;
	v3 =	vmul.f32 v45, v45  }
0xbb: {  	v44 =	vld [tilespmem:s21+$0x6A0]  }
0xbc: {  	v2 =	vadd.f32 v3, v2;
	v3 =	vmul.f32 v58, v58  }
0xbd: {  	v55 =	vld [tilespmem:s21+$0x86A0]  }
0xbe: {  	v2 =	vadd.f32 v3, v2;
	v3 =	vmul.f32 v54, v54  }
0xbf: {  	v52 =	vld [tilespmem:s21+$0x106A0]  }
0xc0: {  	v2 =	vadd.f32 v3, v2;
	v3 =	vmul.f32 v44, v44  }
0xc1: {  	v31 =	vld [tilespmem:s21+$0x6B0]  }
0xc2: {  	v2 =	vadd.f32 v3, v2;
	v3 =	vmul.f32 v55, v55  }
0xc3: {  	v56 =	vld [tilespmem:s21+$0x86B0]  }
0xc4: {  	v2 =	vadd.f32 v3, v2;
	v3 =	vmul.f32 v52, v52  }
0xc5: {  	v46 =	vld [tilespmem:s21+$0x106B0]  }
0xc6: {  	v2 =	vadd.f32 v3, v2;
	v3 =	vmul.f32 v31, v31  }
0xc7: {  	v28 =	vld [tilespmem:s21+$0x6C0]  }
0xc8: {  	v2 =	vadd.f32 v3, v2;
	v3 =	vmul.f32 v56, v56  }
0xc9: {  	v49 =	vld [tilespmem:s21+$0x86C0]  }
0xca: {  	v2 =	vadd.f32 v3, v2;
	v3 =	vmul.f32 v46, v46  }
0xcb: {  	v40 =	vld [tilespmem:s21+$0x106C0]  }
0xcc: {  	v2 =	vadd.f32 v3, v2;
	v3 =	vmul.f32 v28, v28  }
0xcd: {  	v37 =	vld [tilespmem:s21+$0x6D0]  }
0xce: {  	v2 =	vadd.f32 v3, v2;
	v3 =	vmul.f32 v49, v49  }
0xcf: {  	v57 =	vld [tilespmem:s21+$0x86D0]  }
0xd0: {  	v2 =	vadd.f32 v3, v2;
	v3 =	vmul.f32 v40, v40  }
0xd1: {  	v51 =	vld [tilespmem:s21+$0x106D0]  }
0xd2: {  	v2 =	vadd.f32 v3, v2;
	v3 =	vmul.f32 v37, v37  }
0xd3: {  	v32 =	vld [tilespmem:s21+$0x6E0]  }
0xd4: {  	v2 =	vadd.f32 v3, v2;
	v3 =	vmul.f32 v57, v57  }
0xd5: {  	v41 =	vld [tilespmem:s21+$0x86E0]  }
0xd6: {  	v2 =	vadd.f32 v3, v2;
	v3 =	vmul.f32 v51, v51  }
0xd7: {  	v47 =	vld [tilespmem:s21+$0x106E0]  }
0xd8: {  	v2 =	vadd.f32 v3, v2;
	v3 =	vmul.f32 v32, v32  }
0xd9: {  	v29 =	vld [tilespmem:s21+$0x6F0]  }
0xda: {  	v2 =	vadd.f32 v3, v2;
	v3 =	vmul.f32 v41, v41  }
0xdb: {  	v42 =	vld [tilespmem:s21+$0x86F0]  }
0xdc: {  	v2 =	vadd.f32 v3, v2;
	v3 =	vmul.f32 v47, v47  }
0xdd: {  	v43 =	vld [tilespmem:s21+$0x106F0]  }
0xde: {  	v2 =	vadd.f32 v3, v2;
	v3 =	vmul.f32 v29, v29  }
0xdf: {  	v10 =	vld [tilespmem:s21+$0x700]  }
0xe0: {  	v2 =	vadd.f32 v3, v2;
	v3 =	vmul.f32 v42, v42  }
0xe1: {  	v26 =	vld [tilespmem:s21+$0x8700]  }
0xe2: {  	v2 =	vadd.f32 v3, v2;
	v3 =	vmul.f32 v43, v43  }
0xe3: {  	v0 =	vld [tilespmem:s21+$0x10700]  }
0xe4: {  	v2 =	vadd.f32 v3, v2;
	v3 =	vmul.f32 v10, v10  }
0xe5: {  	v11 =	vld [tilespmem:s21+$0x710]  }
0xe6: {  	v2 =	vadd.f32 v3, v2;
	v3 =	vmul.f32 v26, v26  }
0xe7: {  	v36 =	vld [tilespmem:s21+$0x8710]  }
0xe8: {  	v2 =	vadd.f32 v3, v2;
	v3 =	vmul.f32 v0, v0  }
0xe9: {  	[tilespmem:$0x1FFC0] =	vst v0;
	v0 =	vld [tilespmem:s21+$0x10710]  }
0xea: {  	v2 =	vadd.f32 v3, v2;
	v3 =	vmul.f32 v11, v11  }
0xeb: {  	v12 =	vld [tilespmem:s21+$0x720]  }
0xec: {  	v2 =	vadd.f32 v3, v2;
	v3 =	vmul.f32 v36, v36  }
0xed: {  	v38 =	vld [tilespmem:s21+$0x8720]  }
0xee: {  	v2 =	vadd.f32 v3, v2;
	v3 =	vmul.f32 v0, v0  }
0xef: {  	v18 =	vld [tilespmem:s21+$0x10720]  }
0xf0: {  	v2 =	vadd.f32 v3, v2;
	v3 =	vmul.f32 v12, v12  }
0xf1: {  	v8 =	vld [tilespmem:s21+$0x730]  }
0xf2: {  	v2 =	vadd.f32 v3, v2;
	v3 =	vmul.f32 v38, v38  }
0xf3: {  	v39 =	vld [tilespmem:s21+$0x8730]  }
0xf4: {  	v2 =	vadd.f32 v3, v2;
	v3 =	vmul.f32 v18, v18  }
0xf5: {  	[tilespmem:$0x1FFD0] =	vst v0;
	v0 =	vld [tilespmem:s21+$0x10730]  }
0xf6: {  	v7 =	vmul.f32 v8, v8;
	v3 =	vadd.f32 v3, v2  }
0xf7: {  	v48 =	vld [tilespmem:s21+$0x740]  }
0xf8: {  	v14 =	vmul.f32 v39, v39;
	v3 =	vadd.f32 v7, v3  }
0xf9: {  	v7 =	vld [tilespmem:s21+$0x8740]  }
0xfa: {  	v3 =	vadd.f32 v14, v3;
	v14 =	vmul.f32 v0, v0  }
0xfb: {  	v2 =	vld [tilespmem:s21+$0x10740]  }
0xfc: {  	[tilespmem:$0x1FFE0] =	vst v0;
	v0 =	vmul.f32 v48, v48;
	v14 =	vadd.f32 v14, v3  }
0xfd: {  	v3 =	vld [tilespmem:s21+$0x750]  }
0xfe: {  	v1 =	vadd.f32 v0, v14;
	v0 =	vmul.f32 v7, v7  }
0xff: {  	v14 =	vld [tilespmem:s21+$0x8750]  }
0x100: {  	v0 =	vadd.f32 v0, v1;
	v1 =	vmul.f32 v2, v2  }
0x101: {  	v9 =	vsub.f32 v5, v9;
	[tilespmem:$0x1FFF0] =	vst v2;
	v2 =	vsub.f32 v13, v63;
	v63 =	vld [tilespmem:s21+$0x10750]  }
0x102: {  	v0 =	vadd.f32 v1, v0;
	v1 =	vmul.f32 v3, v3  }
0x103: {  	v19 =	vsub.f32 v5, v19;
	v9 =	vmul.f32 v9, v9;
	v5 =	vld [tilespmem:s21+$0x760];
	v2 =	vmul.f32 v2, v2  }
0x104: {  	v24 =	vsub.f32 v13, v24;
	v0 =	vadd.f32 v1, v0;
	v1 =	vmul.f32 v14, v14  }
0x105: {  	v13 =	vld [tilespmem:s21+$0x8760];
	v2 =	vadd.f32 v2, v9;
	v9 =	vmul.f32 v19, v19;
	v19 =	vsub.f32 v16, v25  }
0x106: {  	v0 =	vadd.f32 v1, v0;
	v1 =	vmul.f32 v24, v24;
	v24 =	vmul.f32 v63, v63  }
0x107: {  	v61 =	vsub.f32 v20, v61;
	v16 =	vsub.f32 v16, v23;
	v23 =	vmul.f32 v19, v19;
	v19 =	vld [tilespmem:s21+$0x10760]  }
0x108: {  	v1 =	vadd.f32 v1, v9;
	v0 =	vadd.f32 v24, v0;
	v9 =	vmul.f32 v5, v5  }
0x109: {  	v20 =	vsub.f32 v20, v21;
	v2 =	vadd.f32 v23, v2;
	v23 =	vmul.f32 v16, v16;
	v16 =	vld [tilespmem:s21+$0x770]  }
0x10a: {  	v61 =	vmul.f32 v61, v61;
	v25 =	vmul.f32 v13, v13;
	v0 =	vadd.f32 v9, v0  }
0x10b: {  	v21 =	vld [tilespmem:s21+$0x8770];
	v20 =	vmul.f32 v20, v20;
	v1 =	vadd.f32 v23, v1  }
0x10c: {  	v2 =	vadd.f32 v61, v2;
	v61 =	vmul.f32 v19, v19;
	v0 =	vadd.f32 v25, v0  }
0x10d: {  	v22 =	vsub.f32 v4, v22;
	v60 =	vsub.f32 v27, v60;
	v24 =	vld [tilespmem:s21+$0x10770]  }
0x10e: {  	v1 =	vadd.f32 v20, v1;
	v0 =	vadd.f32 v61, v0;
	v61 =	vmul.f32 v16, v16  }
0x10f: {  	(xrf2) =	vadd.scan.msk.f32 $0xffff, v2;
	v2 =	vmul.f32 v22, v22;
	v25 =	vmul.f32 v60, v60;
	v20 =	vld [tilespmem:s21+$0x780]  }
0x110: {  	v60 =	vsub.f32 v30, v62;
	(xrf2) =	vadd.scan.msk.f32 $0xffff, v1;
	v1 =	vmul.f32 v21, v21;
	v0 =	vadd.f32 v61, v0  }
0x111: {  	v6 =	vsub.f32 v50, v6;
	v22 =	vld [tilespmem:s21+$0x8780];
	v2 =	vadd.f32 v25, v2  }
0x112: {  	v61 =	vmul.f32 v60, v60;
	v0 =	vadd.f32 v1, v0;
	v1 =	vmul.f32 v24, v24  }
0x113: {  	v6 =	vmul.f32 v6, v6;
	v25 =	vld [tilespmem:s21+$0x10780]  }
0x114: {  	v2 =	vadd.f32 v61, v2;
	v0 =	vadd.f32 v1, v0;
	v1 =	vmul.f32 v20, v20  }
0x115: {  	v23 =	vld [tilespmem:s21+$0x790]  }
0x116: {  	v62 =	vmul.f32 v22, v22;
	v2 =	vadd.f32 v6, v2;
	v1 =	vadd.f32 v1, v0  }
0x117: {  	v60 =	vsub.f32 v27, v33;
	v27 =	vld [tilespmem:s21+$0x8790]  }
0x118: {  	v61 =	vmul.f32 v25, v25;
	(xrf2) =	vadd.scan.msk.f32 $0xffff, v2;
	v2 =	vadd.f32 v62, v1  }
0x119: {  	v4 =	vsub.f32 v4, v15;
	v59 =	vsub.f32 v30, v59;
	v30 =	vld [tilespmem:s21+$0x10790]  }
0x11a: {  	v62, _, _ =	vpop (xrf2);
	v2 =	vadd.f32 v61, v2;
	v61 =	vmul.f32 v23, v23  }
0x11b: {  	v4 =	vmul.f32 v4, v4;
	v33 =	vld [tilespmem:s21+$0x7A0];
	v9 =	vmul.f32 v60, v60;
	(v2sf) =	vpush v62, $0xF  }
0x11c: {  	v62 =	vmul.f32 v59, v59;
	v59 =	vmul.f32 v27, v27;
	v2 =	vadd.f32 v61, v2  }
0x11d: {  	v53 =	vsub.f32 v50, v53;
	v50 =	vld [tilespmem:s21+$0x87A0]  }
0x11e: {  	v4 =	vadd.f32 v9, v4;
	v0 =	vld [tilespmem:s16+$0x0];
	v60, _, _ =	vpop (xrf2);
	v61 =	vmul.f32 v30, v30;
	v2 =	vadd.f32 v59, v2  }
0x11f: {  	(v2sf) =	vpush v60, $0xF;
	v60 =	vmul.f32 v53, v53;
	v53 =	vld [tilespmem:s21+$0x107A0]  }
0x120: {  	v1 =	vld [tilespmem:s17+$0x0];
	v4 =	vadd.f32 v62, v4;
	v62 =	vmul.f32 v33, v33;
	v2 =	vadd.f32 v61, v2  }
0x121: {  	v17 =	vsub.f32 v35, v17;
	v61 =	vsub.f32 v35, v34;
	v34 =	vld [tilespmem:s21+$0x7B0]  }
0x122: {  	v58 =	vsub.f32 v45, v58;
	v2 =	vadd.f32 v62, v2;
	v62 =	vmul.f32 v50, v50  }
0x123: {  	v17 =	vmul.f32 v17, v17;
	v45 =	vsub.f32 v45, v54;
	v52 =	vsub.f32 v44, v52;
	v6 =	vld [tilespmem:s21+$0x87B0]  }
0x124: {  	(v2sf) =	vpush v0, $0x0;
	v59 =	vmul.f32 v53, v53;
	v2 =	vadd.f32 v62, v2  }
0x125: {  	v58 =	vmul.f32 v58, v58;
	(v2sf) =	vpush v1, $0x0;
	v4 =	vadd.f32 v60, v4;
	v35 =	vld [tilespmem:s21+$0x107B0]  }
0x126: {  	v60, _, _ =	vpop (xrf2);
	v15 =	vmul.f32 v61, v61;
	v61 =	vmul.f32 v34, v34;
	v2 =	vadd.f32 v59, v2  }
0x127: {  	v45 =	vmul.f32 v45, v45;
	(v2sf) =	vpush v60, $0xF;
	v60 =	vsub.f32 v44, v55;
	v44 =	vld [tilespmem:s21+$0x7C0]  }
0x128: {  	v15 =	vadd.f32 v58, v15;
	v58 =	vmul.f32 v6, v6;
	v2 =	vadd.f32 v61, v2  }
0x129: {  	v17 =	vadd.f32 v45, v17;
	v45 =	vld [tilespmem:s21+$0x87C0];
	v54 =	vmul.f32 v60, v60  }
0x12a: {  	v62 =	vsub.f32 v31, v56;
	v60 =	vmul.f32 v35, v35;
	v2 =	vadd.f32 v58, v2  }
0x12b: {  	v15 =	vadd.f32 v54, v15;
	v61 =	vsub.f32 v31, v46;
	v31 =	vld [tilespmem:s21+$0x107C0]  }
0x12c: {  	v59 =	vmul.f32 v62, v62;
	v62 =	vmul.f32 v44, v44;
	v2 =	vadd.f32 v60, v2  }
0x12d: {  	v46 =	vld [tilespmem:s21+$0x7D0]  }
0x12e: {  	v15 =	vadd.f32 v59, v15;
	v59 =	vmul.f32 v45, v45;
	v2 =	vadd.f32 v62, v2  }
0x12f: {  	v49 =	vsub.f32 v28, v49;
	v40 =	vsub.f32 v28, v40;
	v28 =	vld [tilespmem:s21+$0x87D0]  }
0x130: {  	v58 =	vmul.f32 v61, v61;
	v61 =	vmul.f32 v31, v31;
	v2 =	vadd.f32 v59, v2  }
0x131: {  	v57 =	vsub.f32 v37, v57;
	v51 =	vsub.f32 v37, v51;
	v37 =	vld [tilespmem:s21+$0x107D0]  }
0x132: {  	v54 =	vmul.f32 v46, v46;
	v2 =	vadd.f32 v61, v2  }
0x133: {  	v52 =	vmul.f32 v52, v52;
	v41 =	vsub.f32 v32, v41;
	v47 =	vsub.f32 v32, v47;
	v32 =	vld [tilespmem:s21+$0x7E0]  }
0x134: {  	v49 =	vmul.f32 v49, v49;
	v55 =	vmul.f32 v28, v28;
	v2 =	vadd.f32 v54, v2  }
0x135: {  	v17 =	vadd.f32 v52, v17;
	v52 =	vmul.f32 v51, v51;
	v62 =	vmul.f32 v40, v40;
	v40 =	vld [tilespmem:s21+$0x87E0]  }
0x136: {  	v42 =	vsub.f32 v29, v42;
	(xrf2) =	vadd.scan.msk.f32 $0xffff, v4;
	v59 =	vmul.f32 v37, v37;
	v2 =	vadd.f32 v55, v2  }
0x137: {  	v56 =	vmul.f32 v41, v41;
	v41 =	vld [tilespmem:s21+$0x107E0];
	v60 =	vmul.f32 v57, v57;
	v4 =	vadd.f32 v58, v17  }
0x138: {  	v17 =	vadd.f32 v52, v62;
	v62 =	vmul.f32 v32, v32;
	v2 =	vadd.f32 v59, v2  }
0x139: {  	v58 =	vsub.f32 v29, v43;
	v29 =	vld [tilespmem:s21+$0x7F0];
	v49 =	vadd.f32 v60, v49  }
0x13a: {  	v60 =	vmul.f32 v42, v42;
	v42 =	vmul.f32 v40, v40;
	v2 =	vadd.f32 v62, v2  }
0x13b: {  	(xrf2) =	vadd.scan.msk.f32 $0xffff, v15;
	v57 =	vmul.f32 v47, v47;
	v43 =	vsub.f32 v10, v26;
	v47 =	vsub.f32 v11, v36;
	v36 =	vld [tilespmem:s21+$0x87F0]  }
0x13c: {  	v15 =	vadd.f32 v56, v49;
	v49 =	vmul.f32 v41, v41;
	v2 =	vadd.f32 v42, v2  }
0x13d: {  	v39 =	vsub.f32 v8, v39;
	(xrf2) =	vadd.scan.msk.f32 $0xffff, v4;
	v54 =	vsub.f32 v12, v38;
	v38 =	vld [tilespmem:s21+$0x107F0]  }
0x13e: {  	v51 =	vmul.f32 v43, v43;
	v43 =	vld [tilespmem:$0x1FFD0];
	v55 =	vmul.f32 v29, v29;
	v2 =	vadd.f32 v49, v2  }
0x13f: {  	v7 =	vsub.f32 v48, v7;
	v26 =	vld [tilespmem:s21+$0x800];
	v4 =	vmul.f32 v58, v58;
	v52 =	vmul.f32 v47, v47  }
0x140: {  	v17 =	vadd.f32 v57, v17;
	v61, _, _ =	vpop (xrf2);
	v59 =	vmul.f32 v36, v36;
	v2 =	vadd.f32 v55, v2  }
0x141: {  	v15 =	vadd.f32 v60, v15;
	(v2sf) =	vpush v61, $0xF;
	v61 =	vmul.f32 v39, v39;
	v39 =	vld [tilespmem:s21+$0x8800]  }
0x142: {  	v4 =	vadd.f32 v4, v17;
	v62 =	vld [tilespmem:$0x1FFC0];
	v42 =	vmul.f32 v38, v38;
	v2 =	vadd.f32 v59, v2  }
0x143: {  	v11 =	vsub.f32 v11, v43;
	(v2sf) =	vpush v0, $0x1;
	(xrf2) =	vadd.scan.msk.f32 $0xffff, v15;
	v17 =	vld [tilespmem:s21+$0x10800]  }
0x144: {  	v47 =	vmul.f32 v26, v26;
	v15 =	vadd.f32 v52, v51;
	(xrf2) =	vadd.scan.msk.f32 $0xffff, v4;
	v2 =	vadd.f32 v42, v2  }
0x145: {  	v56, _, _ =	vpop (xrf2);
	v12 =	vsub.f32 v12, v18;
	v18 =	vld [tilespmem:s21+$0x810];
	(v2sf) =	vpush v1, $0x1;
	v57 =	vmul.f32 v54, v54  }
0x146: {  	(v2sf) =	vpush v56, $0xF;
	v51 =	vmul.f32 v39, v39;
	v55 =	vld [tilespmem:$0x1FFE0];
	v2 =	vadd.f32 v47, v2  }
0x147: {  	v43 =	vld [tilespmem:s21+$0x8810];
	v11 =	vmul.f32 v11, v11;
	v58, _, _ =	vpop (xrf2);
	v60 =	vadd.f32 v57, v15;
	v10 =	vsub.f32 v10, v62  }
0x148: {  	(v2sf) =	vpush v58, $0xF;
	v57 =	vmul.f32 v17, v17;
	v2 =	vadd.f32 v51, v2  }
0x149: {  	v9 =	vadd.f32 v61, v60;
	(v2sf) =	vpush v0, $0x2;
	v10 =	vmul.f32 v10, v10;
	v42 =	vld [tilespmem:s21+$0x10810]  }
0x14a: {  	v58 =	vmul.f32 v18, v18;
	v60 =	vsub.f32 v3, v14;
	v2 =	vadd.f32 v57, v2  }
0x14b: {  	v54 =	vmul.f32 v12, v12;
	v15 =	vld [tilespmem:s21+$0x820];
	v52 =	vadd.f32 v11, v10;
	v8 =	vsub.f32 v8, v55  }
0x14c: {  	v3 =	vsub.f32 v3, v63;
	v62 =	vld [tilespmem:$0x1FFF0];
	v59 =	vmul.f32 v43, v43;
	v2 =	vadd.f32 v58, v2  }
0x14d: {  	(v2sf) =	vpush v1, $0x2;
	(xrf2) =	vadd.scan.msk.f32 $0xffff, v9;
	v49, _, _ =	vpop (xrf2);
	v9 =	vadd.f32 v54, v52;
	v47 =	vld [tilespmem:s21+$0x8820];
	v8 =	vmul.f32 v8, v8  }
0x14e: {  	(v2sf) =	vpush v49, $0xF;
	v56, _, _ =	vpop (xrf2);
	v61 =	vmul.f32 v42, v42;
	v2 =	vadd.f32 v59, v2  }
0x14f: {  	v7 =	vmul.f32 v7, v7;
	v49 =	vld [tilespmem:s21+$0x10820];
	(v2sf) =	vpush v56, $0xF;
	v8 =	vadd.f32 v8, v9  }
0x150: {  	v14 =	vmul.f32 v15, v15;
	v56 =	vsub.f32 v5, v13;
	v2 =	vadd.f32 v61, v2  }
0x151: {  	v3 =	vmul.f32 v3, v3;
	v5 =	vsub.f32 v5, v19;
	v51 =	vld [tilespmem:s21+$0x830];
	(xrf2) =	vadd.scan.msk.f32 $0xffff, v8;
	v8 =	vsub.f32 v48, v62  }
0x152: {  	v9 =	vmul.f32 v60, v60;
	v48 =	vmul.f32 v47, v47;
	v2 =	vadd.f32 v14, v2  }
0x153: {  	(v2sf) =	vpush v0, $0x3;
	v5 =	vmul.f32 v5, v5;
	v52 =	vld [tilespmem:s21+$0x8830];
	v8 =	vmul.f32 v8, v8  }
0x154: {  	v57 =	vmul.f32 v49, v49;
	v7 =	vadd.f32 v9, v7;
	v2 =	vadd.f32 v48, v2  }
0x155: {  	v58 =	vmul.f32 v56, v56;
	v59 =	vsub.f32 v16, v21;
	v21 =	vld [tilespmem:s21+$0x10830];
	v3 =	vadd.f32 v3, v8  }
0x156: {  	(v2sf) =	vpush v1, $0x3;
	v61 =	vmul.f32 v51, v51;
	v4 =	vadd.f32 v57, v2  }
0x157: {  	v12, _, _ =	vpop (xrf2);
	v7 =	vadd.f32 v58, v7;
	v5 =	vadd.f32 v5, v3;
	v3 =	vmul.f32 v59, v59;
	v2 =	vld [tilespmem:s21+$0x840]  }
0x158: {  	(v2sf) =	vpush v12, $0xF;
	v12 =	vmul.f32 v52, v52;
	v4 =	vadd.f32 v61, v4  }
0x159: {  	v60 =	vsub.f32 v16, v24;
	v24 =	vadd.f32 v3, v7;
	v3 =	vld [tilespmem:s21+$0x8840]  }
0x15a: {  	v28 =	vsub.f32 v46, v28;
	v14 =	vmul.f32 v21, v21;
	v13 =	vadd.f32 v12, v4  }
0x15b: {  	v19 =	vsub.f32 v20, v25;
	v54 =	vsub.f32 v34, v6;
	v63 =	vmul.f32 v60, v60;
	v4 =	vld [tilespmem:s21+$0x10840]  }
0x15c: {  	v16 =	vsub.f32 v20, v22;
	v22 =	vmul.f32 v2, v2;
	v7 =	vadd.f32 v14, v13  }
0x15d: {  	v9 =	vmul.f32 v19, v19;
	v20 =	vsub.f32 v23, v27;
	v48 =	vadd.f32 v63, v5;
	v5 =	vld [tilespmem:s21+$0x850]  }
0x15e: {  	v23 =	vsub.f32 v23, v30;
	v25 =	vmul.f32 v3, v3;
	v11 =	vadd.f32 v22, v7  }
0x15f: {  	v27 =	vsub.f32 v33, v50;
	v8 =	vmul.f32 v16, v16;
	v10 =	vmul.f32 v20, v20;
	v7 =	vld [tilespmem:s21+$0x8850]  }
0x160: {  	v30 =	vsub.f32 v33, v53;
	v33 =	vmul.f32 v4, v4;
	v11 =	vadd.f32 v25, v11  }
0x161: {  	v60 =	vsub.f32 v44, v45;
	v50 =	vmul.f32 v27, v27;
	v10 =	vadd.f32 v10, v8;
	v8 =	vld [tilespmem:s21+$0x10850]  }
0x162: {  	v6 =	vld [tilespmem:s21+$0x860];
	v53 =	vmul.f32 v30, v30;
	v55 =	vmul.f32 v5, v5;
	v11 =	vadd.f32 v33, v11  }
0x163: {  	v30 =	vsub.f32 v46, v37;
	v59 =	vsub.f32 v34, v35;
	v62, _, _ =	vpop (xrf2);
	v12 =	vmul.f32 v23, v23  }
0x164: {  	(v2sf) =	vpush v62, $0xF;
	v58 =	vmul.f32 v7, v7;
	v11 =	vadd.f32 v55, v11  }
0x165: {  	v9 =	vadd.f32 v12, v9;
	v12 =	vadd.f32 v50, v10;
	v10 =	vld [tilespmem:s21+$0x8860]  }
0x166: {  	v57 =	vmul.f32 v54, v54;
	v62 =	vmul.f32 v8, v8;
	v61 =	vadd.f32 v58, v11  }
0x167: {  	v35 =	vsub.f32 v32, v41;
	v63 =	vsub.f32 v44, v31;
	v31 =	vmul.f32 v6, v6;
	v11 =	vld [tilespmem:s21+$0x10860]  }
0x168: {  	v14 =	vmul.f32 v60, v60;
	v20 =	vadd.f32 v57, v12;
	v12 =	vadd.f32 v62, v61  }
0x169: {  	v56 =	vadd.f32 v53, v9;
	v22 =	vmul.f32 v28, v28;
	v9 =	vld [tilespmem:s21+$0x870];
	v33 =	vsub.f32 v32, v40  }
0x16a: {  	v23 =	vmul.f32 v30, v30;
	v34 =	vmul.f32 v10, v10;
	v25 =	vadd.f32 v31, v12  }
0x16b: {  	v13 =	vmul.f32 v63, v63;
	v14 =	vadd.f32 v22, v14;
	v27 =	vmul.f32 v33, v33;
	v12 =	vld [tilespmem:s21+$0x8870]  }
0x16c: {  	v40 =	vmul.f32 v11, v11;
	v37 =	vadd.f32 v34, v25  }
0x16d: {  	v13 =	vadd.f32 v23, v13;
	v22 =	vmul.f32 v35, v35;
	v27 =	vadd.f32 v27, v14;
	v14 =	vld [tilespmem:s21+$0x10870]  }
0x16e: {  	v41 =	vsub.f32 v29, v36;
	v44 =	vmul.f32 v9, v9;
	v23 =	vadd.f32 v40, v37  }
0x16f: {  	v16 =	vmul.f32 v59, v59;
	v54 =	vsub.f32 v18, v43;
	v22 =	vadd.f32 v22, v13;
	v13 =	vld [tilespmem:s21+$0x880]  }
0x170: {  	v18 =	vsub.f32 v18, v42;
	v45 =	vmul.f32 v12, v12;
	v23 =	vadd.f32 v44, v23  }
0x171: {  	v29 =	vsub.f32 v29, v38;
	v46 =	vadd.f32 v16, v56;
	v16 =	vld [tilespmem:s21+$0x8880]  }
0x172: {  	v60 =	vmul.f32 v18, v18;
	v18 =	vld [tilespmem:s21+$0x8890];
	v50 =	vmul.f32 v14, v14;
	v23 =	vadd.f32 v45, v23  }
0x173: {  	v19 =	vld [tilespmem:s21+$0x10880];
	v29 =	vmul.f32 v29, v29  }
0x174: {  	v53 =	vsub.f32 v26, v39;
	v56 =	vmul.f32 v13, v13;
	v23 =	vadd.f32 v50, v23  }
0x175: {  	v21 =	vsub.f32 v51, v21;
	v28 =	vmul.f32 v41, v41;
	v55 =	vsub.f32 v26, v17;
	v17 =	vld [tilespmem:s21+$0x890]  }
0x176: {  	(xrf2) =	vadd.scan.msk.f32 $0xffff, v24;
	v57 =	vmul.f32 v53, v53;
	v59 =	vmul.f32 v16, v16;
	v23 =	vadd.f32 v56, v23  }
0x177: {  	(xrf2) =	vadd.scan.msk.f32 $0xffff, v48;
	v36 =	vmul.f32 v18, v18;
	v32 =	vsub.f32 v51, v52;
	v58 =	vmul.f32 v54, v54  }
0x178: {  	v61 =	vsub.f32 v15, v47;
	v62 =	vmul.f32 v19, v19;
	v23 =	vadd.f32 v59, v23  }
0x179: {  	(xrf2) =	vadd.scan.msk.f32 $0xffff, v20;
	v20 =	vld [tilespmem:s21+$0x10890];
	v24 =	vmul.f32 v55, v55;
	v26 =	vadd.f32 v58, v57;
	v15 =	vsub.f32 v15, v49  }
0x17a: {  	v33 =	vmul.f32 v17, v17;
	v63 =	vmul.f32 v61, v61;
	v23 =	vadd.f32 v62, v23  }
0x17b: {  	v27 =	vadd.f32 v28, v27;
	v24 =	vadd.f32 v60, v24;
	v34 =	vmul.f32 v15, v15;
	v15 =	vld [tilespmem:s21+$0x8A0]  }
0x17c: {  	v35 =	vmul.f32 v32, v32;
	v26 =	vadd.f32 v63, v26;
	v23 =	vadd.f32 v33, v23  }
0x17d: {  	v21 =	vmul.f32 v21, v21;
	(xrf2) =	vadd.scan.msk.f32 $0xffff, v46;
	v22 =	vadd.f32 v29, v22;
	v37 =	vadd.f32 v34, v24;
	v24 =	vld [tilespmem:s21+$0x88A0]  }
0x17e: {  	v39 =	vmul.f32 v20, v20;
	(xrf2) =	vadd.scan.msk.f32 $0xffff, v27;
	v26 =	vadd.f32 v35, v26;
	v23 =	vadd.f32 v36, v23  }
0x17f: {  	(xrf2) =	vadd.scan.msk.f32 $0xffff, v22;
	v22 =	vld [tilespmem:s21+$0x108A0];
	v21 =	vadd.f32 v21, v37  }
0x180: {  	v38, _, _ =	vpop (xrf2);
	(xrf2) =	vadd.scan.msk.f32 $0xffff, v26;
	v41 =	vmul.f32 v15, v15;
	v23 =	vadd.f32 v39, v23  }
0x181: {  	v40, _, _ =	vpop (xrf2);
	(xrf2) =	vadd.scan.msk.f32 $0xffff, v21;
	v21 =	vld [tilespmem:s21+$0x8B0]  }
0x182: {  	v43 =	vmul.f32 v24, v24;
	v23 =	vadd.f32 v41, v23  }
0x183: {  	v27 =	vld [tilespmem:s21+$0x88B0]  }
0x184: {  	v45 =	vmul.f32 v22, v22;
	v23 =	vadd.f32 v43, v23  }
0x185: {  	(v2sf) =	vpush v0, $0x4;
	v26 =	vld [tilespmem:s21+$0x108B0]  }
0x186: {  	(v2sf) =	vpush v1, $0x4;
	v30 =	vld [tilespmem:s21+$0x8D0];
	v47 =	vmul.f32 v21, v21;
	v23 =	vadd.f32 v45, v23  }
0x187: {  	v3 =	vsub.f32 v2, v3;
	v2 =	vsub.f32 v2, v4;
	v29 =	vld [tilespmem:s21+$0x8C0]  }
0x188: {  	v55 =	vsub.f32 v5, v7;
	v7 =	vld [tilespmem:s21+$0x88D0];
	v49 =	vmul.f32 v27, v27;
	v23 =	vadd.f32 v47, v23  }
0x189: {  	v3 =	vmul.f32 v3, v3;
	v2 =	vmul.f32 v2, v2;
	v5 =	vsub.f32 v5, v8;
	v28 =	vld [tilespmem:s21+$0x88C0]  }
0x18a: {  	v10 =	vsub.f32 v6, v10;
	v8 =	vld [tilespmem:s21+$0x108D0];
	v51 =	vmul.f32 v26, v26;
	v23 =	vadd.f32 v49, v23  }
0x18b: {  	s31 =	spop (v2sf);
	(v2sf) =	vpush v38, $0xF;
	v4 =	vmul.f32 v55, v55;
	v58 =	vmul.f32 v5, v5;
	v31 =	vld [tilespmem:s21+$0x108C0]  }
0x18c: {  	v10 =	vmul.f32 v10, v10;
	v53 =	vmul.f32 v29, v29;
	v23 =	vadd.f32 v51, v23  }
0x18d: {  	v3 =	vadd.f32 v4, v3;
	v2 =	vadd.f32 v58, v2;
	v61 =	vmul.f32 v7, v7  }
0x18e: {  	v7 =	vsub.f32 v30, v7;
	v54 =	vmul.f32 v28, v28;
	v23 =	vadd.f32 v53, v23  }
0x18f: {  	v3 =	vadd.f32 v10, v3;
	v25 =	vmul.f32 v8, v8;
	v8 =	vsub.f32 v30, v8  }
0x190: {  	v35 =	vsub.f32 v13, v16;
	v56 =	vmul.f32 v31, v31;
	v23 =	vadd.f32 v54, v23  }
0x191: {  	s19 =	spop (v2sf);
	v13 =	vsub.f32 v13, v19;
	v32 =	vsub.f32 v9, v12  }
0x192: {  	s11 =	spop (v2sf);
	v57 =	vmul.f32 v30, v30;
	(v2sf) =	vpush v40, $0xF;
	v23 =	vadd.f32 v56, v23  }
0x193: {  	s23 =	spop (v2sf);
	(v2sf) =	vpush v0, $0x5;
	v59 =	vsub.f32 v6, v11;
	v6 =	vld [tilespmem:s21+$0x8E0]  }
0x194: {  	s7 =	spop (v2sf);
	v42, _, _ =	vpop (xrf2);
	(v2sf) =	vpush v1, $0x5;
	v60 =	vadd.f32 v57, v23  }
0x195: {  	s9 =	spop (v2sf);
	v63 =	vld [tilespmem:s21+$0x88E0];
	v9 =	vsub.f32 v9, v14;
	v44, _, _ =	vpop (xrf2);
	v4 =	vmul.f32 v32, v32;
	(v2sf) =	vpush v42, $0xF  }
0x196: {  	s8 =	spop (v2sf);
	(v2sf) =	vpush v44, $0xF;
	v23 =	vadd.f32 v61, v60  }
0x197: {  	s10 =	spop (v2sf);
	v3 =	vadd.f32 v4, v3;
	(v2sf) =	vpush v0, $0x6;
	v33 =	vld [tilespmem:s21+$0x108E0]  }
0x198: {  	s25 =	spop (v2sf);
	v46, _, _ =	vpop (xrf2);
	(v2sf) =	vpush v1, $0x6;
	v34 =	vmul.f32 v6, v6;
	v10 =	vadd.f32 v25, v23  }
0x199: {  	v37 =	vld [tilespmem:s21+$0x8F0];
	v48, _, _ =	vpop (xrf2);
	(v2sf) =	vpush v46, $0xF;
	v46 =	vsub.f32 v15, v24  }
0x19a: {  	s0 =	spop (v2sf);
	v38 =	vmul.f32 v63, v63;
	(v2sf) =	vpush v48, $0xF;
	v10 =	vadd.f32 v34, v10  }
0x19b: {  	v7 =	vmul.f32 v7, v7;
	v36 =	vsub.f32 v17, v18;
	v17 =	vsub.f32 v17, v20;
	v39 =	vld [tilespmem:s21+$0x88F0]  }
0x19c: {  	s26 =	spop (v2sf);
	(v2sf) =	vpush v0, $0x7;
	v40 =	vmul.f32 v33, v33;
	v10 =	vadd.f32 v38, v10  }
0x19d: {  	s20 =	spop (v2sf);
	v15 =	vsub.f32 v15, v22;
	(v2sf) =	vpush v1, $0x7;
	v44 =	vmul.f32 v17, v17;
	v43 =	vld [tilespmem:s21+$0x108F0]  }
0x19e: {  	v50, _, _ =	vpop (xrf2);
	v41 =	vmul.f32 v13, v13;
	v45 =	vmul.f32 v37, v37;
	v10 =	vadd.f32 v40, v10  }
0x19f: {  	s30 =	spop (v2sf);
	v15 =	vmul.f32 v15, v15;
	v62 =	vmul.f32 v59, v59;
	(v2sf) =	vpush v50, $0xF;
	v20 =	vld [tilespmem:s21+$0x900]  }
0x1a0: {  	v52, _, _ =	vpop (xrf2);
	v4 =	vadd.f32 v44, v41;
	v47 =	vmul.f32 v39, v39;
	v10 =	vadd.f32 v45, v10  }
0x1a1: {  	s6 =	spop (v2sf);
	v9 =	vmul.f32 v9, v9;
	v50 =	vld [tilespmem:s21+$0x8900];
	v2 =	vadd.f32 v62, v2;
	(v2sf) =	vpush v52, $0xF  }
0x1a2: {  	v4 =	vadd.f32 v15, v4;
	v15 =	vld [tilespmem:s21+$0x10900];
	v52 =	vmul.f32 v43, v43;
	v51 =	vadd.f32 v47, v10  }
0x1a3: {  	v14 =	vmul.f32 v35, v35;
	v5 =	vsub.f32 v6, v63;
	v16 =	vmul.f32 v36, v36  }
0x1a4: {  	v63 =	vld [tilespmem:s21+$0x10910];
	v2 =	vadd.f32 v9, v2;
	v56 =	vmul.f32 v20, v20;
	v9 =	vadd.f32 v52, v51  }
0x1a5: {  	v58 =	vld [tilespmem:s21+$0x910];
	v8 =	vmul.f32 v8, v8;
	v48 =	vmul.f32 v46, v46;
	v42 =	vadd.f32 v16, v14  }
0x1a6: {  	v59 =	vmul.f32 v50, v50;
	v49 =	vsub.f32 v21, v27;
	v9 =	vadd.f32 v56, v9  }
0x1a7: {  	v55 =	vsub.f32 v21, v26;
	v5 =	vmul.f32 v5, v5;
	v62 =	vmul.f32 v15, v15;
	v61 =	vld [tilespmem:s21+$0x8910]  }
0x1a8: {  	v53 =	vadd.f32 v48, v42;
	v54 =	vmul.f32 v49, v49;
	v9 =	vadd.f32 v59, v9  }
0x1a9: {  	v6 =	vsub.f32 v6, v33;
	v16 =	vmul.f32 v55, v55;
	v33 =	vmul.f32 v63, v63  }
0x1aa: {  	(xrf2) =	vadd.scan.msk.f32 $0xffff, v3;
	v27 =	vmul.f32 v58, v58;
	v11 =	vadd.f32 v54, v53;
	v9 =	vadd.f32 v62, v9  }
0x1ab: {  	(xrf2) =	vadd.scan.msk.f32 $0xffff, v2;
	v6 =	vmul.f32 v6, v6;
	v3 =	vadd.f32 v16, v4;
	v57 =	vsub.f32 v29, v28;
	v28 =	vld [tilespmem:s21+$0x920]  }
0x1ac: {  	(xrf2) =	vadd.scan.msk.f32 $0xffff, v11;
	v60 =	vsub.f32 v29, v31;
	v30 =	vmul.f32 v61, v61;
	v29 =	vadd.f32 v27, v9  }
0x1ad: {  	v32 =	vsub.f32 v37, v39;
	(xrf2) =	vadd.scan.msk.f32 $0xffff, v3;
	v3 =	vsub.f32 v20, v50;
	v13 =	vmul.f32 v57, v57;
	v31 =	vld [tilespmem:s21+$0x8920]  }
0x1ae: {  	v36 =	vld [tilespmem:s21+$0x930];
	v35 =	vsub.f32 v37, v43;
	v21 =	vmul.f32 v60, v60;
	v4 =	vadd.f32 v30, v29  }
0x1af: {  	v57 =	vsub.f32 v58, v63;
	v3 =	vmul.f32 v3, v3;
	v7 =	vadd.f32 v7, v13;
	v34 =	vld [tilespmem:s21+$0x10920]  }
0x1b0: {  	v37 =	vmul.f32 v28, v28;
	v2 =	vadd.f32 v8, v21;
	v38 =	vld [tilespmem:s21+$0x8930];
	v4 =	vadd.f32 v33, v4  }
0x1b1: {  	v5 =	vadd.f32 v5, v7;
	v8 =	vmul.f32 v32, v32;
	v39 =	vsub.f32 v58, v61  }
0x1b2: {  	v7 =	vsub.f32 v28, v31;
	v40 =	vmul.f32 v31, v31;
	v4 =	vadd.f32 v37, v4  }
0x1b3: {  	s13 =	ssub.f32 s19, s31;
	v43 =	vld [tilespmem:s21+$0x10930];
	v2 =	vadd.f32 v6, v2;
	v5 =	vadd.f32 v8, v5;
	v41 =	vmul.f32 v39, v39  }
0x1b4: {  	s11 =	ssub.f32 s11, s23;
	v49 =	vld [tilespmem:s21+$0x940];
	v6 =	vmul.f32 v35, v35;
	v42 =	vmul.f32 v34, v34;
	v4 =	vadd.f32 v40, v4  }
0x1b5: {  	v60 =	vld [tilespmem:s21+$0x8950];
	v7 =	vmul.f32 v7, v7;
	v3 =	vadd.f32 v41, v3;
	v44 =	vsub.f32 v36, v38  }
0x1b6: {  	s11 =	sadd.f32 s13, s11;
	v46 =	vmul.f32 v36, v36;
	v58 =	vld [tilespmem:s21+$0x950];
	v2 =	vadd.f32 v6, v2;
	v4 =	vadd.f32 v42, v4  }
0x1b7: {  	s22 =	spop (v2sf);
	(v2sf) =	vpush v0, $0x8;
	v45, _, _ =	vpop (xrf2);
	(xrf2) =	vadd.scan.msk.f32 $0xffff, v5;
	v3 =	vadd.f32 v7, v3;
	v48 =	vmul.f32 v44, v44  }
0x1b8: {  	s11 =	ssub.f32 $5.000000000e-01, s11;
	s29 =	spop (v2sf);
	(v2sf) =	vpush v1, $0x8;
	v61 =	vld [tilespmem:s21+$0x10950];
	(xrf2) =	vadd.scan.msk.f32 $0xffff, v2;
	v50 =	vmul.f32 v38, v38;
	v2 =	vadd.f32 v46, v4  }
0x1b9: {  	s9 =	ssub.f32 s9, s7;
	s19 =	spop (v2sf);
	(v2sf) =	vpush v45, $0xF;
	v47, _, _ =	vpop (xrf2);
	v51 =	vld [tilespmem:s21+$0x8940];
	v3 =	vadd.f32 v48, v3  }
0x1ba: {  	s10 =	ssub.f32 s8, s10;
	s23 =	spop (v2sf);
	v53 =	vmul.f32 v43, v43;
	(v2sf) =	vpush v47, $0xF;
	v2 =	vadd.f32 v50, v2  }
0x1bb: {  	s11 =	smax.f32 s11, $0.0e+00;
	s31 =	spop (v2sf);
	v55 =	vmul.f32 v49, v49;
	v14 =	vsub.f32 v58, v60;
	(v2sf) =	vpush v0, $0x9;
	(xrf2) =	vadd.scan.msk.f32 $0xffff, v3;
	v3 =	vld [tilespmem:s21+$0x10940]  }
0x1bc: {  	s10 =	sadd.f32 s9, s10;
	s13 =	spop (v2sf);
	v19 =	vld [tilespmem:s21+$0x9A0];
	v8 =	vmul.f32 v57, v57;
	v52, _, _ =	vpop (xrf2);
	(v2sf) =	vpush v1, $0x9;
	v2 =	vadd.f32 v53, v2  }
0x1bd: {  	s24 =	sadd.f32 s11, s24;
	s7 =	spop (v2sf);
	v18 =	vld [tilespmem:s21+$0x89A0];
	v38 =	vmul.f32 v61, v61;
	v54, _, _ =	vpop (xrf2);
	(v2sf) =	vpush v52, $0xF;
	v56 =	vsub.f32 v20, v15  }
0x1be: {  	s14 =	ssub.f32 $5.000000000e-01, s10;
	s8 =	spop (v2sf);
	v17 =	vld [tilespmem:s21+$0x109A0];
	(v2sf) =	vpush v54, $0xF;
	v59 =	vmul.f32 v51, v51;
	v2 =	vadd.f32 v55, v2  }
0x1bf: {  	s3 =	ssub.f32 s0, s25;
	s9 =	spop (v2sf);
	v63 =	vld [tilespmem:s21+$0x960];
	v10 =	vsub.f32 v28, v34;
	(v2sf) =	vpush v0, $0xA;
	v6 =	vmul.f32 v56, v56  }
0x1c0: {  	s14 =	smax.f32 s14, $0.0e+00;
	s10 =	spop (v2sf);
	v28 =	vld [tilespmem:s21+$0x8960];
	(v2sf) =	vpush v1, $0xA;
	v62 =	vmul.f32 v3, v3;
	v2 =	vadd.f32 v59, v2  }
0x1c1: {  	s26 =	ssub.f32 s26, s20;
	s11 =	spop (v2sf);
	v16 =	vld [tilespmem:s21+$0x9B0];
	v34 =	vmul.f32 v60, v60;
	v5 =	vsub.f32 v49, v51;
	v26, _, _ =	vpop (xrf2);
	v6 =	vadd.f32 v8, v6  }
0x1c2: {  	s14 =	sadd.f32 s14, s24;
	s24 =	spop (v2sf);
	v25 =	vld [tilespmem:s21+$0x990];
	(v2sf) =	vpush v26, $0xF;
	v30 =	vmul.f32 v58, v58;
	v2 =	vadd.f32 v62, v2  }
0x1c3: {  	v21 =	vld [tilespmem:s21+$0x8990];
	v44 =	vmul.f32 v14, v14;
	v9 =	vsub.f32 v36, v43;
	v3 =	vsub.f32 v49, v3  }
0x1c4: {  	s3 =	sadd.f32 s3, s26;
	v13 =	vld [tilespmem:s21+$0x9C0];
	v5 =	vmul.f32 v5, v5;
	v43 =	vsub.f32 v58, v61;
	v2 =	vadd.f32 v30, v2  }
0x1c5: {  	s6 =	ssub.f32 s6, s30;
	v35 =	vld [tilespmem:s21+$0x8970];
	v27 =	vmul.f32 v10, v10;
	v10 =	vsub.f32 v63, v28;
	v61 =	vsub.f32 v19, v18  }
0x1c6: {  	s22 =	ssub.f32 s22, s29;
	v39 =	vld [tilespmem:s21+$0x980];
	v5 =	vadd.f32 v44, v5;
	v32 =	vmul.f32 v9, v9;
	v2 =	vadd.f32 v34, v2  }
0x1c7: {  	s3 =	ssub.f32 $5.000000000e-01, s3;
	v31 =	vld [tilespmem:s21+$0x10960];
	v6 =	vadd.f32 v27, v6;
	v3 =	vmul.f32 v3, v3;
	v7 =	vmul.f32 v43, v43  }
0x1c8: {  	s6 =	sadd.f32 s6, s22;
	v41 =	vmul.f32 v63, v63;
	v58 =	vsub.f32 v25, v21;
	v33 =	vld [tilespmem:s21+$0x970];
	v2 =	vadd.f32 v38, v2  }
0x1c9: {  	s19 =	ssub.f32 s23, s19;
	v48 =	vmul.f32 v10, v10;
	v29, _, _ =	vpop (xrf2);
	v6 =	vadd.f32 v32, v6;
	v3 =	vadd.f32 v7, v3;
	v37 =	vld [tilespmem:s21+$0x10970]  }
0x1ca: {  	s13 =	ssub.f32 s31, s13;
	s25 =	spop (v2sf);
	v45 =	vmul.f32 v28, v28;
	(v2sf) =	vpush v29, $0xF;
	v40 =	vld [tilespmem:s21+$0x8980];
	v2 =	vadd.f32 v41, v2  }
0x1cb: {  	s6 =	ssub.f32 $5.000000000e-01, s6;
	s0 =	spop (v2sf);
	v14 =	vld [tilespmem:s21+$0x109B0];
	v5 =	vadd.f32 v48, v5;
	(v2sf) =	vpush v0, $0xB  }
0x1cc: {  	s3 =	smax.f32 s3, $0.0e+00;
	s13 =	sadd.f32 s19, s13;
	v47 =	vmul.f32 v31, v31;
	v42 =	vld [tilespmem:s21+$0x10980];
	v46 =	vsub.f32 v63, v31;
	v2 =	vadd.f32 v45, v2  }
0x1cd: {  	s3 =	sadd.f32 s3, s14;
	v20 =	vld [tilespmem:s21+$0x10990];
	v60 =	vmul.f32 v58, v58;
	(xrf2) =	vadd.scan.msk.f32 $0xffff, v6;
	(v2sf) =	vpush v1, $0xB;
	v49 =	vsub.f32 v33, v35  }
0x1ce: {  	s6 =	smax.f32 s6, $0.0e+00;
	s13 =	ssub.f32 $5.000000000e-01, s13;
	v15 =	vld [tilespmem:s21+$0x89B0];
	v11 =	vmul.f32 v46, v46;
	v50 =	vmul.f32 v33, v33;
	v2 =	vadd.f32 v47, v2  }
0x1cf: {  	s3 =	sadd.f32 s6, s3;
	v9 =	vld [tilespmem:s21+$0x89C0];
	v51 =	vsub.f32 v33, v37;
	v52 =	vmul.f32 v49, v49;
	v55 =	vsub.f32 v39, v40  }
0x1d0: {  	s31 =	smax.f32 s13, $0.0e+00;
	v7 =	vld [tilespmem:s21+$0x109C0];
	v11 =	vadd.f32 v11, v3;
	v3 =	vmul.f32 v35, v35;
	v2 =	vadd.f32 v50, v2  }
0x1d1: {  	s6 =	sadd.f32 s31, s3;
	v6 =	vld [tilespmem:s21+$0x9E0];
	v56 =	vsub.f32 v39, v42;
	v24 =	vmul.f32 v42, v42;
	v57 =	vmul.f32 v55, v55  }
0x1d2: {  	s13 =	ssub.f32 s8, s7;
	s30 =	spop (v2sf);
	v42 =	vld [tilespmem:s21+$0x109F0];
	v53 =	vadd.f32 v52, v5;
	v2 =	vadd.f32 v3, v2;
	v3 =	vmul.f32 v37, v37  }
0x1d3: {  	s14 =	ssub.f32 s9, s10;
	s22 =	spop (v2sf);
	v63 =	vmul.f32 v61, v61;
	v5 =	vld [tilespmem:s21+$0x9D0];
	v59 =	vsub.f32 v25, v20;
	v10 =	vadd.f32 v60, v57  }
0x1d4: {  	s19 =	ssub.f32 s24, s11;
	s23 =	spop (v2sf);
	v8 =	vmul.f32 v39, v39;
	v43 =	vsub.f32 v13, v9;
	v39 =	vld [tilespmem:s21+$0x9F0];
	v2 =	vadd.f32 v3, v2  }
0x1d5: {  	s3 =	sadd.f32 s13, s14;
	s24 =	spop (v2sf);
	v12 =	vmul.f32 v59, v59;
	v22 =	vadd.f32 v63, v10;
	v10 =	vld [tilespmem:s21+$0x89E0];
	v3 =	vmul.f32 v56, v56  }
0x1d6: {  	s20 =	ssub.f32 s25, s0;
	s25 =	spop (v2sf);
	v36, _, _ =	vpop (xrf2);
	v33 =	vsub.f32 v16, v15;
	v8 =	vadd.f32 v8, v2;
	v2 =	vld [tilespmem:s21+$0x89D0]  }
0x1d7: {  	s26 =	spop (v2sf);
	(v2sf) =	vpush v36, $0xF;
	v54 =	vmul.f32 v51, v51;
	v51, _, _ =	vpop (xrf2);
	v12 =	vadd.f32 v12, v3;
	v3 =	vld [tilespmem:s21+$0x109D0]  }
0x1d8: {  	s3 =	ssub.f32 $5.000000000e-01, s3;
	s29 =	spop (v2sf);
	v35 =	vmul.f32 v33, v33;
	(v2sf) =	vpush v51, $0xF;
	v62 =	vsub.f32 v19, v17;
	v41 =	vld [tilespmem:s21+$0x89F0]  }
0x1d9: {  	s8 =	sadd.f32 s19, s20;
	v26 =	vmul.f32 v43, v43;
	(xrf2) =	vadd.scan.msk.f32 $0xffff, v53;
	v53 =	vsub.f32 v39, v42;
	v34 =	vsub.f32 v16, v14;
	v37 =	vld [tilespmem:s21+$0x109E0]  }
0x1da: {  	s0 =	ssub.f32 s22, s30;
	s3 =	smax.f32 s3, $0.0e+00;
	v23 =	vmul.f32 v40, v40;
	v22 =	vadd.f32 v35, v22;
	v38 =	vadd.f32 v54, v11  }
0x1db: {  	s3 =	sadd.f32 s3, s6;
	v32 =	vmul.f32 v62, v62;
	v45 =	vsub.f32 v13, v7;
	v44 =	vsub.f32 v5, v2  }
0x1dc: {  	s7 =	ssub.f32 s23, s24;
	v36 =	vmul.f32 v34, v34;
	v47 =	vsub.f32 v6, v10;
	v46 =	vsub.f32 v5, v3  }
0x1dd: {  	s8 =	ssub.f32 $5.000000000e-01, s8;
	v28 =	vmul.f32 v45, v45;
	v50 =	vsub.f32 v39, v41;
	v27 =	vmul.f32 v44, v44  }
0x1de: {  	s0 =	sadd.f32 s0, s7;
	(xrf2) =	vadd.scan.msk.f32 $0xffff, v38;
	v48 =	vsub.f32 v6, v37;
	v12 =	vadd.f32 v32, v12;
	v30 =	vmul.f32 v46, v46  }
0x1df: {  	s7 =	ssub.f32 s26, s25;
	v49 =	vmul.f32 v47, v47;
	v23 =	vadd.f32 v23, v8;
	v26 =	vadd.f32 v27, v26  }
0x1e0: {  	s0 =	ssub.f32 $5.000000000e-01, s0;
	s30 =	spop (v2sf);
	v52 =	vmul.f32 v48, v48;
	v40 =	vadd.f32 v36, v12;
	v28 =	vadd.f32 v30, v28  }
0x1e1: {  	s8 =	smax.f32 s8, $0.0e+00;
	s6 =	ssub.f32 s29, s30;
	v25 =	vmul.f32 v25, v25;
	(xrf2) =	vadd.scan.msk.f32 $0xffff, v22;
	v55 =	vmul.f32 v50, v50;
	v54 =	vadd.f32 v49, v26  }
0x1e2: {  	s3 =	sadd.f32 s8, s3;
	s0 =	smax.f32 s0, $0.0e+00;
	v57 =	vmul.f32 v53, v53;
	v23 =	vadd.f32 v24, v23;
	(xrf2) =	vadd.scan.msk.f32 $0xffff, v40;
	v56 =	vadd.f32 v52, v28  }
0x1e3: {  	s6 =	sadd.f32 s7, s6;
	s31 =	spop (v2sf);
	(v2sf) =	vpush v0, $0xC;
	v22 =	vadd.f32 v55, v54  }
0x1e4: {  	s0 =	sadd.f32 s0, s3;
	v21 =	vmul.f32 v21, v21;
	s9 =	spop (v2sf);
	v23 =	vadd.f32 v25, v23;
	v24 =	vadd.f32 v57, v56  }
0x1e5: {  	s6 =	ssub.f32 $5.000000000e-01, s6;
	s10 =	spop (v2sf);
	(v2sf) =	vpush v1, $0xC;
	(xrf2) =	vadd.scan.msk.f32 $0xffff, v22  }
0x1e6: {  	s3 =	ssub.f32 s9, s31;
	s11 =	spop (v2sf);
	v20 =	vmul.f32 v20, v20;
	v58, _, _ =	vpop (xrf2);
	v21 =	vadd.f32 v21, v23;
	(xrf2) =	vadd.scan.msk.f32 $0xffff, v24  }
0x1e7: {  	s6 =	smax.f32 s6, $0.0e+00;
	s7 =	ssub.f32 s10, s11  }
0x1e8: {  	s0 =	sadd.f32 s6, s0;
	s13 =	spop (v2sf);
	v19 =	vmul.f32 v19, v19;
	(v2sf) =	vpush v58, $0xF;
	v59, _, _ =	vpop (xrf2);
	v20 =	vadd.f32 v20, v21  }
0x1e9: {  	s14 =	spop (v2sf);
	s3 =	sadd.f32 s3, s7;
	(v2sf) =	vpush v59, $0xF  }
0x1ea: {  	v18 =	vmul.f32 v18, v18;
	s19 =	spop (v2sf);
	s7 =	ssub.f32 s14, s13;
	(v2sf) =	vpush v0, $0xD;
	v19 =	vadd.f32 v19, v20  }
0x1eb: {  	s20 =	spop (v2sf);
	s3 =	ssub.f32 $5.000000000e-01, s3;
	v60, _, _ =	vpop (xrf2);
	(v2sf) =	vpush v1, $0xD  }
0x1ec: {  	s6 =	ssub.f32 s19, s20;
	v17 =	vmul.f32 v17, v17;
	s21 =	spop (v2sf);
	(v2sf) =	vpush v60, $0xF;
	v18 =	vadd.f32 v18, v19;
	v61, _, _ =	vpop (xrf2)  }
0x1ed: {  	s3 =	smax.f32 s3, $0.0e+00;
	s22 =	spop (v2sf);
	(v2sf) =	vpush v61, $0xF  }
0x1ee: {  	s6 =	sadd.f32 s7, s6;
	v16 =	vmul.f32 v16, v16;
	s23 =	spop (v2sf);
	v17 =	vadd.f32 v17, v18;
	(v2sf) =	vpush v0, $0xE  }
0x1ef: {  	s0 =	sadd.f32 s3, s0;
	s24 =	spop (v2sf);
	(v2sf) =	vpush v1, $0xE;
	v62, _, _ =	vpop (xrf2)  }
0x1f0: {  	v15 =	vmul.f32 v15, v15;
	s3 =	ssub.f32 s22, s21;
	s25 =	spop (v2sf);
	v16 =	vadd.f32 v16, v17;
	(v2sf) =	vpush v62, $0xF;
	v63, _, _ =	vpop (xrf2)  }
0x1f1: {  	s8 =	ssub.f32 s23, s24;
	(v2sf) =	vpush v63, $0xF  }
0x1f2: {  	s6 =	ssub.f32 $5.000000000e-01, s6;
	s26 =	spop (v2sf);
	v15 =	vadd.f32 v15, v16;
	(v2sf) =	vpush v0, $0xF;
	v0 =	vmul.f32 v14, v14  }
0x1f3: {  	s3 =	sadd.f32 s3, s8;
	s29 =	spop (v2sf)  }
0x1f4: {  	s7 =	ssub.f32 s26, s25;
	s30 =	spop (v2sf);
	(v2sf) =	vpush v1, $0xF;
	v1 =	vmul.f32 v13, v13;
	v0 =	vadd.f32 v0, v15  }
0x1f5: {  	s8 =	ssub.f32 s29, s30  }
0x1f6: {  	s3 =	ssub.f32 $5.000000000e-01, s3;
	v0 =	vadd.f32 v1, v0;
	v1 =	vmul.f32 v9, v9  }
0x1f7: {  	s6 =	smax.f32 s6, $0.0e+00;
	s7 =	sadd.f32 s7, s8  }
0x1f8: {  	s0 =	sadd.f32 s6, s0;
	s31 =	spop (v2sf);
	v0 =	vadd.f32 v1, v0;
	v1 =	vmul.f32 v7, v7  }
0x1f9: {  	s3 =	smax.f32 s3, $0.0e+00;
	s11 =	ssub.f32 $5.000000000e-01, s7  }
0x1fa: {  	s0 =	sadd.f32 s3, s0;
	s10 =	spop (v2sf);
	v0 =	vadd.f32 v1, v0;
	v1 =	vmul.f32 v5, v5  }
0x1fb: {  	s6 =	smax.f32 s11, $0.0e+00;
	s13 =	spop (v2sf)  }
0x1fc: {  	s8 =	ssub.f32 s10, s31;
	s14 =	spop (v2sf);
	v0 =	vadd.f32 v1, v0;
	v1 =	vmul.f32 v2, v2  }
0x1fd: {  	s19 =	spop (v2sf);
	s3 =	ssub.f32 s13, s14  }
0x1fe: {  	s0 =	sadd.f32 s6, s0;
	s20 =	spop (v2sf);
	v0 =	vadd.f32 v1, v0;
	v1 =	vmul.f32 v3, v3  }
0x1ff: {  	s3 =	sadd.f32 s8, s3;
	s21 =	spop (v2sf)  }
0x200: {  	s6 =	ssub.f32 s20, s19;
	s22 =	spop (v2sf);
	v0 =	vadd.f32 v1, v0;
	v1 =	vmul.f32 v6, v6  }
0x201: {  	s7 =	ssub.f32 s21, s22;
	s23 =	spop (v2sf)  }
0x202: {  	s3 =	ssub.f32 $5.000000000e-01, s3;
	s24 =	spop (v2sf);
	v0 =	vadd.f32 v1, v0;
	v1 =	vmul.f32 v10, v10  }
0x203: {  	s6 =	sadd.f32 s6, s7;
	s25 =	spop (v2sf)  }
0x204: {  	s8 =	ssub.f32 s24, s23;
	s26 =	spop (v2sf);
	v0 =	vadd.f32 v1, v0;
	v1 =	vmul.f32 v37, v37  }
0x205: {  	s7 =	ssub.f32 s25, s26  }
0x206: {  	s6 =	ssub.f32 $5.000000000e-01, s6;
	v0 =	vadd.f32 v1, v0;
	v1 =	vmul.f32 v39, v39  }
0x207: {  	p0 =	sne.s32 s18, $0x1F000;
	s3 =	smax.f32 s3, $0.0e+00;
	s7 =	sadd.f32 s8, s7  }
.Ltmp0:
0x208: {  	s0 =	sadd.f32 s3, s0;
	v0 =	vadd.f32 v1, v0;
	v1 =	vmul.f32 v41, v41;
	(pc) =	sbr.rel @p0 .LBB2_2-.Ltmp0, $4  }
0x209: {  	s29 =	smax.f32 s6, $0.0e+00;
	s30 =	ssub.f32 $5.000000000e-01, s7  }
0x20a: {  	s0 =	sadd.f32 s29, s0;
	v0 =	vadd.f32 v1, v0;
	v1 =	vmul.f32 v42, v42  }
0x20b: {  	s18 =	sadd.s32 $0x1000, s18;
	s31 =	smax.f32 s30, $0.0e+00  }
0x20c: {  	s16 =	sadd.s32 $0x10, s16;
	s17 =	sadd.s32 $0x10, s17;
	s24 =	sadd.f32 s31, s0;
	v0 =	vadd.f32 v1, v0  }
0x20d: {  	_ = 	snop  }
0x20e: {  	v1 =	vmov s24  }
0x20f: {  	v0 =	vmul.f32 $5.000000000e-01, v0;
	v1 =	vnsel vm0, $0x0, v1  }
0x210: {  	[tilespmem:$0x18A00] =	vst v1  }
0x211: {  	s11 =	simm.s32 $0x0;
	s0 =	rddreg [dreg:$0x8];
	s3 =	simm.s32 $0x18A00;
	[tilespmem:$0x18A10] =	vst v0  }
0x212: {  	[hbm4b:s0+s11] =	stream.linear.scatter [tilespmem:s3], [sflag:$0x2], $0x10, $0x38;
	[tilespmem:$0x18A20] =	vst v63  }
0x213: {  	_ =	swait.ge [sflag:s12], $0x10  }
0x214: {  	[sflag:s12] =	ssyncset.done $0x0  }
0x215: {  	s30 =	simm.s32 $0x18A10;
	s29 =	rddreg [dreg:$0x9];
	[sflag:s12] =	ssyncadd.s32 $0xFFFFFFF0  }
0x216: {  	[hbm4b:s29+s11] =	stream.linear.scatter [tilespmem:s30], [sflag:$0x2], $0x10, $0x38;
	[tilespmem:$0x18A20] =	vst v63  }
0x217: {  	_ =	swait.ge [sflag:s12], $0x10  }
0x218: {  	s2 =	sadd.s32 $0x1, s2;
	s31 =	rddreg [dreg:$0xa]  }
0x219: {  	p0 =	sne.s32 s2, s31  }
.Ltmp1:
0x21a: {  	_ = 	snop;
	(pc) =	sbr.rel @p0 .LBB2_1-.Ltmp1, $3  }
0x21b: {  	_ =	sdelay $0x1  }
0x21c: {  	[sflag:s12] =	ssyncset.done $0x0  }
0x21d: {  	[sflag:s12] =	ssyncadd.s32 $0xFFFFFFF0  }
0x21e: {  	_ =	sfence.sel $0x180000  }
0x21f: {  	[bflag:$0x0] =	sbarrier.arrive $0xFFFF  }
0x220: {  	_ =	strace $0x90000047  }
0x221: {  	s0 =	stileid.u32;
	[bflag:$0x2] =	sbarrier.arrive $0xFFFF  }
0x222: {  	p0 =	sne.s32 s0, $0x0;
	s0 =	rddreg [dreg:$0x4]  }
0x223: {  	s0 =	sadd.s32 @!p0 $0x100000, s0  }
0x224: {  	[sflag:s0] =	ssyncadd.tile.s32 @!p0 $0x1;
	_ =	shalt  }
.Lfunc_end2:
_tile_overlayer_lowered:
.L_overlay_start_2:
0x225: {  	(tag) =	ssettag $0x2  }
0x226: {  	s0 =	rddreg [dreg:$0x0];
	s2 =	stileid.u32  }
0x227: {  	s1 =	rddreg [dreg:$0x1];
	p0 =	sne.s32 s2, $0x0  }
0x228: {  	s3 =	rddreg [dreg:$0x2];
	[bflag:$0x3] =	sbarrier.arrive $0xFFFF;
	s2 =	simm.s32 @!p0 $0x1C02  }
0x229: {  	[timem:s3], [sflag:s2] =	dma.local @!p0 [hbm:s0], s1  }
0x22a: {  	s0 =	simm.s32 @!p0 $0x2  }
0x22b: {  	_ =	swait.ge @!p0 [sflag:s0], s1  }
0x22c: {  	s1 =	ssub.s32 @!p0 $0x0, s1;
	[sflag:s0] =	ssyncset.done @!p0 $0x0  }
0x22d: {  	[sflag:s0] =	ssyncadd.s32 @!p0 s1  }
0x22e: {  	[bflag:$0x3] =	sbarrier.arrive $0xFFFF  }
0x22f: {  	_ =	shalt  }

</sc_bundles>
